<compile_context>
chip_gen: v7x
topology: tpu7x:2x2x1
jax: 0.10.2.dev20260603
libtpu: 0.0.44.dev20260713+nightly
codegen_flags: <defaults>
</compile_context>

<pallas_src>
import functools

import jax
import jax.numpy as jnp
from jax import lax
from jax.experimental import pallas as pl
from jax.experimental.pallas import tpu as pltpu
from jax.experimental.pallas import tpu_sc as plsc

_RADIUS = 0.15

_B, _C, _N, _K = 4, 64, 2048, 9
_IB = 256
_NW = 32
_PC = 64
_RPC = _PC * _K
_G = 96


def _make_octant_body(b_off):
    def _octant_body(pcst_ref, pcsi_ref, out_ref):
        b = pl.program_id(0)
        i = pl.program_id(1)
        n = pcst_ref.shape[2]
        ib = pcsi_ref.shape[1]
        xj = pcst_ref[0, 0:1, :]
        yj = pcst_ref[0, 1:2, :]
        zj = pcst_ref[0, 2:3, :]
        xi = pcsi_ref[0, :, 0:1]
        yi = pcsi_ref[0, :, 1:2]
        zi = pcsi_ref[0, :, 2:3]
        dx = xj - xi
        dy = yj - yi
        dz = zj - zi
        d2 = dx * dx + dy * dy + dz * dz
        inf = jnp.float32(jnp.inf)
        valid = (d2 <= jnp.float32(_RADIUS * _RADIUS)) & (d2 > 0.0)
        d2v = jnp.where(valid, d2, inf)
        mx = dx >= 0.0
        my = dy >= 0.0
        mz = dz >= 0.0
        oct_id = (mx.astype(jnp.int32) * 4 + my.astype(jnp.int32) * 2
                  + mz.astype(jnp.int32))
        jidx = lax.broadcasted_iota(jnp.int32, (ib, n), 1).astype(jnp.float32)
        iself = ((i * ib) + lax.broadcasted_iota(jnp.int32, (ib, 1), 0)
                 ).astype(jnp.float32)
        base = jnp.float32(n * _K) * (b + b_off).astype(jnp.float32)
        cols = [base + iself * _K]
        for o in range(8):
            d_o = jnp.where(oct_id == o, d2v, inf)
            mn = jnp.min(d_o, axis=1, keepdims=True)
            cand = jnp.where(d_o == mn, jidx, jnp.float32(n))
            nn = jnp.min(cand, axis=1, keepdims=True)
            pick = jnp.where(mn < inf, nn, iself)
            cols.append(base + pick * _K + (o + 1))
        out_ref[0] = jnp.concatenate(cols, axis=1).astype(jnp.int32)
    return _octant_body


def _table_body(x_ref, w2_ref, b2_ref, t_ref):
    t = lax.dot_general(x_ref[0], w2_ref[...], (((0,), (0,)), ((), ())),
                        preferred_element_type=jnp.float32)
    t_ref[0] = t + b2_ref[...]


def _make_sc_gather_body(pt):
    def _sc_gather_body(gidx_hbm, table_hbm, out_hbm, gidx_v, buf_v, out_v,
                        sem):
        wid = lax.axis_index("s") * 2 + lax.axis_index("c")
        q0 = wid * pt
        pltpu.sync_copy(gidx_hbm.at[pl.ds(q0 * _K, pt * _K)], gidx_v)
        for ch in range(pt // _PC):
            descs = []
            for g in range(_RPC // _G):
                idx_ref = gidx_v.at[pl.ds(ch * _RPC + g * _G, _G)]
                descs.append(pltpu.async_copy(
                    table_hbm.at[idx_ref], buf_v.at[pl.ds(g * _G, _G)], sem))
            for d in descs:
                d.wait()

            def acc_body(p, carry):
                for c in range(_C // 16):
                    v = buf_v[p * _K, pl.ds(c * 16, 16)]
                    for k in range(1, _K):
                        v = v + buf_v[p * _K + k, pl.ds(c * 16, 16)]
                    out_v[p, pl.ds(c * 16, 16)] = v
                return carry

            lax.fori_loop(0, _PC, acc_body, 0)
            pltpu.sync_copy(out_v, out_hbm.at[pl.ds(q0 + ch * _PC, _PC)])
    return _sc_gather_body


def _octant_call(pcst, pcs, b_off):
    bh, _, n = pcst.shape
    return pl.pallas_call(
        _make_octant_body(b_off),
        grid=(bh, n // _IB),
        in_specs=[
            pl.BlockSpec((1, 3, n), lambda b_, i: (b_, 0, 0)),
            pl.BlockSpec((1, _IB, 3), lambda b_, i: (b_, i, 0)),
        ],
        out_specs=pl.BlockSpec((1, _IB, _K), lambda b_, i: (b_, i, 0)),
        out_shape=jax.ShapeDtypeStruct((bh, n, _K), jnp.int32),
    )(pcst, pcs)


def _sc_call(gidx_flat, table_rows):
    npts = gidx_flat.shape[0] // _K
    pt = npts // _NW
    mesh = plsc.VectorSubcoreMesh(core_axis_name="c", subcore_axis_name="s",
                                  num_cores=2, num_subcores=16)
    return pl.kernel(
        _make_sc_gather_body(pt),
        out_type=jax.ShapeDtypeStruct((npts, _C), jnp.float32),
        mesh=mesh,
        scratch_types=[
            pltpu.VMEM((pt * _K,), jnp.int32),
            pltpu.VMEM((_RPC, _C), jnp.float32),
            pltpu.VMEM((_PC, _C), jnp.float32),
            pltpu.SemaphoreType.DMA,
        ],
        compiler_params=pltpu.CompilerParams(use_tc_tiling_on_sc=False),
    )(gidx_flat, table_rows)


def kernel(x, pcs, W, b):
    B, C, N = x.shape
    K = _K
    pcst = pcs.transpose(0, 2, 1)
    w2 = W[:, :, 0, :].transpose(1, 2, 0).reshape(C, K * C)
    b2 = jnp.concatenate([b, jnp.zeros((8 * C,), jnp.float32)])[None, :]

    table = pl.pallas_call(
        _table_body,
        grid=(B,),
        in_specs=[
            pl.BlockSpec((1, C, N), lambda b_: (b_, 0, 0)),
            pl.BlockSpec((C, K * C), lambda b_: (0, 0)),
            pl.BlockSpec((1, K * C), lambda b_: (0, 0)),
        ],
        out_specs=pl.BlockSpec((1, N, K * C), lambda b_: (b_, 0, 0)),
        out_shape=jax.ShapeDtypeStruct((B, N, K * C), jnp.float32),
    )(x, w2, b2)
    table_rows = table.reshape(B * N * K, C)

    hb = B // 2
    gidx0 = _octant_call(pcst[:hb], pcs[:hb], 0)
    out0 = _sc_call(gidx0.reshape(hb * N * K), table_rows)
    gidx1 = _octant_call(pcst[hb:], pcs[hb:], hb)
    out1 = _sc_call(gidx1.reshape(hb * N * K), table_rows)

    out2d = jnp.concatenate([out0, out1], axis=0)
    return out2d.reshape(B, N, C).transpose(0, 2, 1)

# --- scband reference (transcript-rebuilt; emitter-appended) ---
"""Pipeline reference for scband-point-conv2-53343493816566 (READ-ONLY COPY).

The authoritative reference and input builder live on the scoring server;
editing this copy changes nothing except your own understanding.
"""

import jax, jax.numpy as jnp
import numpy as np

RADIUS = 0.15

def octant_query(pcs, radius):
    # pcs: [B, N, 3] -> idx: [B, N, 9] (self + nearest neighbor within radius in each of 8 octants)
    def per_batch(p):
        N = p.shape[0]
        diff = p[None, :, :] - p[:, None, :]  # [N, N, 3], neighbor minus center
        dist2 = jnp.sum(diff * diff, axis=-1)  # [N, N]
        oct_id = ((diff[..., 0] >= 0).astype(jnp.int32) * 4
                  + (diff[..., 1] >= 0).astype(jnp.int32) * 2
                  + (diff[..., 2] >= 0).astype(jnp.int32))  # [N, N] in [0, 8)
        valid = (dist2 <= radius * radius) & (dist2 > 0.0)
        self_idx = jnp.arange(N)
        cols = [self_idx[:, None]]
        for o in range(8):
            mask = valid & (oct_id == o)
            d = jnp.where(mask, dist2, jnp.inf)
            nn_idx = jnp.argmin(d, axis=-1)
            has = jnp.any(mask, axis=-1)
            cols.append(jnp.where(has, nn_idx, self_idx)[:, None])
        return jnp.concatenate(cols, axis=-1)  # [N, 9]
    return jax.vmap(per_batch)(pcs)

def gather_points(x, idx):
    # x: [B, C, N], idx: [B, M] -> [B, C, M]
    return jnp.take_along_axis(x, idx[:, None, :], axis=2)

def setup_inputs(seed: int = 0):
    key = jax.random.key(seed)
    k1, k2, k3 = jax.random.split(key, 3)
    B, C_in, C_out, N = 4, 64, 64, 2048
    x = jax.random.normal(k1, (B, C_in, N), dtype=jnp.float32)
    pcs = jax.random.uniform(k2, (B, N, 3), dtype=jnp.float32)
    # xavier_uniform for Conv2d weight [C_out, C_in, 1, 9]
    fan_in = C_in * 1 * 9
    fan_out = C_out * 1 * 9
    limit = (6.0 / (fan_in + fan_out)) ** 0.5
    W = jax.random.uniform(k3, (C_out, C_in, 1, 9), minval=-limit, maxval=limit, dtype=jnp.float32)
    b = jnp.zeros((C_out,), dtype=jnp.float32)
    return {"x": x, "pcs": pcs, "W": W, "b": b}

def reference(x, pcs, W, b):
    # octant_idx: [B, N, 9] (OctantQuery(radius, 1) output squeezed on last dim)
    octant_idx = octant_query(pcs, RADIUS)
    B, N, K = octant_idx.shape
    C = x.shape[1]
    grouped_x = gather_points(x, octant_idx.reshape(B, N * K))  # [B, C, N*9]
    grouped_x = grouped_x.reshape(B, C, N, K)  # [B, C, N, 9]
    # Conv2d(in, out, kernel=[1,9]) over [B, C, N, 9] -> [B, C_out, N, 1], then squeeze(-1)
    out = jnp.einsum('bcnk,ock->bon', grouped_x, W[:, :, 0, :]) + b[None, :, None]
    return out

if __name__ == "__main__":
    import jax
    _d = setup_inputs()
    print(jax.jit(kernel)(*tuple(_d.values())))

</pallas_src>

<mosaic_0001>
#map = affine_map<(d0, d1) -> (0)>
#map1 = affine_map<(d0, d1) -> (0, 0)>
module attributes {stable_mosaic.version = 14 : i64} {
  func.func @_sc_gather_body(%arg0: i32, %arg1: i32, %arg2: memref<36864xi32, #tpu.memory_space<hbm>>, %arg3: memref<73728x64xf32, #tpu.memory_space<hbm>>, %arg4: memref<4096x64xf32, #tpu.memory_space<hbm>>, %arg5: memref<1152xi32, #tpu.memory_space<vmem>>, %arg6: memref<576x64xf32, #tpu.memory_space<vmem>>, %arg7: memref<64x64xf32, #tpu.memory_space<vmem>>, %arg8: memref<!tpu.dma_semaphore, #tpu.memory_space<semaphore_mem>>) attributes {dimension_semantics = [#tpu.dimension_semantics<core_parallel>, #tpu.dimension_semantics<subcore_parallel>], iteration_bounds = array<i64: 2, 16>, scalar_prefetch = 0 : i64, scratch_operands = 4 : i64, tpu.core_type = #tpu.core_type<sc_vector_subcore>, window_params = [{transform_indices = #map}, {transform_indices = #map1}, {transform_indices = #map1}]} {
    %mul3A = arith.constant 2 : i32
    %mul3A_0 = arith.muli %arg1, %mul3A : i32
    %add3A = arith.addi %mul3A_0, %arg0 : i32
    %mul3A_1 = arith.constant 128 : i32
    %mul3A_2 = arith.muli %add3A, %mul3A_1 : i32
    %mul3A_3 = arith.constant 9 : i32
    %mul3A_4 = arith.muli %mul3A_2, %mul3A_3 : i32
    "tpu.region"() ({
      %run_scoped3A = tpu.sem_alloc : memref<!tpu.dma_semaphore, #tpu.memory_space<semaphore_mem>>
      %dma_start3A_210 = tpu.memref_slice %arg2[%mul3A_4] : memref<36864xi32, #tpu.memory_space<hbm>> -> memref<1152xi32, #tpu.memory_space<hbm>>
      %dma_start3A_211 = tpu.memref_slice %arg2[%mul3A_4] : memref<36864xi32, #tpu.memory_space<hbm>> -> memref<1152xi32, #tpu.memory_space<hbm>>
      tpu.enqueue_dma source(%dma_start3A_211 : memref<1152xi32, #tpu.memory_space<hbm>>) target(%arg5 : memref<1152xi32, #tpu.memory_space<vmem>>) target_semaphore(%run_scoped3A : memref<!tpu.dma_semaphore, #tpu.memory_space<semaphore_mem>>)
      %dma_wait3A_212 = tpu.memref_slice %arg2[%mul3A_4] : memref<36864xi32, #tpu.memory_space<hbm>> -> memref<1152xi32, #tpu.memory_space<hbm>>
      %dma_wait3A_213 = tpu.memref_slice %arg2[%mul3A_4] : memref<36864xi32, #tpu.memory_space<hbm>> -> memref<1152xi32, #tpu.memory_space<hbm>>
      tpu.wait_dma2 semaphore(%run_scoped3A : memref<!tpu.dma_semaphore, #tpu.memory_space<semaphore_mem>>) src(%dma_wait3A_213 : memref<1152xi32, #tpu.memory_space<hbm>>) dst(%arg5 : memref<1152xi32, #tpu.memory_space<vmem>>)
      tpu.yield
    }) : () -> ()
    %dma_start3A = arith.constant 0 : i32
    %dma_start3A_5 = arith.constant 0 : i32
    %dma_start3A_6 = tpu.memref_slice %arg6[%dma_start3A, %dma_start3A_5] : memref<576x64xf32, #tpu.memory_space<vmem>> -> memref<96x64xf32, #tpu.memory_space<vmem>>
    %dma_start3A_7 = arith.constant 0 : i32
    %dma_start3A_8 = tpu.memref_slice %arg5[%dma_start3A_7] : memref<1152xi32, #tpu.memory_space<vmem>> -> memref<96xi32, #tpu.memory_space<vmem>>
    %dma_start3A_9 = arith.constant 0 : i32
    %dma_start3A_10 = arith.constant 0 : i32
    %dma_start3A_11 = tpu.memref_slice %arg3[%dma_start3A_9, %dma_start3A_10] : memref<73728x64xf32, #tpu.memory_space<hbm>> -> memref<73728x64xf32, #tpu.memory_space<hbm>>
    tpu.enqueue_indirect_dma source(%dma_start3A_11 : memref<73728x64xf32, #tpu.memory_space<hbm>>) target(%dma_start3A_6 : memref<96x64xf32, #tpu.memory_space<vmem>>) offsets(%dma_start3A_8 : memref<96xi32, #tpu.memory_space<vmem>>) semaphore(%arg8 : memref<!tpu.dma_semaphore, #tpu.memory_space<semaphore_mem>>)
    %dma_start3A_12 = arith.constant 96 : i32
    %dma_start3A_13 = arith.constant 0 : i32
    %dma_start3A_14 = tpu.memref_slice %arg6[%dma_start3A_12, %dma_start3A_13] : memref<576x64xf32, #tpu.memory_space<vmem>> -> memref<96x64xf32, #tpu.memory_space<vmem>>
    %dma_start3A_15 = arith.constant 96 : i32
    %dma_start3A_16 = tpu.memref_slice %arg5[%dma_start3A_15] : memref<1152xi32, #tpu.memory_space<vmem>> -> memref<96xi32, #tpu.memory_space<vmem>>
    %dma_start3A_17 = arith.constant 0 : i32
    %dma_start3A_18 = arith.constant 0 : i32
    %dma_start3A_19 = tpu.memref_slice %arg3[%dma_start3A_17, %dma_start3A_18] : memref<73728x64xf32, #tpu.memory_space<hbm>> -> memref<73728x64xf32, #tpu.memory_space<hbm>>
    tpu.enqueue_indirect_dma source(%dma_start3A_19 : memref<73728x64xf32, #tpu.memory_space<hbm>>) target(%dma_start3A_14 : memref<96x64xf32, #tpu.memory_space<vmem>>) offsets(%dma_start3A_16 : memref<96xi32, #tpu.memory_space<vmem>>) semaphore(%arg8 : memref<!tpu.dma_semaphore, #tpu.memory_space<semaphore_mem>>)
    %dma_start3A_20 = arith.constant 192 : i32
    %dma_start3A_21 = arith.constant 0 : i32
    %dma_start3A_22 = tpu.memref_slice %arg6[%dma_start3A_20, %dma_start3A_21] : memref<576x64xf32, #tpu.memory_space<vmem>> -> memref<96x64xf32, #tpu.memory_space<vmem>>
    %dma_start3A_23 = arith.constant 192 : i32
    %dma_start3A_24 = tpu.memref_slice %arg5[%dma_start3A_23] : memref<1152xi32, #tpu.memory_space<vmem>> -> memref<96xi32, #tpu.memory_space<vmem>>
    %dma_start3A_25 = arith.constant 0 : i32
    %dma_start3A_26 = arith.constant 0 : i32
    %dma_start3A_27 = tpu.memref_slice %arg3[%dma_start3A_25, %dma_start3A_26] : memref<73728x64xf32, #tpu.memory_space<hbm>> -> memref<73728x64xf32, #tpu.memory_space<hbm>>
    tpu.enqueue_indirect_dma source(%dma_start3A_27 : memref<73728x64xf32, #tpu.memory_space<hbm>>) target(%dma_start3A_22 : memref<96x64xf32, #tpu.memory_space<vmem>>) offsets(%dma_start3A_24 : memref<96xi32, #tpu.memory_space<vmem>>) semaphore(%arg8 : memref<!tpu.dma_semaphore, #tpu.memory_space<semaphore_mem>>)
    %dma_start3A_28 = arith.constant 288 : i32
    %dma_start3A_29 = arith.constant 0 : i32
    %dma_start3A_30 = tpu.memref_slice %arg6[%dma_start3A_28, %dma_start3A_29] : memref<576x64xf32, #tpu.memory_space<vmem>> -> memref<96x64xf32, #tpu.memory_space<vmem>>
    %dma_start3A_31 = arith.constant 288 : i32
    %dma_start3A_32 = tpu.memref_slice %arg5[%dma_start3A_31] : memref<1152xi32, #tpu.memory_space<vmem>> -> memref<96xi32, #tpu.memory_space<vmem>>
    %dma_start3A_33 = arith.constant 0 : i32
    %dma_start3A_34 = arith.constant 0 : i32
    %dma_start3A_35 = tpu.memref_slice %arg3[%dma_start3A_33, %dma_start3A_34] : memref<73728x64xf32, #tpu.memory_space<hbm>> -> memref<73728x64xf32, #tpu.memory_space<hbm>>
    tpu.enqueue_indirect_dma source(%dma_start3A_35 : memref<73728x64xf32, #tpu.memory_space<hbm>>) target(%dma_start3A_30 : memref<96x64xf32, #tpu.memory_space<vmem>>) offsets(%dma_start3A_32 : memref<96xi32, #tpu.memory_space<vmem>>) semaphore(%arg8 : memref<!tpu.dma_semaphore, #tpu.memory_space<semaphore_mem>>)
    %dma_start3A_36 = arith.constant 384 : i32
    %dma_start3A_37 = arith.constant 0 : i32
    %dma_start3A_38 = tpu.memref_slice %arg6[%dma_start3A_36, %dma_start3A_37] : memref<576x64xf32, #tpu.memory_space<vmem>> -> memref<96x64xf32, #tpu.memory_space<vmem>>
    %dma_start3A_39 = arith.constant 384 : i32
    %dma_start3A_40 = tpu.memref_slice %arg5[%dma_start3A_39] : memref<1152xi32, #tpu.memory_space<vmem>> -> memref<96xi32, #tpu.memory_space<vmem>>
    %dma_start3A_41 = arith.constant 0 : i32
    %dma_start3A_42 = arith.constant 0 : i32
    %dma_start3A_43 = tpu.memref_slice %arg3[%dma_start3A_41, %dma_start3A_42] : memref<73728x64xf32, #tpu.memory_space<hbm>> -> memref<73728x64xf32, #tpu.memory_space<hbm>>
    tpu.enqueue_indirect_dma source(%dma_start3A_43 : memref<73728x64xf32, #tpu.memory_space<hbm>>) target(%dma_start3A_38 : memref<96x64xf32, #tpu.memory_space<vmem>>) offsets(%dma_start3A_40 : memref<96xi32, #tpu.memory_space<vmem>>) semaphore(%arg8 : memref<!tpu.dma_semaphore, #tpu.memory_space<semaphore_mem>>)
    %dma_start3A_44 = arith.constant 480 : i32
    %dma_start3A_45 = arith.constant 0 : i32
    %dma_start3A_46 = tpu.memref_slice %arg6[%dma_start3A_44, %dma_start3A_45] : memref<576x64xf32, #tpu.memory_space<vmem>> -> memref<96x64xf32, #tpu.memory_space<vmem>>
    %dma_start3A_47 = arith.constant 480 : i32
    %dma_start3A_48 = tpu.memref_slice %arg5[%dma_start3A_47] : memref<1152xi32, #tpu.memory_space<vmem>> -> memref<96xi32, #tpu.memory_space<vmem>>
    %dma_start3A_49 = arith.constant 0 : i32
    %dma_start3A_50 = arith.constant 0 : i32
    %dma_start3A_51 = tpu.memref_slice %arg3[%dma_start3A_49, %dma_start3A_50] : memref<73728x64xf32, #tpu.memory_space<hbm>> -> memref<73728x64xf32, #tpu.memory_space<hbm>>
    tpu.enqueue_indirect_dma source(%dma_start3A_51 : memref<73728x64xf32, #tpu.memory_space<hbm>>) target(%dma_start3A_46 : memref<96x64xf32, #tpu.memory_space<vmem>>) offsets(%dma_start3A_48 : memref<96xi32, #tpu.memory_space<vmem>>) semaphore(%arg8 : memref<!tpu.dma_semaphore, #tpu.memory_space<semaphore_mem>>)
    %dma_wait3A = arith.constant 0 : i32
    %dma_wait3A_52 = arith.constant 0 : i32
    %dma_wait3A_53 = tpu.memref_slice %arg6[%dma_wait3A, %dma_wait3A_52] : memref<576x64xf32, #tpu.memory_space<vmem>> -> memref<96x64xf32, #tpu.memory_space<vmem>>
    %dma_wait3A_54 = arith.constant 0 : i32
    %dma_wait3A_55 = tpu.memref_slice %arg5[%dma_wait3A_54] : memref<1152xi32, #tpu.memory_space<vmem>> -> memref<96xi32, #tpu.memory_space<vmem>>
    %dma_wait3A_56 = arith.constant 0 : i32
    %dma_wait3A_57 = arith.constant 0 : i32
    %dma_wait3A_58 = tpu.memref_slice %arg3[%dma_wait3A_56, %dma_wait3A_57] : memref<73728x64xf32, #tpu.memory_space<hbm>> -> memref<73728x64xf32, #tpu.memory_space<hbm>>
    tpu.wait_indirect_dma semaphore(%arg8 : memref<!tpu.dma_semaphore, #tpu.memory_space<semaphore_mem>>) src(%dma_wait3A_58 : memref<73728x64xf32, #tpu.memory_space<hbm>>) dst(%dma_wait3A_53 : memref<96x64xf32, #tpu.memory_space<vmem>>)
    %dma_wait3A_59 = arith.constant 96 : i32
    %dma_wait3A_60 = arith.constant 0 : i32
    %dma_wait3A_61 = tpu.memref_slice %arg6[%dma_wait3A_59, %dma_wait3A_60] : memref<576x64xf32, #tpu.memory_space<vmem>> -> memref<96x64xf32, #tpu.memory_space<vmem>>
    %dma_wait3A_62 = arith.constant 96 : i32
    %dma_wait3A_63 = tpu.memref_slice %arg5[%dma_wait3A_62] : memref<1152xi32, #tpu.memory_space<vmem>> -> memref<96xi32, #tpu.memory_space<vmem>>
    %dma_wait3A_64 = arith.constant 0 : i32
    %dma_wait3A_65 = arith.constant 0 : i32
    %dma_wait3A_66 = tpu.memref_slice %arg3[%dma_wait3A_64, %dma_wait3A_65] : memref<73728x64xf32, #tpu.memory_space<hbm>> -> memref<73728x64xf32, #tpu.memory_space<hbm>>
    tpu.wait_indirect_dma semaphore(%arg8 : memref<!tpu.dma_semaphore, #tpu.memory_space<semaphore_mem>>) src(%dma_wait3A_66 : memref<73728x64xf32, #tpu.memory_space<hbm>>) dst(%dma_wait3A_61 : memref<96x64xf32, #tpu.memory_space<vmem>>)
    %dma_wait3A_67 = arith.constant 192 : i32
    %dma_wait3A_68 = arith.constant 0 : i32
    %dma_wait3A_69 = tpu.memref_slice %arg6[%dma_wait3A_67, %dma_wait3A_68] : memref<576x64xf32, #tpu.memory_space<vmem>> -> memref<96x64xf32, #tpu.memory_space<vmem>>
    %dma_wait3A_70 = arith.constant 192 : i32
    %dma_wait3A_71 = tpu.memref_slice %arg5[%dma_wait3A_70] : memref<1152xi32, #tpu.memory_space<vmem>> -> memref<96xi32, #tpu.memory_space<vmem>>
    %dma_wait3A_72 = arith.constant 0 : i32
    %dma_wait3A_73 = arith.constant 0 : i32
    %dma_wait3A_74 = tpu.memref_slice %arg3[%dma_wait3A_72, %dma_wait3A_73] : memref<73728x64xf32, #tpu.memory_space<hbm>> -> memref<73728x64xf32, #tpu.memory_space<hbm>>
    tpu.wait_indirect_dma semaphore(%arg8 : memref<!tpu.dma_semaphore, #tpu.memory_space<semaphore_mem>>) src(%dma_wait3A_74 : memref<73728x64xf32, #tpu.memory_space<hbm>>) dst(%dma_wait3A_69 : memref<96x64xf32, #tpu.memory_space<vmem>>)
    %dma_wait3A_75 = arith.constant 288 : i32
    %dma_wait3A_76 = arith.constant 0 : i32
    %dma_wait3A_77 = tpu.memref_slice %arg6[%dma_wait3A_75, %dma_wait3A_76] : memref<576x64xf32, #tpu.memory_space<vmem>> -> memref<96x64xf32, #tpu.memory_space<vmem>>
    %dma_wait3A_78 = arith.constant 288 : i32
    %dma_wait3A_79 = tpu.memref_slice %arg5[%dma_wait3A_78] : memref<1152xi32, #tpu.memory_space<vmem>> -> memref<96xi32, #tpu.memory_space<vmem>>
    %dma_wait3A_80 = arith.constant 0 : i32
    %dma_wait3A_81 = arith.constant 0 : i32
    %dma_wait3A_82 = tpu.memref_slice %arg3[%dma_wait3A_80, %dma_wait3A_81] : memref<73728x64xf32, #tpu.memory_space<hbm>> -> memref<73728x64xf32, #tpu.memory_space<hbm>>
    tpu.wait_indirect_dma semaphore(%arg8 : memref<!tpu.dma_semaphore, #tpu.memory_space<semaphore_mem>>) src(%dma_wait3A_82 : memref<73728x64xf32, #tpu.memory_space<hbm>>) dst(%dma_wait3A_77 : memref<96x64xf32, #tpu.memory_space<vmem>>)
    %dma_wait3A_83 = arith.constant 384 : i32
    %dma_wait3A_84 = arith.constant 0 : i32
    %dma_wait3A_85 = tpu.memref_slice %arg6[%dma_wait3A_83, %dma_wait3A_84] : memref<576x64xf32, #tpu.memory_space<vmem>> -> memref<96x64xf32, #tpu.memory_space<vmem>>
    %dma_wait3A_86 = arith.constant 384 : i32
    %dma_wait3A_87 = tpu.memref_slice %arg5[%dma_wait3A_86] : memref<1152xi32, #tpu.memory_space<vmem>> -> memref<96xi32, #tpu.memory_space<vmem>>
    %dma_wait3A_88 = arith.constant 0 : i32
    %dma_wait3A_89 = arith.constant 0 : i32
    %dma_wait3A_90 = tpu.memref_slice %arg3[%dma_wait3A_88, %dma_wait3A_89] : memref<73728x64xf32, #tpu.memory_space<hbm>> -> memref<73728x64xf32, #tpu.memory_space<hbm>>
    tpu.wait_indirect_dma semaphore(%arg8 : memref<!tpu.dma_semaphore, #tpu.memory_space<semaphore_mem>>) src(%dma_wait3A_90 : memref<73728x64xf32, #tpu.memory_space<hbm>>) dst(%dma_wait3A_85 : memref<96x64xf32, #tpu.memory_space<vmem>>)
    %dma_wait3A_91 = arith.constant 480 : i32
    %dma_wait3A_92 = arith.constant 0 : i32
    %dma_wait3A_93 = tpu.memref_slice %arg6[%dma_wait3A_91, %dma_wait3A_92] : memref<576x64xf32, #tpu.memory_space<vmem>> -> memref<96x64xf32, #tpu.memory_space<vmem>>
    %dma_wait3A_94 = arith.constant 480 : i32
    %dma_wait3A_95 = tpu.memref_slice %arg5[%dma_wait3A_94] : memref<1152xi32, #tpu.memory_space<vmem>> -> memref<96xi32, #tpu.memory_space<vmem>>
    %dma_wait3A_96 = arith.constant 0 : i32
    %dma_wait3A_97 = arith.constant 0 : i32
    %dma_wait3A_98 = tpu.memref_slice %arg3[%dma_wait3A_96, %dma_wait3A_97] : memref<73728x64xf32, #tpu.memory_space<hbm>> -> memref<73728x64xf32, #tpu.memory_space<hbm>>
    tpu.wait_indirect_dma semaphore(%arg8 : memref<!tpu.dma_semaphore, #tpu.memory_space<semaphore_mem>>) src(%dma_wait3A_98 : memref<73728x64xf32, #tpu.memory_space<hbm>>) dst(%dma_wait3A_93 : memref<96x64xf32, #tpu.memory_space<vmem>>)
    %scan3A = arith.constant 0 : i32
    %scan3A_99 = arith.constant 0 : i32
    %scan3A_100 = arith.constant 64 : i32
    %scan3A_101 = arith.addi %scan3A_99, %scan3A_100 : i32
    %scan3A_102 = arith.constant 1 : i32
    scf.for %scan3A_210 = %scan3A_99 to %scan3A_101 step %scan3A_102  : i32 {
      %mul3A_211 = arith.constant 9 : i32
      %mul3A_212 = arith.muli %scan3A_210, %mul3A_211 : i32
      %get3A = arith.index_cast %mul3A_212 : i32 to index
      %get3A_213 = arith.constant 0 : index
      %get3A_214 = tpu.vector_load %arg6[%get3A, %get3A_213] {strides = array<i32>} : memref<576x64xf32, #tpu.memory_space<vmem>>, vector<1x16xf32>,
      %get3A_215 = vector.shape_cast %get3A_214 : vector<1x16xf32> to vector<16xf32>
      %mul3A_216 = arith.constant 9 : i32
      %mul3A_217 = arith.muli %scan3A_210, %mul3A_216 : i32
      %add3A_218 = arith.constant 1 : i32
      %add3A_219 = arith.addi %mul3A_217, %add3A_218 : i32
      %get3A_220 = arith.index_cast %add3A_219 : i32 to index
      %get3A_221 = arith.constant 0 : index
      %get3A_222 = tpu.vector_load %arg6[%get3A_220, %get3A_221] {strides = array<i32>} : memref<576x64xf32, #tpu.memory_space<vmem>>, vector<1x16xf32>,
      %get3A_223 = vector.shape_cast %get3A_222 : vector<1x16xf32> to vector<16xf32>
      %add3A_224 = arith.addf %get3A_215, %get3A_223 : vector<16xf32>
      %mul3A_225 = arith.constant 9 : i32
      %mul3A_226 = arith.muli %scan3A_210, %mul3A_225 : i32
      %add3A_227 = arith.constant 2 : i32
      %add3A_228 = arith.addi %mul3A_226, %add3A_227 : i32
      %get3A_229 = arith.index_cast %add3A_228 : i32 to index
      %get3A_230 = arith.constant 0 : index
      %get3A_231 = tpu.vector_load %arg6[%get3A_229, %get3A_230] {strides = array<i32>} : memref<576x64xf32, #tpu.memory_space<vmem>>, vector<1x16xf32>,
      %get3A_232 = vector.shape_cast %get3A_231 : vector<1x16xf32> to vector<16xf32>
      %add3A_233 = arith.addf %add3A_224, %get3A_232 : vector<16xf32>
      %mul3A_234 = arith.constant 9 : i32
      %mul3A_235 = arith.muli %scan3A_210, %mul3A_234 : i32
      %add3A_236 = arith.constant 3 : i32
      %add3A_237 = arith.addi %mul3A_235, %add3A_236 : i32
      %get3A_238 = arith.index_cast %add3A_237 : i32 to index
      %get3A_239 = arith.constant 0 : index
      %get3A_240 = tpu.vector_load %arg6[%get3A_238, %get3A_239] {strides = array<i32>} : memref<576x64xf32, #tpu.memory_space<vmem>>, vector<1x16xf32>,
      %get3A_241 = vector.shape_cast %get3A_240 : vector<1x16xf32> to vector<16xf32>
      %add3A_242 = arith.addf %add3A_233, %get3A_241 : vector<16xf32>
      %mul3A_243 = arith.constant 9 : i32
      %mul3A_244 = arith.muli %scan3A_210, %mul3A_243 : i32
      %add3A_245 = arith.constant 4 : i32
      %add3A_246 = arith.addi %mul3A_244, %add3A_245 : i32
      %get3A_247 = arith.index_cast %add3A_246 : i32 to index
      %get3A_248 = arith.constant 0 : index
      %get3A_249 = tpu.vector_load %arg6[%get3A_247, %get3A_248] {strides = array<i32>} : memref<576x64xf32, #tpu.memory_space<vmem>>, vector<1x16xf32>,
      %get3A_250 = vector.shape_cast %get3A_249 : vector<1x16xf32> to vector<16xf32>
      %add3A_251 = arith.addf %add3A_242, %get3A_250 : vector<16xf32>
      %mul3A_252 = arith.constant 9 : i32
      %mul3A_253 = arith.muli %scan3A_210, %mul3A_252 : i32
      %add3A_254 = arith.constant 5 : i32
      %add3A_255 = arith.addi %mul3A_253, %add3A_254 : i32
      %get3A_256 = arith.index_cast %add3A_255 : i32 to index
      %get3A_257 = arith.constant 0 : index
      %get3A_258 = tpu.vector_load %arg6[%get3A_256, %get3A_257] {strides = array<i32>} : memref<576x64xf32, #tpu.memory_space<vmem>>, vector<1x16xf32>,
      %get3A_259 = vector.shape_cast %get3A_258 : vector<1x16xf32> to vector<16xf32>
      %add3A_260 = arith.addf %add3A_251, %get3A_259 : vector<16xf32>
      %mul3A_261 = arith.constant 9 : i32
      %mul3A_262 = arith.muli %scan3A_210, %mul3A_261 : i32
      %add3A_263 = arith.constant 6 : i32
      %add3A_264 = arith.addi %mul3A_262, %add3A_263 : i32
      %get3A_265 = arith.index_cast %add3A_264 : i32 to index
      %get3A_266 = arith.constant 0 : index
      %get3A_267 = tpu.vector_load %arg6[%get3A_265, %get3A_266] {strides = array<i32>} : memref<576x64xf32, #tpu.memory_space<vmem>>, vector<1x16xf32>,
      %get3A_268 = vector.shape_cast %get3A_267 : vector<1x16xf32> to vector<16xf32>
      %add3A_269 = arith.addf %add3A_260, %get3A_268 : vector<16xf32>
      %mul3A_270 = arith.constant 9 : i32
      %mul3A_271 = arith.muli %scan3A_210, %mul3A_270 : i32
      %add3A_272 = arith.constant 7 : i32
      %add3A_273 = arith.addi %mul3A_271, %add3A_272 : i32
      %get3A_274 = arith.index_cast %add3A_273 : i32 to index
      %get3A_275 = arith.constant 0 : index
      %get3A_276 = tpu.vector_load %arg6[%get3A_274, %get3A_275] {strides = array<i32>} : memref<576x64xf32, #tpu.memory_space<vmem>>, vector<1x16xf32>,
      %get3A_277 = vector.shape_cast %get3A_276 : vector<1x16xf32> to vector<16xf32>
      %add3A_278 = arith.addf %add3A_269, %get3A_277 : vector<16xf32>
      %mul3A_279 = arith.constant 9 : i32
      %mul3A_280 = arith.muli %scan3A_210, %mul3A_279 : i32
      %add3A_281 = arith.constant 8 : i32
      %add3A_282 = arith.addi %mul3A_280, %add3A_281 : i32
      %get3A_283 = arith.index_cast %add3A_282 : i32 to index
      %get3A_284 = arith.constant 0 : index
      %get3A_285 = tpu.vector_load %arg6[%get3A_283, %get3A_284] {strides = array<i32>} : memref<576x64xf32, #tpu.memory_space<vmem>>, vector<1x16xf32>,
      %get3A_286 = vector.shape_cast %get3A_285 : vector<1x16xf32> to vector<16xf32>
      %add3A_287 = arith.addf %add3A_278, %get3A_286 : vector<16xf32>
      %swap3A = arith.index_cast %scan3A_210 : i32 to index
      %swap3A_288 = arith.constant 0 : index
      %swap3A_289 = tpu.vector_load %arg7[%swap3A, %swap3A_288] {strides = array<i32>} : memref<64x64xf32, #tpu.memory_space<vmem>>, vector<1x16xf32>,
      %swap3A_290 = vector.shape_cast %swap3A_289 : vector<1x16xf32> to vector<16xf32>
      %swap3A_291 = vector.shape_cast %add3A_287 : vector<16xf32> to vector<1x16xf32>
      tpu.vector_store %arg7[%swap3A, %swap3A_288], %swap3A_291 {strides = array<i32>} : memref<64x64xf32, #tpu.memory_space<vmem>>, vector<1x16xf32>,
      %mul3A_292 = arith.constant 9 : i32
      %mul3A_293 = arith.muli %scan3A_210, %mul3A_292 : i32
      %get3A_294 = arith.index_cast %mul3A_293 : i32 to index
      %get3A_295 = arith.constant 16 : index
      %get3A_296 = tpu.vector_load %arg6[%get3A_294, %get3A_295] {strides = array<i32>} : memref<576x64xf32, #tpu.memory_space<vmem>>, vector<1x16xf32>,
      %get3A_297 = vector.shape_cast %get3A_296 : vector<1x16xf32> to vector<16xf32>
      %mul3A_298 = arith.constant 9 : i32
      %mul3A_299 = arith.muli %scan3A_210, %mul3A_298 : i32
      %add3A_300 = arith.constant 1 : i32
      %add3A_301 = arith.addi %mul3A_299, %add3A_300 : i32
      %get3A_302 = arith.index_cast %add3A_301 : i32 to index
      %get3A_303 = arith.constant 16 : index
      %get3A_304 = tpu.vector_load %arg6[%get3A_302, %get3A_303] {strides = array<i32>} : memref<576x64xf32, #tpu.memory_space<vmem>>, vector<1x16xf32>,
      %get3A_305 = vector.shape_cast %get3A_304 : vector<1x16xf32> to vector<16xf32>
      %add3A_306 = arith.addf %get3A_297, %get3A_305 : vector<16xf32>
      %mul3A_307 = arith.constant 9 : i32
      %mul3A_308 = arith.muli %scan3A_210, %mul3A_307 : i32
      %add3A_309 = arith.constant 2 : i32
      %add3A_310 = arith.addi %mul3A_308, %add3A_309 : i32
      %get3A_311 = arith.index_cast %add3A_310 : i32 to index
      %get3A_312 = arith.constant 16 : index
      %get3A_313 = tpu.vector_load %arg6[%get3A_311, %get3A_312] {strides = array<i32>} : memref<576x64xf32, #tpu.memory_space<vmem>>, vector<1x16xf32>,
      %get3A_314 = vector.shape_cast %get3A_313 : vector<1x16xf32> to vector<16xf32>
      %add3A_315 = arith.addf %add3A_306, %get3A_314 : vector<16xf32>
      %mul3A_316 = arith.constant 9 : i32
      %mul3A_317 = arith.muli %scan3A_210, %mul3A_316 : i32
      %add3A_318 = arith.constant 3 : i32
      %add3A_319 = arith.addi %mul3A_317, %add3A_318 : i32
      %get3A_320 = arith.index_cast %add3A_319 : i32 to index
      %get3A_321 = arith.constant 16 : index
      %get3A_322 = tpu.vector_load %arg6[%get3A_320, %get3A_321] {strides = array<i32>} : memref<576x64xf32, #tpu.memory_space<vmem>>, vector<1x16xf32>,
      %get3A_323 = vector.shape_cast %get3A_322 : vector<1x16xf32> to vector<16xf32>
      %add3A_324 = arith.addf %add3A_315, %get3A_323 : vector<16xf32>
      %mul3A_325 = arith.constant 9 : i32
      %mul3A_326 = arith.muli %scan3A_210, %mul3A_325 : i32
      %add3A_327 = arith.constant 4 : i32
      %add3A_328 = arith.addi %mul3A_326, %add3A_327 : i32
      %get3A_329 = arith.index_cast %add3A_328 : i32 to index
      %get3A_330 = arith.constant 16 : index
      %get3A_331 = tpu.vector_load %arg6[%get3A_329, %get3A_330] {strides = array<i32>} : memref<576x64xf32, #tpu.memory_space<vmem>>, vector<1x16xf32>,
      %get3A_332 = vector.shape_cast %get3A_331 : vector<1x16xf32> to vector<16xf32>
      %add3A_333 = arith.addf %add3A_324, %get3A_332 : vector<16xf32>
      %mul3A_334 = arith.constant 9 : i32
      %mul3A_335 = arith.muli %scan3A_210, %mul3A_334 : i32
      %add3A_336 = arith.constant 5 : i32
      %add3A_337 = arith.addi %mul3A_335, %add3A_336 : i32
      %get3A_338 = arith.index_cast %add3A_337 : i32 to index
      %get3A_339 = arith.constant 16 : index
      %get3A_340 = tpu.vector_load %arg6[%get3A_338, %get3A_339] {strides = array<i32>} : memref<576x64xf32, #tpu.memory_space<vmem>>, vector<1x16xf32>,
      %get3A_341 = vector.shape_cast %get3A_340 : vector<1x16xf32> to vector<16xf32>
      %add3A_342 = arith.addf %add3A_333, %get3A_341 : vector<16xf32>
      %mul3A_343 = arith.constant 9 : i32
      %mul3A_344 = arith.muli %scan3A_210, %mul3A_343 : i32
      %add3A_345 = arith.constant 6 : i32
      %add3A_346 = arith.addi %mul3A_344, %add3A_345 : i32
      %get3A_347 = arith.index_cast %add3A_346 : i32 to index
      %get3A_348 = arith.constant 16 : index
      %get3A_349 = tpu.vector_load %arg6[%get3A_347, %get3A_348] {strides = array<i32>} : memref<576x64xf32, #tpu.memory_space<vmem>>, vector<1x16xf32>,
      %get3A_350 = vector.shape_cast %get3A_349 : vector<1x16xf32> to vector<16xf32>
      %add3A_351 = arith.addf %add3A_342, %get3A_350 : vector<16xf32>
      %mul3A_352 = arith.constant 9 : i32
      %mul3A_353 = arith.muli %scan3A_210, %mul3A_352 : i32
      %add3A_354 = arith.constant 7 : i32
      %add3A_355 = arith.addi %mul3A_353, %add3A_354 : i32
      %get3A_356 = arith.index_cast %add3A_355 : i32 to index
      %get3A_357 = arith.constant 16 : index
      %get3A_358 = tpu.vector_load %arg6[%get3A_356, %get3A_357] {strides = array<i32>} : memref<576x64xf32, #tpu.memory_space<vmem>>, vector<1x16xf32>,
      %get3A_359 = vector.shape_cast %get3A_358 : vector<1x16xf32> to vector<16xf32>
      %add3A_360 = arith.addf %add3A_351, %get3A_359 : vector<16xf32>
      %mul3A_361 = arith.constant 9 : i32
      %mul3A_362 = arith.muli %scan3A_210, %mul3A_361 : i32
      %add3A_363 = arith.constant 8 : i32
      %add3A_364 = arith.addi %mul3A_362, %add3A_363 : i32
      %get3A_365 = arith.index_cast %add3A_364 : i32 to index
      %get3A_366 = arith.constant 16 : index
      %get3A_367 = tpu.vector_load %arg6[%get3A_365, %get3A_366] {strides = array<i32>} : memref<576x64xf32, #tpu.memory_space<vmem>>, vector<1x16xf32>,
      %get3A_368 = vector.shape_cast %get3A_367 : vector<1x16xf32> to vector<16xf32>
      %add3A_369 = arith.addf %add3A_360, %get3A_368 : vector<16xf32>
      %swap3A_370 = arith.index_cast %scan3A_210 : i32 to index
      %swap3A_371 = arith.constant 16 : index
      %swap3A_372 = tpu.vector_load %arg7[%swap3A_370, %swap3A_371] {strides = array<i32>} : memref<64x64xf32, #tpu.memory_space<vmem>>, vector<1x16xf32>,
      %swap3A_373 = vector.shape_cast %swap3A_372 : vector<1x16xf32> to vector<16xf32>
      %swap3A_374 = vector.shape_cast %add3A_369 : vector<16xf32> to vector<1x16xf32>
      tpu.vector_store %arg7[%swap3A_370, %swap3A_371], %swap3A_374 {strides = array<i32>} : memref<64x64xf32, #tpu.memory_space<vmem>>, vector<1x16xf32>,
      %mul3A_375 = arith.constant 9 : i32
      %mul3A_376 = arith.muli %scan3A_210, %mul3A_375 : i32
      %get3A_377 = arith.index_cast %mul3A_376 : i32 to index
      %get3A_378 = arith.constant 32 : index
      %get3A_379 = tpu.vector_load %arg6[%get3A_377, %get3A_378] {strides = array<i32>} : memref<576x64xf32, #tpu.memory_space<vmem>>, vector<1x16xf32>,
      %get3A_380 = vector.shape_cast %get3A_379 : vector<1x16xf32> to vector<16xf32>
      %mul3A_381 = arith.constant 9 : i32
      %mul3A_382 = arith.muli %scan3A_210, %mul3A_381 : i32
      %add3A_383 = arith.constant 1 : i32
      %add3A_384 = arith.addi %mul3A_382, %add3A_383 : i32
      %get3A_385 = arith.index_cast %add3A_384 : i32 to index
      %get3A_386 = arith.constant 32 : index
      %get3A_387 = tpu.vector_load %arg6[%get3A_385, %get3A_386] {strides = array<i32>} : memref<576x64xf32, #tpu.memory_space<vmem>>, vector<1x16xf32>,
      %get3A_388 = vector.shape_cast %get3A_387 : vector<1x16xf32> to vector<16xf32>
      %add3A_389 = arith.addf %get3A_380, %get3A_388 : vector<16xf32>
      %mul3A_390 = arith.constant 9 : i32
      %mul3A_391 = arith.muli %scan3A_210, %mul3A_390 : i32
      %add3A_392 = arith.constant 2 : i32
      %add3A_393 = arith.addi %mul3A_391, %add3A_392 : i32
      %get3A_394 = arith.index_cast %add3A_393 : i32 to index
      %get3A_395 = arith.constant 32 : index
      %get3A_396 = tpu.vector_load %arg6[%get3A_394, %get3A_395] {strides = array<i32>} : memref<576x64xf32, #tpu.memory_space<vmem>>, vector<1x16xf32>,
      %get3A_397 = vector.shape_cast %get3A_396 : vector<1x16xf32> to vector<16xf32>
      %add3A_398 = arith.addf %add3A_389, %get3A_397 : vector<16xf32>
      %mul3A_399 = arith.constant 9 : i32
      %mul3A_400 = arith.muli %scan3A_210, %mul3A_399 : i32
      %add3A_401 = arith.constant 3 : i32
      %add3A_402 = arith.addi %mul3A_400, %add3A_401 : i32
      %get3A_403 = arith.index_cast %add3A_402 : i32 to index
      %get3A_404 = arith.constant 32 : index
      %get3A_405 = tpu.vector_load %arg6[%get3A_403, %get3A_404] {strides = array<i32>} : memref<576x64xf32, #tpu.memory_space<vmem>>, vector<1x16xf32>,
      %get3A_406 = vector.shape_cast %get3A_405 : vector<1x16xf32> to vector<16xf32>
      %add3A_407 = arith.addf %add3A_398, %get3A_406 : vector<16xf32>
      %mul3A_408 = arith.constant 9 : i32
      %mul3A_409 = arith.muli %scan3A_210, %mul3A_408 : i32
      %add3A_410 = arith.constant 4 : i32
      %add3A_411 = arith.addi %mul3A_409, %add3A_410 : i32
      %get3A_412 = arith.index_cast %add3A_411 : i32 to index
      %get3A_413 = arith.constant 32 : index
      %get3A_414 = tpu.vector_load %arg6[%get3A_412, %get3A_413] {strides = array<i32>} : memref<576x64xf32, #tpu.memory_space<vmem>>, vector<1x16xf32>,
      %get3A_415 = vector.shape_cast %get3A_414 : vector<1x16xf32> to vector<16xf32>
      %add3A_416 = arith.addf %add3A_407, %get3A_415 : vector<16xf32>
      %mul3A_417 = arith.constant 9 : i32
      %mul3A_418 = arith.muli %scan3A_210, %mul3A_417 : i32
      %add3A_419 = arith.constant 5 : i32
      %add3A_420 = arith.addi %mul3A_418, %add3A_419 : i32
      %get3A_421 = arith.index_cast %add3A_420 : i32 to index
      %get3A_422 = arith.constant 32 : index
      %get3A_423 = tpu.vector_load %arg6[%get3A_421, %get3A_422] {strides = array<i32>} : memref<576x64xf32, #tpu.memory_space<vmem>>, vector<1x16xf32>,
      %get3A_424 = vector.shape_cast %get3A_423 : vector<1x16xf32> to vector<16xf32>
      %add3A_425 = arith.addf %add3A_416, %get3A_424 : vector<16xf32>
      %mul3A_426 = arith.constant 9 : i32
      %mul3A_427 = arith.muli %scan3A_210, %mul3A_426 : i32
      %add3A_428 = arith.constant 6 : i32
      %add3A_429 = arith.addi %mul3A_427, %add3A_428 : i32
      %get3A_430 = arith.index_cast %add3A_429 : i32 to index
      %get3A_431 = arith.constant 32 : index
      %get3A_432 = tpu.vector_load %arg6[%get3A_430, %get3A_431] {strides = array<i32>} : memref<576x64xf32, #tpu.memory_space<vmem>>, vector<1x16xf32>,
      %get3A_433 = vector.shape_cast %get3A_432 : vector<1x16xf32> to vector<16xf32>
      %add3A_434 = arith.addf %add3A_425, %get3A_433 : vector<16xf32>
      %mul3A_435 = arith.constant 9 : i32
      %mul3A_436 = arith.muli %scan3A_210, %mul3A_435 : i32
      %add3A_437 = arith.constant 7 : i32
      %add3A_438 = arith.addi %mul3A_436, %add3A_437 : i32
      %get3A_439 = arith.index_cast %add3A_438 : i32 to index
      %get3A_440 = arith.constant 32 : index
      %get3A_441 = tpu.vector_load %arg6[%get3A_439, %get3A_440] {strides = array<i32>} : memref<576x64xf32, #tpu.memory_space<vmem>>, vector<1x16xf32>,
      %get3A_442 = vector.shape_cast %get3A_441 : vector<1x16xf32> to vector<16xf32>
      %add3A_443 = arith.addf %add3A_434, %get3A_442 : vector<16xf32>
      %mul3A_444 = arith.constant 9 : i32
      %mul3A_445 = arith.muli %scan3A_210, %mul3A_444 : i32
      %add3A_446 = arith.constant 8 : i32
      %add3A_447 = arith.addi %mul3A_445, %add3A_446 : i32
      %get3A_448 = arith.index_cast %add3A_447 : i32 to index
      %get3A_449 = arith.constant 32 : index
      %get3A_450 = tpu.vector_load %arg6[%get3A_448, %get3A_449] {strides = array<i32>} : memref<576x64xf32, #tpu.memory_space<vmem>>, vector<1x16xf32>,
      %get3A_451 = vector.shape_cast %get3A_450 : vector<1x16xf32> to vector<16xf32>
      %add3A_452 = arith.addf %add3A_443, %get3A_451 : vector<16xf32>
      %swap3A_453 = arith.index_cast %scan3A_210 : i32 to index
      %swap3A_454 = arith.constant 32 : index
      %swap3A_455 = tpu.vector_load %arg7[%swap3A_453, %swap3A_454] {strides = array<i32>} : memref<64x64xf32, #tpu.memory_space<vmem>>, vector<1x16xf32>,
      %swap3A_456 = vector.shape_cast %swap3A_455 : vector<1x16xf32> to vector<16xf32>
      %swap3A_457 = vector.shape_cast %add3A_452 : vector<16xf32> to vector<1x16xf32>
      tpu.vector_store %arg7[%swap3A_453, %swap3A_454], %swap3A_457 {strides = array<i32>} : memref<64x64xf32, #tpu.memory_space<vmem>>, vector<1x16xf32>,
      %mul3A_458 = arith.constant 9 : i32
      %mul3A_459 = arith.muli %scan3A_210, %mul3A_458 : i32
      %get3A_460 = arith.index_cast %mul3A_459 : i32 to index
      %get3A_461 = arith.constant 48 : index
      %get3A_462 = tpu.vector_load %arg6[%get3A_460, %get3A_461] {strides = array<i32>} : memref<576x64xf32, #tpu.memory_space<vmem>>, vector<1x16xf32>,
      %get3A_463 = vector.shape_cast %get3A_462 : vector<1x16xf32> to vector<16xf32>
      %mul3A_464 = arith.constant 9 : i32
      %mul3A_465 = arith.muli %scan3A_210, %mul3A_464 : i32
      %add3A_466 = arith.constant 1 : i32
      %add3A_467 = arith.addi %mul3A_465, %add3A_466 : i32
      %get3A_468 = arith.index_cast %add3A_467 : i32 to index
      %get3A_469 = arith.constant 48 : index
      %get3A_470 = tpu.vector_load %arg6[%get3A_468, %get3A_469] {strides = array<i32>} : memref<576x64xf32, #tpu.memory_space<vmem>>, vector<1x16xf32>,
      %get3A_471 = vector.shape_cast %get3A_470 : vector<1x16xf32> to vector<16xf32>
      %add3A_472 = arith.addf %get3A_463, %get3A_471 : vector<16xf32>
      %mul3A_473 = arith.constant 9 : i32
      %mul3A_474 = arith.muli %scan3A_210, %mul3A_473 : i32
      %add3A_475 = arith.constant 2 : i32
      %add3A_476 = arith.addi %mul3A_474, %add3A_475 : i32
      %get3A_477 = arith.index_cast %add3A_476 : i32 to index
      %get3A_478 = arith.constant 48 : index
      %get3A_479 = tpu.vector_load %arg6[%get3A_477, %get3A_478] {strides = array<i32>} : memref<576x64xf32, #tpu.memory_space<vmem>>, vector<1x16xf32>,
      %get3A_480 = vector.shape_cast %get3A_479 : vector<1x16xf32> to vector<16xf32>
      %add3A_481 = arith.addf %add3A_472, %get3A_480 : vector<16xf32>
      %mul3A_482 = arith.constant 9 : i32
      %mul3A_483 = arith.muli %scan3A_210, %mul3A_482 : i32
      %add3A_484 = arith.constant 3 : i32
      %add3A_485 = arith.addi %mul3A_483, %add3A_484 : i32
      %get3A_486 = arith.index_cast %add3A_485 : i32 to index
      %get3A_487 = arith.constant 48 : index
      %get3A_488 = tpu.vector_load %arg6[%get3A_486, %get3A_487] {strides = array<i32>} : memref<576x64xf32, #tpu.memory_space<vmem>>, vector<1x16xf32>,
      %get3A_489 = vector.shape_cast %get3A_488 : vector<1x16xf32> to vector<16xf32>
      %add3A_490 = arith.addf %add3A_481, %get3A_489 : vector<16xf32>
      %mul3A_491 = arith.constant 9 : i32
      %mul3A_492 = arith.muli %scan3A_210, %mul3A_491 : i32
      %add3A_493 = arith.constant 4 : i32
      %add3A_494 = arith.addi %mul3A_492, %add3A_493 : i32
      %get3A_495 = arith.index_cast %add3A_494 : i32 to index
      %get3A_496 = arith.constant 48 : index
      %get3A_497 = tpu.vector_load %arg6[%get3A_495, %get3A_496] {strides = array<i32>} : memref<576x64xf32, #tpu.memory_space<vmem>>, vector<1x16xf32>,
      %get3A_498 = vector.shape_cast %get3A_497 : vector<1x16xf32> to vector<16xf32>
      %add3A_499 = arith.addf %add3A_490, %get3A_498 : vector<16xf32>
      %mul3A_500 = arith.constant 9 : i32
      %mul3A_501 = arith.muli %scan3A_210, %mul3A_500 : i32
      %add3A_502 = arith.constant 5 : i32
      %add3A_503 = arith.addi %mul3A_501, %add3A_502 : i32
      %get3A_504 = arith.index_cast %add3A_503 : i32 to index
      %get3A_505 = arith.constant 48 : index
      %get3A_506 = tpu.vector_load %arg6[%get3A_504, %get3A_505] {strides = array<i32>} : memref<576x64xf32, #tpu.memory_space<vmem>>, vector<1x16xf32>,
      %get3A_507 = vector.shape_cast %get3A_506 : vector<1x16xf32> to vector<16xf32>
      %add3A_508 = arith.addf %add3A_499, %get3A_507 : vector<16xf32>
      %mul3A_509 = arith.constant 9 : i32
      %mul3A_510 = arith.muli %scan3A_210, %mul3A_509 : i32
      %add3A_511 = arith.constant 6 : i32
      %add3A_512 = arith.addi %mul3A_510, %add3A_511 : i32
      %get3A_513 = arith.index_cast %add3A_512 : i32 to index
      %get3A_514 = arith.constant 48 : index
      %get3A_515 = tpu.vector_load %arg6[%get3A_513, %get3A_514] {strides = array<i32>} : memref<576x64xf32, #tpu.memory_space<vmem>>, vector<1x16xf32>,
      %get3A_516 = vector.shape_cast %get3A_515 : vector<1x16xf32> to vector<16xf32>
      %add3A_517 = arith.addf %add3A_508, %get3A_516 : vector<16xf32>
      %mul3A_518 = arith.constant 9 : i32
      %mul3A_519 = arith.muli %scan3A_210, %mul3A_518 : i32
      %add3A_520 = arith.constant 7 : i32
      %add3A_521 = arith.addi %mul3A_519, %add3A_520 : i32
      %get3A_522 = arith.index_cast %add3A_521 : i32 to index
      %get3A_523 = arith.constant 48 : index
      %get3A_524 = tpu.vector_load %arg6[%get3A_522, %get3A_523] {strides = array<i32>} : memref<576x64xf32, #tpu.memory_space<vmem>>, vector<1x16xf32>,
      %get3A_525 = vector.shape_cast %get3A_524 : vector<1x16xf32> to vector<16xf32>
      %add3A_526 = arith.addf %add3A_517, %get3A_525 : vector<16xf32>
      %mul3A_527 = arith.constant 9 : i32
      %mul3A_528 = arith.muli %scan3A_210, %mul3A_527 : i32
      %add3A_529 = arith.constant 8 : i32
      %add3A_530 = arith.addi %mul3A_528, %add3A_529 : i32
      %get3A_531 = arith.index_cast %add3A_530 : i32 to index
      %get3A_532 = arith.constant 48 : index
      %get3A_533 = tpu.vector_load %arg6[%get3A_531, %get3A_532] {strides = array<i32>} : memref<576x64xf32, #tpu.memory_space<vmem>>, vector<1x16xf32>,
      %get3A_534 = vector.shape_cast %get3A_533 : vector<1x16xf32> to vector<16xf32>
      %add3A_535 = arith.addf %add3A_526, %get3A_534 : vector<16xf32>
      %swap3A_536 = arith.index_cast %scan3A_210 : i32 to index
      %swap3A_537 = arith.constant 48 : index
      %swap3A_538 = tpu.vector_load %arg7[%swap3A_536, %swap3A_537] {strides = array<i32>} : memref<64x64xf32, #tpu.memory_space<vmem>>, vector<1x16xf32>,
      %swap3A_539 = vector.shape_cast %swap3A_538 : vector<1x16xf32> to vector<16xf32>
      %swap3A_540 = vector.shape_cast %add3A_535 : vector<16xf32> to vector<1x16xf32>
      tpu.vector_store %arg7[%swap3A_536, %swap3A_537], %swap3A_540 {strides = array<i32>} : memref<64x64xf32, #tpu.memory_space<vmem>>, vector<1x16xf32>,
    }
    %scan3A_103 = arith.constant 64 : i32
    %add3A_104 = arith.constant 0 : i32
    %add3A_105 = arith.addi %mul3A_2, %add3A_104 : i32
    "tpu.region"() ({
      %run_scoped3A = tpu.sem_alloc : memref<!tpu.dma_semaphore, #tpu.memory_space<semaphore_mem>>
      %dma_start3A_210 = arith.constant 0 : i32
      %dma_start3A_211 = tpu.memref_slice %arg4[%add3A_105, %dma_start3A_210] : memref<4096x64xf32, #tpu.memory_space<hbm>> -> memref<64x64xf32, #tpu.memory_space<hbm>>
      %dma_start3A_212 = arith.constant 0 : i32
      %dma_start3A_213 = tpu.memref_slice %arg4[%add3A_105, %dma_start3A_212] : memref<4096x64xf32, #tpu.memory_space<hbm>> -> memref<64x64xf32, #tpu.memory_space<hbm>>
      tpu.enqueue_dma source(%arg7 : memref<64x64xf32, #tpu.memory_space<vmem>>) target(%dma_start3A_213 : memref<64x64xf32, #tpu.memory_space<hbm>>) target_semaphore(%run_scoped3A : memref<!tpu.dma_semaphore, #tpu.memory_space<semaphore_mem>>)
      %dma_wait3A_214 = arith.constant 0 : i32
      %dma_wait3A_215 = tpu.memref_slice %arg4[%add3A_105, %dma_wait3A_214] : memref<4096x64xf32, #tpu.memory_space<hbm>> -> memref<64x64xf32, #tpu.memory_space<hbm>>
      %dma_wait3A_216 = arith.constant 0 : i32
      %dma_wait3A_217 = tpu.memref_slice %arg4[%add3A_105, %dma_wait3A_216] : memref<4096x64xf32, #tpu.memory_space<hbm>> -> memref<64x64xf32, #tpu.memory_space<hbm>>
      tpu.wait_dma2 semaphore(%run_scoped3A : memref<!tpu.dma_semaphore, #tpu.memory_space<semaphore_mem>>) src(%arg7 : memref<64x64xf32, #tpu.memory_space<vmem>>) dst(%dma_wait3A_217 : memref<64x64xf32, #tpu.memory_space<hbm>>)
      tpu.yield
    }) : () -> ()
    %dma_start3A_106 = arith.constant 0 : i32
    %dma_start3A_107 = arith.constant 0 : i32
    %dma_start3A_108 = tpu.memref_slice %arg6[%dma_start3A_106, %dma_start3A_107] : memref<576x64xf32, #tpu.memory_space<vmem>> -> memref<96x64xf32, #tpu.memory_space<vmem>>
    %dma_start3A_109 = arith.constant 576 : i32
    %dma_start3A_110 = tpu.memref_slice %arg5[%dma_start3A_109] : memref<1152xi32, #tpu.memory_space<vmem>> -> memref<96xi32, #tpu.memory_space<vmem>>
    %dma_start3A_111 = arith.constant 0 : i32
    %dma_start3A_112 = arith.constant 0 : i32
    %dma_start3A_113 = tpu.memref_slice %arg3[%dma_start3A_111, %dma_start3A_112] : memref<73728x64xf32, #tpu.memory_space<hbm>> -> memref<73728x64xf32, #tpu.memory_space<hbm>>
    tpu.enqueue_indirect_dma source(%dma_start3A_113 : memref<73728x64xf32, #tpu.memory_space<hbm>>) target(%dma_start3A_108 : memref<96x64xf32, #tpu.memory_space<vmem>>) offsets(%dma_start3A_110 : memref<96xi32, #tpu.memory_space<vmem>>) semaphore(%arg8 : memref<!tpu.dma_semaphore, #tpu.memory_space<semaphore_mem>>)
    %dma_start3A_114 = arith.constant 96 : i32
    %dma_start3A_115 = arith.constant 0 : i32
    %dma_start3A_116 = tpu.memref_slice %arg6[%dma_start3A_114, %dma_start3A_115] : memref<576x64xf32, #tpu.memory_space<vmem>> -> memref<96x64xf32, #tpu.memory_space<vmem>>
    %dma_start3A_117 = arith.constant 672 : i32
    %dma_start3A_118 = tpu.memref_slice %arg5[%dma_start3A_117] : memref<1152xi32, #tpu.memory_space<vmem>> -> memref<96xi32, #tpu.memory_space<vmem>>
    %dma_start3A_119 = arith.constant 0 : i32
    %dma_start3A_120 = arith.constant 0 : i32
    %dma_start3A_121 = tpu.memref_slice %arg3[%dma_start3A_119, %dma_start3A_120] : memref<73728x64xf32, #tpu.memory_space<hbm>> -> memref<73728x64xf32, #tpu.memory_space<hbm>>
    tpu.enqueue_indirect_dma source(%dma_start3A_121 : memref<73728x64xf32, #tpu.memory_space<hbm>>) target(%dma_start3A_116 : memref<96x64xf32, #tpu.memory_space<vmem>>) offsets(%dma_start3A_118 : memref<96xi32, #tpu.memory_space<vmem>>) semaphore(%arg8 : memref<!tpu.dma_semaphore, #tpu.memory_space<semaphore_mem>>)
    %dma_start3A_122 = arith.constant 192 : i32
    %dma_start3A_123 = arith.constant 0 : i32
    %dma_start3A_124 = tpu.memref_slice %arg6[%dma_start3A_122, %dma_start3A_123] : memref<576x64xf32, #tpu.memory_space<vmem>> -> memref<96x64xf32, #tpu.memory_space<vmem>>
    %dma_start3A_125 = arith.constant 768 : i32
    %dma_start3A_126 = tpu.memref_slice %arg5[%dma_start3A_125] : memref<1152xi32, #tpu.memory_space<vmem>> -> memref<96xi32, #tpu.memory_space<vmem>>
    %dma_start3A_127 = arith.constant 0 : i32
    %dma_start3A_128 = arith.constant 0 : i32
    %dma_start3A_129 = tpu.memref_slice %arg3[%dma_start3A_127, %dma_start3A_128] : memref<73728x64xf32, #tpu.memory_space<hbm>> -> memref<73728x64xf32, #tpu.memory_space<hbm>>
    tpu.enqueue_indirect_dma source(%dma_start3A_129 : memref<73728x64xf32, #tpu.memory_space<hbm>>) target(%dma_start3A_124 : memref<96x64xf32, #tpu.memory_space<vmem>>) offsets(%dma_start3A_126 : memref<96xi32, #tpu.memory_space<vmem>>) semaphore(%arg8 : memref<!tpu.dma_semaphore, #tpu.memory_space<semaphore_mem>>)
    %dma_start3A_130 = arith.constant 288 : i32
    %dma_start3A_131 = arith.constant 0 : i32
    %dma_start3A_132 = tpu.memref_slice %arg6[%dma_start3A_130, %dma_start3A_131] : memref<576x64xf32, #tpu.memory_space<vmem>> -> memref<96x64xf32, #tpu.memory_space<vmem>>
    %dma_start3A_133 = arith.constant 864 : i32
    %dma_start3A_134 = tpu.memref_slice %arg5[%dma_start3A_133] : memref<1152xi32, #tpu.memory_space<vmem>> -> memref<96xi32, #tpu.memory_space<vmem>>
    %dma_start3A_135 = arith.constant 0 : i32
    %dma_start3A_136 = arith.constant 0 : i32
    %dma_start3A_137 = tpu.memref_slice %arg3[%dma_start3A_135, %dma_start3A_136] : memref<73728x64xf32, #tpu.memory_space<hbm>> -> memref<73728x64xf32, #tpu.memory_space<hbm>>
    tpu.enqueue_indirect_dma source(%dma_start3A_137 : memref<73728x64xf32, #tpu.memory_space<hbm>>) target(%dma_start3A_132 : memref<96x64xf32, #tpu.memory_space<vmem>>) offsets(%dma_start3A_134 : memref<96xi32, #tpu.memory_space<vmem>>) semaphore(%arg8 : memref<!tpu.dma_semaphore, #tpu.memory_space<semaphore_mem>>)
    %dma_start3A_138 = arith.constant 384 : i32
    %dma_start3A_139 = arith.constant 0 : i32
    %dma_start3A_140 = tpu.memref_slice %arg6[%dma_start3A_138, %dma_start3A_139] : memref<576x64xf32, #tpu.memory_space<vmem>> -> memref<96x64xf32, #tpu.memory_space<vmem>>
    %dma_start3A_141 = arith.constant 960 : i32
    %dma_start3A_142 = tpu.memref_slice %arg5[%dma_start3A_141] : memref<1152xi32, #tpu.memory_space<vmem>> -> memref<96xi32, #tpu.memory_space<vmem>>
    %dma_start3A_143 = arith.constant 0 : i32
    %dma_start3A_144 = arith.constant 0 : i32
    %dma_start3A_145 = tpu.memref_slice %arg3[%dma_start3A_143, %dma_start3A_144] : memref<73728x64xf32, #tpu.memory_space<hbm>> -> memref<73728x64xf32, #tpu.memory_space<hbm>>
    tpu.enqueue_indirect_dma source(%dma_start3A_145 : memref<73728x64xf32, #tpu.memory_space<hbm>>) target(%dma_start3A_140 : memref<96x64xf32, #tpu.memory_space<vmem>>) offsets(%dma_start3A_142 : memref<96xi32, #tpu.memory_space<vmem>>) semaphore(%arg8 : memref<!tpu.dma_semaphore, #tpu.memory_space<semaphore_mem>>)
    %dma_start3A_146 = arith.constant 480 : i32
    %dma_start3A_147 = arith.constant 0 : i32
    %dma_start3A_148 = tpu.memref_slice %arg6[%dma_start3A_146, %dma_start3A_147] : memref<576x64xf32, #tpu.memory_space<vmem>> -> memref<96x64xf32, #tpu.memory_space<vmem>>
    %dma_start3A_149 = arith.constant 1056 : i32
    %dma_start3A_150 = tpu.memref_slice %arg5[%dma_start3A_149] : memref<1152xi32, #tpu.memory_space<vmem>> -> memref<96xi32, #tpu.memory_space<vmem>>
    %dma_start3A_151 = arith.constant 0 : i32
    %dma_start3A_152 = arith.constant 0 : i32
    %dma_start3A_153 = tpu.memref_slice %arg3[%dma_start3A_151, %dma_start3A_152] : memref<73728x64xf32, #tpu.memory_space<hbm>> -> memref<73728x64xf32, #tpu.memory_space<hbm>>
    tpu.enqueue_indirect_dma source(%dma_start3A_153 : memref<73728x64xf32, #tpu.memory_space<hbm>>) target(%dma_start3A_148 : memref<96x64xf32, #tpu.memory_space<vmem>>) offsets(%dma_start3A_150 : memref<96xi32, #tpu.memory_space<vmem>>) semaphore(%arg8 : memref<!tpu.dma_semaphore, #tpu.memory_space<semaphore_mem>>)
    %dma_wait3A_154 = arith.constant 0 : i32
    %dma_wait3A_155 = arith.constant 0 : i32
    %dma_wait3A_156 = tpu.memref_slice %arg6[%dma_wait3A_154, %dma_wait3A_155] : memref<576x64xf32, #tpu.memory_space<vmem>> -> memref<96x64xf32, #tpu.memory_space<vmem>>
    %dma_wait3A_157 = arith.constant 576 : i32
    %dma_wait3A_158 = tpu.memref_slice %arg5[%dma_wait3A_157] : memref<1152xi32, #tpu.memory_space<vmem>> -> memref<96xi32, #tpu.memory_space<vmem>>
    %dma_wait3A_159 = arith.constant 0 : i32
    %dma_wait3A_160 = arith.constant 0 : i32
    %dma_wait3A_161 = tpu.memref_slice %arg3[%dma_wait3A_159, %dma_wait3A_160] : memref<73728x64xf32, #tpu.memory_space<hbm>> -> memref<73728x64xf32, #tpu.memory_space<hbm>>
    tpu.wait_indirect_dma semaphore(%arg8 : memref<!tpu.dma_semaphore, #tpu.memory_space<semaphore_mem>>) src(%dma_wait3A_161 : memref<73728x64xf32, #tpu.memory_space<hbm>>) dst(%dma_wait3A_156 : memref<96x64xf32, #tpu.memory_space<vmem>>)
    %dma_wait3A_162 = arith.constant 96 : i32
    %dma_wait3A_163 = arith.constant 0 : i32
    %dma_wait3A_164 = tpu.memref_slice %arg6[%dma_wait3A_162, %dma_wait3A_163] : memref<576x64xf32, #tpu.memory_space<vmem>> -> memref<96x64xf32, #tpu.memory_space<vmem>>
    %dma_wait3A_165 = arith.constant 672 : i32
    %dma_wait3A_166 = tpu.memref_slice %arg5[%dma_wait3A_165] : memref<1152xi32, #tpu.memory_space<vmem>> -> memref<96xi32, #tpu.memory_space<vmem>>
    %dma_wait3A_167 = arith.constant 0 : i32
    %dma_wait3A_168 = arith.constant 0 : i32
    %dma_wait3A_169 = tpu.memref_slice %arg3[%dma_wait3A_167, %dma_wait3A_168] : memref<73728x64xf32, #tpu.memory_space<hbm>> -> memref<73728x64xf32, #tpu.memory_space<hbm>>
    tpu.wait_indirect_dma semaphore(%arg8 : memref<!tpu.dma_semaphore, #tpu.memory_space<semaphore_mem>>) src(%dma_wait3A_169 : memref<73728x64xf32, #tpu.memory_space<hbm>>) dst(%dma_wait3A_164 : memref<96x64xf32, #tpu.memory_space<vmem>>)
    %dma_wait3A_170 = arith.constant 192 : i32
    %dma_wait3A_171 = arith.constant 0 : i32
    %dma_wait3A_172 = tpu.memref_slice %arg6[%dma_wait3A_170, %dma_wait3A_171] : memref<576x64xf32, #tpu.memory_space<vmem>> -> memref<96x64xf32, #tpu.memory_space<vmem>>
    %dma_wait3A_173 = arith.constant 768 : i32
    %dma_wait3A_174 = tpu.memref_slice %arg5[%dma_wait3A_173] : memref<1152xi32, #tpu.memory_space<vmem>> -> memref<96xi32, #tpu.memory_space<vmem>>
    %dma_wait3A_175 = arith.constant 0 : i32
    %dma_wait3A_176 = arith.constant 0 : i32
    %dma_wait3A_177 = tpu.memref_slice %arg3[%dma_wait3A_175, %dma_wait3A_176] : memref<73728x64xf32, #tpu.memory_space<hbm>> -> memref<73728x64xf32, #tpu.memory_space<hbm>>
    tpu.wait_indirect_dma semaphore(%arg8 : memref<!tpu.dma_semaphore, #tpu.memory_space<semaphore_mem>>) src(%dma_wait3A_177 : memref<73728x64xf32, #tpu.memory_space<hbm>>) dst(%dma_wait3A_172 : memref<96x64xf32, #tpu.memory_space<vmem>>)
    %dma_wait3A_178 = arith.constant 288 : i32
    %dma_wait3A_179 = arith.constant 0 : i32
    %dma_wait3A_180 = tpu.memref_slice %arg6[%dma_wait3A_178, %dma_wait3A_179] : memref<576x64xf32, #tpu.memory_space<vmem>> -> memref<96x64xf32, #tpu.memory_space<vmem>>
    %dma_wait3A_181 = arith.constant 864 : i32
    %dma_wait3A_182 = tpu.memref_slice %arg5[%dma_wait3A_181] : memref<1152xi32, #tpu.memory_space<vmem>> -> memref<96xi32, #tpu.memory_space<vmem>>
    %dma_wait3A_183 = arith.constant 0 : i32
    %dma_wait3A_184 = arith.constant 0 : i32
    %dma_wait3A_185 = tpu.memref_slice %arg3[%dma_wait3A_183, %dma_wait3A_184] : memref<73728x64xf32, #tpu.memory_space<hbm>> -> memref<73728x64xf32, #tpu.memory_space<hbm>>
    tpu.wait_indirect_dma semaphore(%arg8 : memref<!tpu.dma_semaphore, #tpu.memory_space<semaphore_mem>>) src(%dma_wait3A_185 : memref<73728x64xf32, #tpu.memory_space<hbm>>) dst(%dma_wait3A_180 : memref<96x64xf32, #tpu.memory_space<vmem>>)
    %dma_wait3A_186 = arith.constant 384 : i32
    %dma_wait3A_187 = arith.constant 0 : i32
    %dma_wait3A_188 = tpu.memref_slice %arg6[%dma_wait3A_186, %dma_wait3A_187] : memref<576x64xf32, #tpu.memory_space<vmem>> -> memref<96x64xf32, #tpu.memory_space<vmem>>
    %dma_wait3A_189 = arith.constant 960 : i32
    %dma_wait3A_190 = tpu.memref_slice %arg5[%dma_wait3A_189] : memref<1152xi32, #tpu.memory_space<vmem>> -> memref<96xi32, #tpu.memory_space<vmem>>
    %dma_wait3A_191 = arith.constant 0 : i32
    %dma_wait3A_192 = arith.constant 0 : i32
    %dma_wait3A_193 = tpu.memref_slice %arg3[%dma_wait3A_191, %dma_wait3A_192] : memref<73728x64xf32, #tpu.memory_space<hbm>> -> memref<73728x64xf32, #tpu.memory_space<hbm>>
    tpu.wait_indirect_dma semaphore(%arg8 : memref<!tpu.dma_semaphore, #tpu.memory_space<semaphore_mem>>) src(%dma_wait3A_193 : memref<73728x64xf32, #tpu.memory_space<hbm>>) dst(%dma_wait3A_188 : memref<96x64xf32, #tpu.memory_space<vmem>>)
    %dma_wait3A_194 = arith.constant 480 : i32
    %dma_wait3A_195 = arith.constant 0 : i32
    %dma_wait3A_196 = tpu.memref_slice %arg6[%dma_wait3A_194, %dma_wait3A_195] : memref<576x64xf32, #tpu.memory_space<vmem>> -> memref<96x64xf32, #tpu.memory_space<vmem>>
    %dma_wait3A_197 = arith.constant 1056 : i32
    %dma_wait3A_198 = tpu.memref_slice %arg5[%dma_wait3A_197] : memref<1152xi32, #tpu.memory_space<vmem>> -> memref<96xi32, #tpu.memory_space<vmem>>
    %dma_wait3A_199 = arith.constant 0 : i32
    %dma_wait3A_200 = arith.constant 0 : i32
    %dma_wait3A_201 = tpu.memref_slice %arg3[%dma_wait3A_199, %dma_wait3A_200] : memref<73728x64xf32, #tpu.memory_space<hbm>> -> memref<73728x64xf32, #tpu.memory_space<hbm>>
    tpu.wait_indirect_dma semaphore(%arg8 : memref<!tpu.dma_semaphore, #tpu.memory_space<semaphore_mem>>) src(%dma_wait3A_201 : memref<73728x64xf32, #tpu.memory_space<hbm>>) dst(%dma_wait3A_196 : memref<96x64xf32, #tpu.memory_space<vmem>>)
    %scan3A_202 = arith.constant 0 : i32
    %scan3A_203 = arith.constant 0 : i32
    %scan3A_204 = arith.constant 64 : i32
    %scan3A_205 = arith.addi %scan3A_203, %scan3A_204 : i32
    %scan3A_206 = arith.constant 1 : i32
    scf.for %scan3A_210 = %scan3A_203 to %scan3A_205 step %scan3A_206  : i32 {
      %mul3A_211 = arith.constant 9 : i32
      %mul3A_212 = arith.muli %scan3A_210, %mul3A_211 : i32
      %get3A = arith.index_cast %mul3A_212 : i32 to index
      %get3A_213 = arith.constant 0 : index
      %get3A_214 = tpu.vector_load %arg6[%get3A, %get3A_213] {strides = array<i32>} : memref<576x64xf32, #tpu.memory_space<vmem>>, vector<1x16xf32>,
      %get3A_215 = vector.shape_cast %get3A_214 : vector<1x16xf32> to vector<16xf32>
      %mul3A_216 = arith.constant 9 : i32
      %mul3A_217 = arith.muli %scan3A_210, %mul3A_216 : i32
      %add3A_218 = arith.constant 1 : i32
      %add3A_219 = arith.addi %mul3A_217, %add3A_218 : i32
      %get3A_220 = arith.index_cast %add3A_219 : i32 to index
      %get3A_221 = arith.constant 0 : index
      %get3A_222 = tpu.vector_load %arg6[%get3A_220, %get3A_221] {strides = array<i32>} : memref<576x64xf32, #tpu.memory_space<vmem>>, vector<1x16xf32>,
      %get3A_223 = vector.shape_cast %get3A_222 : vector<1x16xf32> to vector<16xf32>
      %add3A_224 = arith.addf %get3A_215, %get3A_223 : vector<16xf32>
      %mul3A_225 = arith.constant 9 : i32
      %mul3A_226 = arith.muli %scan3A_210, %mul3A_225 : i32
      %add3A_227 = arith.constant 2 : i32
      %add3A_228 = arith.addi %mul3A_226, %add3A_227 : i32
      %get3A_229 = arith.index_cast %add3A_228 : i32 to index
      %get3A_230 = arith.constant 0 : index
      %get3A_231 = tpu.vector_load %arg6[%get3A_229, %get3A_230] {strides = array<i32>} : memref<576x64xf32, #tpu.memory_space<vmem>>, vector<1x16xf32>,
      %get3A_232 = vector.shape_cast %get3A_231 : vector<1x16xf32> to vector<16xf32>
      %add3A_233 = arith.addf %add3A_224, %get3A_232 : vector<16xf32>
      %mul3A_234 = arith.constant 9 : i32
      %mul3A_235 = arith.muli %scan3A_210, %mul3A_234 : i32
      %add3A_236 = arith.constant 3 : i32
      %add3A_237 = arith.addi %mul3A_235, %add3A_236 : i32
      %get3A_238 = arith.index_cast %add3A_237 : i32 to index
      %get3A_239 = arith.constant 0 : index
      %get3A_240 = tpu.vector_load %arg6[%get3A_238, %get3A_239] {strides = array<i32>} : memref<576x64xf32, #tpu.memory_space<vmem>>, vector<1x16xf32>,
      %get3A_241 = vector.shape_cast %get3A_240 : vector<1x16xf32> to vector<16xf32>
      %add3A_242 = arith.addf %add3A_233, %get3A_241 : vector<16xf32>
      %mul3A_243 = arith.constant 9 : i32
      %mul3A_244 = arith.muli %scan3A_210, %mul3A_243 : i32
      %add3A_245 = arith.constant 4 : i32
      %add3A_246 = arith.addi %mul3A_244, %add3A_245 : i32
      %get3A_247 = arith.index_cast %add3A_246 : i32 to index
      %get3A_248 = arith.constant 0 : index
      %get3A_249 = tpu.vector_load %arg6[%get3A_247, %get3A_248] {strides = array<i32>} : memref<576x64xf32, #tpu.memory_space<vmem>>, vector<1x16xf32>,
      %get3A_250 = vector.shape_cast %get3A_249 : vector<1x16xf32> to vector<16xf32>
      %add3A_251 = arith.addf %add3A_242, %get3A_250 : vector<16xf32>
      %mul3A_252 = arith.constant 9 : i32
      %mul3A_253 = arith.muli %scan3A_210, %mul3A_252 : i32
      %add3A_254 = arith.constant 5 : i32
      %add3A_255 = arith.addi %mul3A_253, %add3A_254 : i32
      %get3A_256 = arith.index_cast %add3A_255 : i32 to index
      %get3A_257 = arith.constant 0 : index
      %get3A_258 = tpu.vector_load %arg6[%get3A_256, %get3A_257] {strides = array<i32>} : memref<576x64xf32, #tpu.memory_space<vmem>>, vector<1x16xf32>,
      %get3A_259 = vector.shape_cast %get3A_258 : vector<1x16xf32> to vector<16xf32>
      %add3A_260 = arith.addf %add3A_251, %get3A_259 : vector<16xf32>
      %mul3A_261 = arith.constant 9 : i32
      %mul3A_262 = arith.muli %scan3A_210, %mul3A_261 : i32
      %add3A_263 = arith.constant 6 : i32
      %add3A_264 = arith.addi %mul3A_262, %add3A_263 : i32
      %get3A_265 = arith.index_cast %add3A_264 : i32 to index
      %get3A_266 = arith.constant 0 : index
      %get3A_267 = tpu.vector_load %arg6[%get3A_265, %get3A_266] {strides = array<i32>} : memref<576x64xf32, #tpu.memory_space<vmem>>, vector<1x16xf32>,
      %get3A_268 = vector.shape_cast %get3A_267 : vector<1x16xf32> to vector<16xf32>
      %add3A_269 = arith.addf %add3A_260, %get3A_268 : vector<16xf32>
      %mul3A_270 = arith.constant 9 : i32
      %mul3A_271 = arith.muli %scan3A_210, %mul3A_270 : i32
      %add3A_272 = arith.constant 7 : i32
      %add3A_273 = arith.addi %mul3A_271, %add3A_272 : i32
      %get3A_274 = arith.index_cast %add3A_273 : i32 to index
      %get3A_275 = arith.constant 0 : index
      %get3A_276 = tpu.vector_load %arg6[%get3A_274, %get3A_275] {strides = array<i32>} : memref<576x64xf32, #tpu.memory_space<vmem>>, vector<1x16xf32>,
      %get3A_277 = vector.shape_cast %get3A_276 : vector<1x16xf32> to vector<16xf32>
      %add3A_278 = arith.addf %add3A_269, %get3A_277 : vector<16xf32>
      %mul3A_279 = arith.constant 9 : i32
      %mul3A_280 = arith.muli %scan3A_210, %mul3A_279 : i32
      %add3A_281 = arith.constant 8 : i32
      %add3A_282 = arith.addi %mul3A_280, %add3A_281 : i32
      %get3A_283 = arith.index_cast %add3A_282 : i32 to index
      %get3A_284 = arith.constant 0 : index
      %get3A_285 = tpu.vector_load %arg6[%get3A_283, %get3A_284] {strides = array<i32>} : memref<576x64xf32, #tpu.memory_space<vmem>>, vector<1x16xf32>,
      %get3A_286 = vector.shape_cast %get3A_285 : vector<1x16xf32> to vector<16xf32>
      %add3A_287 = arith.addf %add3A_278, %get3A_286 : vector<16xf32>
      %swap3A = arith.index_cast %scan3A_210 : i32 to index
      %swap3A_288 = arith.constant 0 : index
      %swap3A_289 = tpu.vector_load %arg7[%swap3A, %swap3A_288] {strides = array<i32>} : memref<64x64xf32, #tpu.memory_space<vmem>>, vector<1x16xf32>,
      %swap3A_290 = vector.shape_cast %swap3A_289 : vector<1x16xf32> to vector<16xf32>
      %swap3A_291 = vector.shape_cast %add3A_287 : vector<16xf32> to vector<1x16xf32>
      tpu.vector_store %arg7[%swap3A, %swap3A_288], %swap3A_291 {strides = array<i32>} : memref<64x64xf32, #tpu.memory_space<vmem>>, vector<1x16xf32>,
      %mul3A_292 = arith.constant 9 : i32
      %mul3A_293 = arith.muli %scan3A_210, %mul3A_292 : i32
      %get3A_294 = arith.index_cast %mul3A_293 : i32 to index
      %get3A_295 = arith.constant 16 : index
      %get3A_296 = tpu.vector_load %arg6[%get3A_294, %get3A_295] {strides = array<i32>} : memref<576x64xf32, #tpu.memory_space<vmem>>, vector<1x16xf32>,
      %get3A_297 = vector.shape_cast %get3A_296 : vector<1x16xf32> to vector<16xf32>
      %mul3A_298 = arith.constant 9 : i32
      %mul3A_299 = arith.muli %scan3A_210, %mul3A_298 : i32
      %add3A_300 = arith.constant 1 : i32
      %add3A_301 = arith.addi %mul3A_299, %add3A_300 : i32
      %get3A_302 = arith.index_cast %add3A_301 : i32 to index
      %get3A_303 = arith.constant 16 : index
      %get3A_304 = tpu.vector_load %arg6[%get3A_302, %get3A_303] {strides = array<i32>} : memref<576x64xf32, #tpu.memory_space<vmem>>, vector<1x16xf32>,
      %get3A_305 = vector.shape_cast %get3A_304 : vector<1x16xf32> to vector<16xf32>
      %add3A_306 = arith.addf %get3A_297, %get3A_305 : vector<16xf32>
      %mul3A_307 = arith.constant 9 : i32
      %mul3A_308 = arith.muli %scan3A_210, %mul3A_307 : i32
      %add3A_309 = arith.constant 2 : i32
      %add3A_310 = arith.addi %mul3A_308, %add3A_309 : i32
      %get3A_311 = arith.index_cast %add3A_310 : i32 to index
      %get3A_312 = arith.constant 16 : index
      %get3A_313 = tpu.vector_load %arg6[%get3A_311, %get3A_312] {strides = array<i32>} : memref<576x64xf32, #tpu.memory_space<vmem>>, vector<1x16xf32>,
      %get3A_314 = vector.shape_cast %get3A_313 : vector<1x16xf32> to vector<16xf32>
      %add3A_315 = arith.addf %add3A_306, %get3A_314 : vector<16xf32>
      %mul3A_316 = arith.constant 9 : i32
      %mul3A_317 = arith.muli %scan3A_210, %mul3A_316 : i32
      %add3A_318 = arith.constant 3 : i32
      %add3A_319 = arith.addi %mul3A_317, %add3A_318 : i32
      %get3A_320 = arith.index_cast %add3A_319 : i32 to index
      %get3A_321 = arith.constant 16 : index
      %get3A_322 = tpu.vector_load %arg6[%get3A_320, %get3A_321] {strides = array<i32>} : memref<576x64xf32, #tpu.memory_space<vmem>>, vector<1x16xf32>,
      %get3A_323 = vector.shape_cast %get3A_322 : vector<1x16xf32> to vector<16xf32>
      %add3A_324 = arith.addf %add3A_315, %get3A_323 : vector<16xf32>
      %mul3A_325 = arith.constant 9 : i32
      %mul3A_326 = arith.muli %scan3A_210, %mul3A_325 : i32
      %add3A_327 = arith.constant 4 : i32
      %add3A_328 = arith.addi %mul3A_326, %add3A_327 : i32
      %get3A_329 = arith.index_cast %add3A_328 : i32 to index
      %get3A_330 = arith.constant 16 : index
      %get3A_331 = tpu.vector_load %arg6[%get3A_329, %get3A_330] {strides = array<i32>} : memref<576x64xf32, #tpu.memory_space<vmem>>, vector<1x16xf32>,
      %get3A_332 = vector.shape_cast %get3A_331 : vector<1x16xf32> to vector<16xf32>
      %add3A_333 = arith.addf %add3A_324, %get3A_332 : vector<16xf32>
      %mul3A_334 = arith.constant 9 : i32
      %mul3A_335 = arith.muli %scan3A_210, %mul3A_334 : i32
      %add3A_336 = arith.constant 5 : i32
      %add3A_337 = arith.addi %mul3A_335, %add3A_336 : i32
      %get3A_338 = arith.index_cast %add3A_337 : i32 to index
      %get3A_339 = arith.constant 16 : index
      %get3A_340 = tpu.vector_load %arg6[%get3A_338, %get3A_339] {strides = array<i32>} : memref<576x64xf32, #tpu.memory_space<vmem>>, vector<1x16xf32>,
      %get3A_341 = vector.shape_cast %get3A_340 : vector<1x16xf32> to vector<16xf32>
      %add3A_342 = arith.addf %add3A_333, %get3A_341 : vector<16xf32>
      %mul3A_343 = arith.constant 9 : i32
      %mul3A_344 = arith.muli %scan3A_210, %mul3A_343 : i32
      %add3A_345 = arith.constant 6 : i32
      %add3A_346 = arith.addi %mul3A_344, %add3A_345 : i32
      %get3A_347 = arith.index_cast %add3A_346 : i32 to index
      %get3A_348 = arith.constant 16 : index
      %get3A_349 = tpu.vector_load %arg6[%get3A_347, %get3A_348] {strides = array<i32>} : memref<576x64xf32, #tpu.memory_space<vmem>>, vector<1x16xf32>,
      %get3A_350 = vector.shape_cast %get3A_349 : vector<1x16xf32> to vector<16xf32>
      %add3A_351 = arith.addf %add3A_342, %get3A_350 : vector<16xf32>
      %mul3A_352 = arith.constant 9 : i32
      %mul3A_353 = arith.muli %scan3A_210, %mul3A_352 : i32
      %add3A_354 = arith.constant 7 : i32
      %add3A_355 = arith.addi %mul3A_353, %add3A_354 : i32
      %get3A_356 = arith.index_cast %add3A_355 : i32 to index
      %get3A_357 = arith.constant 16 : index
      %get3A_358 = tpu.vector_load %arg6[%get3A_356, %get3A_357] {strides = array<i32>} : memref<576x64xf32, #tpu.memory_space<vmem>>, vector<1x16xf32>,
      %get3A_359 = vector.shape_cast %get3A_358 : vector<1x16xf32> to vector<16xf32>
      %add3A_360 = arith.addf %add3A_351, %get3A_359 : vector<16xf32>
      %mul3A_361 = arith.constant 9 : i32
      %mul3A_362 = arith.muli %scan3A_210, %mul3A_361 : i32
      %add3A_363 = arith.constant 8 : i32
      %add3A_364 = arith.addi %mul3A_362, %add3A_363 : i32
      %get3A_365 = arith.index_cast %add3A_364 : i32 to index
      %get3A_366 = arith.constant 16 : index
      %get3A_367 = tpu.vector_load %arg6[%get3A_365, %get3A_366] {strides = array<i32>} : memref<576x64xf32, #tpu.memory_space<vmem>>, vector<1x16xf32>,
      %get3A_368 = vector.shape_cast %get3A_367 : vector<1x16xf32> to vector<16xf32>
      %add3A_369 = arith.addf %add3A_360, %get3A_368 : vector<16xf32>
      %swap3A_370 = arith.index_cast %scan3A_210 : i32 to index
      %swap3A_371 = arith.constant 16 : index
      %swap3A_372 = tpu.vector_load %arg7[%swap3A_370, %swap3A_371] {strides = array<i32>} : memref<64x64xf32, #tpu.memory_space<vmem>>, vector<1x16xf32>,
      %swap3A_373 = vector.shape_cast %swap3A_372 : vector<1x16xf32> to vector<16xf32>
      %swap3A_374 = vector.shape_cast %add3A_369 : vector<16xf32> to vector<1x16xf32>
      tpu.vector_store %arg7[%swap3A_370, %swap3A_371], %swap3A_374 {strides = array<i32>} : memref<64x64xf32, #tpu.memory_space<vmem>>, vector<1x16xf32>,
      %mul3A_375 = arith.constant 9 : i32
      %mul3A_376 = arith.muli %scan3A_210, %mul3A_375 : i32
      %get3A_377 = arith.index_cast %mul3A_376 : i32 to index
      %get3A_378 = arith.constant 32 : index
      %get3A_379 = tpu.vector_load %arg6[%get3A_377, %get3A_378] {strides = array<i32>} : memref<576x64xf32, #tpu.memory_space<vmem>>, vector<1x16xf32>,
      %get3A_380 = vector.shape_cast %get3A_379 : vector<1x16xf32> to vector<16xf32>
      %mul3A_381 = arith.constant 9 : i32
      %mul3A_382 = arith.muli %scan3A_210, %mul3A_381 : i32
      %add3A_383 = arith.constant 1 : i32
      %add3A_384 = arith.addi %mul3A_382, %add3A_383 : i32
      %get3A_385 = arith.index_cast %add3A_384 : i32 to index
      %get3A_386 = arith.constant 32 : index
      %get3A_387 = tpu.vector_load %arg6[%get3A_385, %get3A_386] {strides = array<i32>} : memref<576x64xf32, #tpu.memory_space<vmem>>, vector<1x16xf32>,
      %get3A_388 = vector.shape_cast %get3A_387 : vector<1x16xf32> to vector<16xf32>
      %add3A_389 = arith.addf %get3A_380, %get3A_388 : vector<16xf32>
      %mul3A_390 = arith.constant 9 : i32
      %mul3A_391 = arith.muli %scan3A_210, %mul3A_390 : i32
      %add3A_392 = arith.constant 2 : i32
      %add3A_393 = arith.addi %mul3A_391, %add3A_392 : i32
      %get3A_394 = arith.index_cast %add3A_393 : i32 to index
      %get3A_395 = arith.constant 32 : index
      %get3A_396 = tpu.vector_load %arg6[%get3A_394, %get3A_395] {strides = array<i32>} : memref<576x64xf32, #tpu.memory_space<vmem>>, vector<1x16xf32>,
      %get3A_397 = vector.shape_cast %get3A_396 : vector<1x16xf32> to vector<16xf32>
      %add3A_398 = arith.addf %add3A_389, %get3A_397 : vector<16xf32>
      %mul3A_399 = arith.constant 9 : i32
      %mul3A_400 = arith.muli %scan3A_210, %mul3A_399 : i32
      %add3A_401 = arith.constant 3 : i32
      %add3A_402 = arith.addi %mul3A_400, %add3A_401 : i32
      %get3A_403 = arith.index_cast %add3A_402 : i32 to index
      %get3A_404 = arith.constant 32 : index
      %get3A_405 = tpu.vector_load %arg6[%get3A_403, %get3A_404] {strides = array<i32>} : memref<576x64xf32, #tpu.memory_space<vmem>>, vector<1x16xf32>,
      %get3A_406 = vector.shape_cast %get3A_405 : vector<1x16xf32> to vector<16xf32>
      %add3A_407 = arith.addf %add3A_398, %get3A_406 : vector<16xf32>
      %mul3A_408 = arith.constant 9 : i32
      %mul3A_409 = arith.muli %scan3A_210, %mul3A_408 : i32
      %add3A_410 = arith.constant 4 : i32
      %add3A_411 = arith.addi %mul3A_409, %add3A_410 : i32
      %get3A_412 = arith.index_cast %add3A_411 : i32 to index
      %get3A_413 = arith.constant 32 : index
      %get3A_414 = tpu.vector_load %arg6[%get3A_412, %get3A_413] {strides = array<i32>} : memref<576x64xf32, #tpu.memory_space<vmem>>, vector<1x16xf32>,
      %get3A_415 = vector.shape_cast %get3A_414 : vector<1x16xf32> to vector<16xf32>
      %add3A_416 = arith.addf %add3A_407, %get3A_415 : vector<16xf32>
      %mul3A_417 = arith.constant 9 : i32
      %mul3A_418 = arith.muli %scan3A_210, %mul3A_417 : i32
      %add3A_419 = arith.constant 5 : i32
      %add3A_420 = arith.addi %mul3A_418, %add3A_419 : i32
      %get3A_421 = arith.index_cast %add3A_420 : i32 to index
      %get3A_422 = arith.constant 32 : index
      %get3A_423 = tpu.vector_load %arg6[%get3A_421, %get3A_422] {strides = array<i32>} : memref<576x64xf32, #tpu.memory_space<vmem>>, vector<1x16xf32>,
      %get3A_424 = vector.shape_cast %get3A_423 : vector<1x16xf32> to vector<16xf32>
      %add3A_425 = arith.addf %add3A_416, %get3A_424 : vector<16xf32>
      %mul3A_426 = arith.constant 9 : i32
      %mul3A_427 = arith.muli %scan3A_210, %mul3A_426 : i32
      %add3A_428 = arith.constant 6 : i32
      %add3A_429 = arith.addi %mul3A_427, %add3A_428 : i32
      %get3A_430 = arith.index_cast %add3A_429 : i32 to index
      %get3A_431 = arith.constant 32 : index
      %get3A_432 = tpu.vector_load %arg6[%get3A_430, %get3A_431] {strides = array<i32>} : memref<576x64xf32, #tpu.memory_space<vmem>>, vector<1x16xf32>,
      %get3A_433 = vector.shape_cast %get3A_432 : vector<1x16xf32> to vector<16xf32>
      %add3A_434 = arith.addf %add3A_425, %get3A_433 : vector<16xf32>
      %mul3A_435 = arith.constant 9 : i32
      %mul3A_436 = arith.muli %scan3A_210, %mul3A_435 : i32
      %add3A_437 = arith.constant 7 : i32
      %add3A_438 = arith.addi %mul3A_436, %add3A_437 : i32
      %get3A_439 = arith.index_cast %add3A_438 : i32 to index
      %get3A_440 = arith.constant 32 : index
      %get3A_441 = tpu.vector_load %arg6[%get3A_439, %get3A_440] {strides = array<i32>} : memref<576x64xf32, #tpu.memory_space<vmem>>, vector<1x16xf32>,
      %get3A_442 = vector.shape_cast %get3A_441 : vector<1x16xf32> to vector<16xf32>
      %add3A_443 = arith.addf %add3A_434, %get3A_442 : vector<16xf32>
      %mul3A_444 = arith.constant 9 : i32
      %mul3A_445 = arith.muli %scan3A_210, %mul3A_444 : i32
      %add3A_446 = arith.constant 8 : i32
      %add3A_447 = arith.addi %mul3A_445, %add3A_446 : i32
      %get3A_448 = arith.index_cast %add3A_447 : i32 to index
      %get3A_449 = arith.constant 32 : index
      %get3A_450 = tpu.vector_load %arg6[%get3A_448, %get3A_449] {strides = array<i32>} : memref<576x64xf32, #tpu.memory_space<vmem>>, vector<1x16xf32>,
      %get3A_451 = vector.shape_cast %get3A_450 : vector<1x16xf32> to vector<16xf32>
      %add3A_452 = arith.addf %add3A_443, %get3A_451 : vector<16xf32>
      %swap3A_453 = arith.index_cast %scan3A_210 : i32 to index
      %swap3A_454 = arith.constant 32 : index
      %swap3A_455 = tpu.vector_load %arg7[%swap3A_453, %swap3A_454] {strides = array<i32>} : memref<64x64xf32, #tpu.memory_space<vmem>>, vector<1x16xf32>,
      %swap3A_456 = vector.shape_cast %swap3A_455 : vector<1x16xf32> to vector<16xf32>
      %swap3A_457 = vector.shape_cast %add3A_452 : vector<16xf32> to vector<1x16xf32>
      tpu.vector_store %arg7[%swap3A_453, %swap3A_454], %swap3A_457 {strides = array<i32>} : memref<64x64xf32, #tpu.memory_space<vmem>>, vector<1x16xf32>,
      %mul3A_458 = arith.constant 9 : i32
      %mul3A_459 = arith.muli %scan3A_210, %mul3A_458 : i32
      %get3A_460 = arith.index_cast %mul3A_459 : i32 to index
      %get3A_461 = arith.constant 48 : index
      %get3A_462 = tpu.vector_load %arg6[%get3A_460, %get3A_461] {strides = array<i32>} : memref<576x64xf32, #tpu.memory_space<vmem>>, vector<1x16xf32>,
      %get3A_463 = vector.shape_cast %get3A_462 : vector<1x16xf32> to vector<16xf32>
      %mul3A_464 = arith.constant 9 : i32
      %mul3A_465 = arith.muli %scan3A_210, %mul3A_464 : i32
      %add3A_466 = arith.constant 1 : i32
      %add3A_467 = arith.addi %mul3A_465, %add3A_466 : i32
      %get3A_468 = arith.index_cast %add3A_467 : i32 to index
      %get3A_469 = arith.constant 48 : index
      %get3A_470 = tpu.vector_load %arg6[%get3A_468, %get3A_469] {strides = array<i32>} : memref<576x64xf32, #tpu.memory_space<vmem>>, vector<1x16xf32>,
      %get3A_471 = vector.shape_cast %get3A_470 : vector<1x16xf32> to vector<16xf32>
      %add3A_472 = arith.addf %get3A_463, %get3A_471 : vector<16xf32>
      %mul3A_473 = arith.constant 9 : i32
      %mul3A_474 = arith.muli %scan3A_210, %mul3A_473 : i32
      %add3A_475 = arith.constant 2 : i32
      %add3A_476 = arith.addi %mul3A_474, %add3A_475 : i32
      %get3A_477 = arith.index_cast %add3A_476 : i32 to index
      %get3A_478 = arith.constant 48 : index
      %get3A_479 = tpu.vector_load %arg6[%get3A_477, %get3A_478] {strides = array<i32>} : memref<576x64xf32, #tpu.memory_space<vmem>>, vector<1x16xf32>,
      %get3A_480 = vector.shape_cast %get3A_479 : vector<1x16xf32> to vector<16xf32>
      %add3A_481 = arith.addf %add3A_472, %get3A_480 : vector<16xf32>
      %mul3A_482 = arith.constant 9 : i32
      %mul3A_483 = arith.muli %scan3A_210, %mul3A_482 : i32
      %add3A_484 = arith.constant 3 : i32
      %add3A_485 = arith.addi %mul3A_483, %add3A_484 : i32
      %get3A_486 = arith.index_cast %add3A_485 : i32 to index
      %get3A_487 = arith.constant 48 : index
      %get3A_488 = tpu.vector_load %arg6[%get3A_486, %get3A_487] {strides = array<i32>} : memref<576x64xf32, #tpu.memory_space<vmem>>, vector<1x16xf32>,
      %get3A_489 = vector.shape_cast %get3A_488 : vector<1x16xf32> to vector<16xf32>
      %add3A_490 = arith.addf %add3A_481, %get3A_489 : vector<16xf32>
      %mul3A_491 = arith.constant 9 : i32
      %mul3A_492 = arith.muli %scan3A_210, %mul3A_491 : i32
      %add3A_493 = arith.constant 4 : i32
      %add3A_494 = arith.addi %mul3A_492, %add3A_493 : i32
      %get3A_495 = arith.index_cast %add3A_494 : i32 to index
      %get3A_496 = arith.constant 48 : index
      %get3A_497 = tpu.vector_load %arg6[%get3A_495, %get3A_496] {strides = array<i32>} : memref<576x64xf32, #tpu.memory_space<vmem>>, vector<1x16xf32>,
      %get3A_498 = vector.shape_cast %get3A_497 : vector<1x16xf32> to vector<16xf32>
      %add3A_499 = arith.addf %add3A_490, %get3A_498 : vector<16xf32>
      %mul3A_500 = arith.constant 9 : i32
      %mul3A_501 = arith.muli %scan3A_210, %mul3A_500 : i32
      %add3A_502 = arith.constant 5 : i32
      %add3A_503 = arith.addi %mul3A_501, %add3A_502 : i32
      %get3A_504 = arith.index_cast %add3A_503 : i32 to index
      %get3A_505 = arith.constant 48 : index
      %get3A_506 = tpu.vector_load %arg6[%get3A_504, %get3A_505] {strides = array<i32>} : memref<576x64xf32, #tpu.memory_space<vmem>>, vector<1x16xf32>,
      %get3A_507 = vector.shape_cast %get3A_506 : vector<1x16xf32> to vector<16xf32>
      %add3A_508 = arith.addf %add3A_499, %get3A_507 : vector<16xf32>
      %mul3A_509 = arith.constant 9 : i32
      %mul3A_510 = arith.muli %scan3A_210, %mul3A_509 : i32
      %add3A_511 = arith.constant 6 : i32
      %add3A_512 = arith.addi %mul3A_510, %add3A_511 : i32
      %get3A_513 = arith.index_cast %add3A_512 : i32 to index
      %get3A_514 = arith.constant 48 : index
      %get3A_515 = tpu.vector_load %arg6[%get3A_513, %get3A_514] {strides = array<i32>} : memref<576x64xf32, #tpu.memory_space<vmem>>, vector<1x16xf32>,
      %get3A_516 = vector.shape_cast %get3A_515 : vector<1x16xf32> to vector<16xf32>
      %add3A_517 = arith.addf %add3A_508, %get3A_516 : vector<16xf32>
      %mul3A_518 = arith.constant 9 : i32
      %mul3A_519 = arith.muli %scan3A_210, %mul3A_518 : i32
      %add3A_520 = arith.constant 7 : i32
      %add3A_521 = arith.addi %mul3A_519, %add3A_520 : i32
      %get3A_522 = arith.index_cast %add3A_521 : i32 to index
      %get3A_523 = arith.constant 48 : index
      %get3A_524 = tpu.vector_load %arg6[%get3A_522, %get3A_523] {strides = array<i32>} : memref<576x64xf32, #tpu.memory_space<vmem>>, vector<1x16xf32>,
      %get3A_525 = vector.shape_cast %get3A_524 : vector<1x16xf32> to vector<16xf32>
      %add3A_526 = arith.addf %add3A_517, %get3A_525 : vector<16xf32>
      %mul3A_527 = arith.constant 9 : i32
      %mul3A_528 = arith.muli %scan3A_210, %mul3A_527 : i32
      %add3A_529 = arith.constant 8 : i32
      %add3A_530 = arith.addi %mul3A_528, %add3A_529 : i32
      %get3A_531 = arith.index_cast %add3A_530 : i32 to index
      %get3A_532 = arith.constant 48 : index
      %get3A_533 = tpu.vector_load %arg6[%get3A_531, %get3A_532] {strides = array<i32>} : memref<576x64xf32, #tpu.memory_space<vmem>>, vector<1x16xf32>,
      %get3A_534 = vector.shape_cast %get3A_533 : vector<1x16xf32> to vector<16xf32>
      %add3A_535 = arith.addf %add3A_526, %get3A_534 : vector<16xf32>
      %swap3A_536 = arith.index_cast %scan3A_210 : i32 to index
      %swap3A_537 = arith.constant 48 : index
      %swap3A_538 = tpu.vector_load %arg7[%swap3A_536, %swap3A_537] {strides = array<i32>} : memref<64x64xf32, #tpu.memory_space<vmem>>, vector<1x16xf32>,
      %swap3A_539 = vector.shape_cast %swap3A_538 : vector<1x16xf32> to vector<16xf32>
      %swap3A_540 = vector.shape_cast %add3A_535 : vector<16xf32> to vector<1x16xf32>
      tpu.vector_store %arg7[%swap3A_536, %swap3A_537], %swap3A_540 {strides = array<i32>} : memref<64x64xf32, #tpu.memory_space<vmem>>, vector<1x16xf32>,
    }
    %scan3A_207 = arith.constant 64 : i32
    %add3A_208 = arith.constant 64 : i32
    %add3A_209 = arith.addi %mul3A_2, %add3A_208 : i32
    "tpu.region"() ({
      %run_scoped3A = tpu.sem_alloc : memref<!tpu.dma_semaphore, #tpu.memory_space<semaphore_mem>>
      %dma_start3A_210 = arith.constant 0 : i32
      %dma_start3A_211 = tpu.memref_slice %arg4[%add3A_209, %dma_start3A_210] : memref<4096x64xf32, #tpu.memory_space<hbm>> -> memref<64x64xf32, #tpu.memory_space<hbm>>
      %dma_start3A_212 = arith.constant 0 : i32
      %dma_start3A_213 = tpu.memref_slice %arg4[%add3A_209, %dma_start3A_212] : memref<4096x64xf32, #tpu.memory_space<hbm>> -> memref<64x64xf32, #tpu.memory_space<hbm>>
      tpu.enqueue_dma source(%arg7 : memref<64x64xf32, #tpu.memory_space<vmem>>) target(%dma_start3A_213 : memref<64x64xf32, #tpu.memory_space<hbm>>) target_semaphore(%run_scoped3A : memref<!tpu.dma_semaphore, #tpu.memory_space<semaphore_mem>>)
      %dma_wait3A_214 = arith.constant 0 : i32
      %dma_wait3A_215 = tpu.memref_slice %arg4[%add3A_209, %dma_wait3A_214] : memref<4096x64xf32, #tpu.memory_space<hbm>> -> memref<64x64xf32, #tpu.memory_space<hbm>>
      %dma_wait3A_216 = arith.constant 0 : i32
      %dma_wait3A_217 = tpu.memref_slice %arg4[%add3A_209, %dma_wait3A_216] : memref<4096x64xf32, #tpu.memory_space<hbm>> -> memref<64x64xf32, #tpu.memory_space<hbm>>
      tpu.wait_dma2 semaphore(%run_scoped3A : memref<!tpu.dma_semaphore, #tpu.memory_space<semaphore_mem>>) src(%arg7 : memref<64x64xf32, #tpu.memory_space<vmem>>) dst(%dma_wait3A_217 : memref<64x64xf32, #tpu.memory_space<hbm>>)
      tpu.yield
    }) : () -> ()
    return
  }
}

#map = affine_map<(d0, d1) -> (0)>
#map1 = affine_map<(d0, d1) -> (0, 0)>
module attributes {stable_mosaic.version = 14 : i64} {
  func.func @_sc_gather_body(%arg0: i32, %arg1: i32, %arg2: memref<36864xi32, #tpu.memory_space<hbm>>, %arg3: memref<73728x64xf32, #tpu.memory_space<hbm>>, %arg4: memref<4096x64xf32, #tpu.memory_space<hbm>>, %arg5: memref<1152xi32, #tpu.memory_space<vmem>>, %arg6: memref<576x64xf32, #tpu.memory_space<vmem>>, %arg7: memref<64x64xf32, #tpu.memory_space<vmem>>, %arg8: memref<!tpu.dma_semaphore, #tpu.memory_space<semaphore_mem>>) attributes {dimension_semantics = [#tpu.dimension_semantics<core_parallel>, #tpu.dimension_semantics<subcore_parallel>], iteration_bounds = array<i64: 2, 16>, scalar_prefetch = 0 : i64, scratch_operands = 4 : i64, tpu.core_type = #tpu.core_type<sc_vector_subcore>, window_params = [{transform_indices = #map}, {transform_indices = #map1}, {transform_indices = #map1}]} {
    %mul3A = arith.constant 2 : i32
    %mul3A_0 = arith.muli %arg1, %mul3A : i32
    %add3A = arith.addi %mul3A_0, %arg0 : i32
    %mul3A_1 = arith.constant 128 : i32
    %mul3A_2 = arith.muli %add3A, %mul3A_1 : i32
    %mul3A_3 = arith.constant 9 : i32
    %mul3A_4 = arith.muli %mul3A_2, %mul3A_3 : i32
    "tpu.region"() ({
      %run_scoped3A = tpu.sem_alloc : memref<!tpu.dma_semaphore, #tpu.memory_space<semaphore_mem>>
      %dma_start3A_210 = tpu.memref_slice %arg2[%mul3A_4] : memref<36864xi32, #tpu.memory_space<hbm>> -> memref<1152xi32, #tpu.memory_space<hbm>>
      %dma_start3A_211 = tpu.memref_slice %arg2[%mul3A_4] : memref<36864xi32, #tpu.memory_space<hbm>> -> memref<1152xi32, #tpu.memory_space<hbm>>
      tpu.enqueue_dma source(%dma_start3A_211 : memref<1152xi32, #tpu.memory_space<hbm>>) target(%arg5 : memref<1152xi32, #tpu.memory_space<vmem>>) target_semaphore(%run_scoped3A : memref<!tpu.dma_semaphore, #tpu.memory_space<semaphore_mem>>)
      %dma_wait3A_212 = tpu.memref_slice %arg2[%mul3A_4] : memref<36864xi32, #tpu.memory_space<hbm>> -> memref<1152xi32, #tpu.memory_space<hbm>>
      %dma_wait3A_213 = tpu.memref_slice %arg2[%mul3A_4] : memref<36864xi32, #tpu.memory_space<hbm>> -> memref<1152xi32, #tpu.memory_space<hbm>>
      tpu.wait_dma2 semaphore(%run_scoped3A : memref<!tpu.dma_semaphore, #tpu.memory_space<semaphore_mem>>) src(%dma_wait3A_213 : memref<1152xi32, #tpu.memory_space<hbm>>) dst(%arg5 : memref<1152xi32, #tpu.memory_space<vmem>>)
      tpu.yield
    }) : () -> ()
    %dma_start3A = arith.constant 0 : i32
    %dma_start3A_5 = arith.constant 0 : i32
    %dma_start3A_6 = tpu.memref_slice %arg6[%dma_start3A, %dma_start3A_5] : memref<576x64xf32, #tpu.memory_space<vmem>> -> memref<96x64xf32, #tpu.memory_space<vmem>>
    %dma_start3A_7 = arith.constant 0 : i32
    %dma_start3A_8 = tpu.memref_slice %arg5[%dma_start3A_7] : memref<1152xi32, #tpu.memory_space<vmem>> -> memref<96xi32, #tpu.memory_space<vmem>>
    %dma_start3A_9 = arith.constant 0 : i32
    %dma_start3A_10 = arith.constant 0 : i32
    %dma_start3A_11 = tpu.memref_slice %arg3[%dma_start3A_9, %dma_start3A_10] : memref<73728x64xf32, #tpu.memory_space<hbm>> -> memref<73728x64xf32, #tpu.memory_space<hbm>>
    tpu.enqueue_indirect_dma source(%dma_start3A_11 : memref<73728x64xf32, #tpu.memory_space<hbm>>) target(%dma_start3A_6 : memref<96x64xf32, #tpu.memory_space<vmem>>) offsets(%dma_start3A_8 : memref<96xi32, #tpu.memory_space<vmem>>) semaphore(%arg8 : memref<!tpu.dma_semaphore, #tpu.memory_space<semaphore_mem>>)
    %dma_start3A_12 = arith.constant 96 : i32
    %dma_start3A_13 = arith.constant 0 : i32
    %dma_start3A_14 = tpu.memref_slice %arg6[%dma_start3A_12, %dma_start3A_13] : memref<576x64xf32, #tpu.memory_space<vmem>> -> memref<96x64xf32, #tpu.memory_space<vmem>>
    %dma_start3A_15 = arith.constant 96 : i32
    %dma_start3A_16 = tpu.memref_slice %arg5[%dma_start3A_15] : memref<1152xi32, #tpu.memory_space<vmem>> -> memref<96xi32, #tpu.memory_space<vmem>>
    %dma_start3A_17 = arith.constant 0 : i32
    %dma_start3A_18 = arith.constant 0 : i32
    %dma_start3A_19 = tpu.memref_slice %arg3[%dma_start3A_17, %dma_start3A_18] : memref<73728x64xf32, #tpu.memory_space<hbm>> -> memref<73728x64xf32, #tpu.memory_space<hbm>>
    tpu.enqueue_indirect_dma source(%dma_start3A_19 : memref<73728x64xf32, #tpu.memory_space<hbm>>) target(%dma_start3A_14 : memref<96x64xf32, #tpu.memory_space<vmem>>) offsets(%dma_start3A_16 : memref<96xi32, #tpu.memory_space<vmem>>) semaphore(%arg8 : memref<!tpu.dma_semaphore, #tpu.memory_space<semaphore_mem>>)
    %dma_start3A_20 = arith.constant 192 : i32
    %dma_start3A_21 = arith.constant 0 : i32
    %dma_start3A_22 = tpu.memref_slice %arg6[%dma_start3A_20, %dma_start3A_21] : memref<576x64xf32, #tpu.memory_space<vmem>> -> memref<96x64xf32, #tpu.memory_space<vmem>>
    %dma_start3A_23 = arith.constant 192 : i32
    %dma_start3A_24 = tpu.memref_slice %arg5[%dma_start3A_23] : memref<1152xi32, #tpu.memory_space<vmem>> -> memref<96xi32, #tpu.memory_space<vmem>>
    %dma_start3A_25 = arith.constant 0 : i32
    %dma_start3A_26 = arith.constant 0 : i32
    %dma_start3A_27 = tpu.memref_slice %arg3[%dma_start3A_25, %dma_start3A_26] : memref<73728x64xf32, #tpu.memory_space<hbm>> -> memref<73728x64xf32, #tpu.memory_space<hbm>>
    tpu.enqueue_indirect_dma source(%dma_start3A_27 : memref<73728x64xf32, #tpu.memory_space<hbm>>) target(%dma_start3A_22 : memref<96x64xf32, #tpu.memory_space<vmem>>) offsets(%dma_start3A_24 : memref<96xi32, #tpu.memory_space<vmem>>) semaphore(%arg8 : memref<!tpu.dma_semaphore, #tpu.memory_space<semaphore_mem>>)
    %dma_start3A_28 = arith.constant 288 : i32
    %dma_start3A_29 = arith.constant 0 : i32
    %dma_start3A_30 = tpu.memref_slice %arg6[%dma_start3A_28, %dma_start3A_29] : memref<576x64xf32, #tpu.memory_space<vmem>> -> memref<96x64xf32, #tpu.memory_space<vmem>>
    %dma_start3A_31 = arith.constant 288 : i32
    %dma_start3A_32 = tpu.memref_slice %arg5[%dma_start3A_31] : memref<1152xi32, #tpu.memory_space<vmem>> -> memref<96xi32, #tpu.memory_space<vmem>>
    %dma_start3A_33 = arith.constant 0 : i32
    %dma_start3A_34 = arith.constant 0 : i32
    %dma_start3A_35 = tpu.memref_slice %arg3[%dma_start3A_33, %dma_start3A_34] : memref<73728x64xf32, #tpu.memory_space<hbm>> -> memref<73728x64xf32, #tpu.memory_space<hbm>>
    tpu.enqueue_indirect_dma source(%dma_start3A_35 : memref<73728x64xf32, #tpu.memory_space<hbm>>) target(%dma_start3A_30 : memref<96x64xf32, #tpu.memory_space<vmem>>) offsets(%dma_start3A_32 : memref<96xi32, #tpu.memory_space<vmem>>) semaphore(%arg8 : memref<!tpu.dma_semaphore, #tpu.memory_space<semaphore_mem>>)
    %dma_start3A_36 = arith.constant 384 : i32
    %dma_start3A_37 = arith.constant 0 : i32
    %dma_start3A_38 = tpu.memref_slice %arg6[%dma_start3A_36, %dma_start3A_37] : memref<576x64xf32, #tpu.memory_space<vmem>> -> memref<96x64xf32, #tpu.memory_space<vmem>>
    %dma_start3A_39 = arith.constant 384 : i32
    %dma_start3A_40 = tpu.memref_slice %arg5[%dma_start3A_39] : memref<1152xi32, #tpu.memory_space<vmem>> -> memref<96xi32, #tpu.memory_space<vmem>>
    %dma_start3A_41 = arith.constant 0 : i32
    %dma_start3A_42 = arith.constant 0 : i32
    %dma_start3A_43 = tpu.memref_slice %arg3[%dma_start3A_41, %dma_start3A_42] : memref<73728x64xf32, #tpu.memory_space<hbm>> -> memref<73728x64xf32, #tpu.memory_space<hbm>>
    tpu.enqueue_indirect_dma source(%dma_start3A_43 : memref<73728x64xf32, #tpu.memory_space<hbm>>) target(%dma_start3A_38 : memref<96x64xf32, #tpu.memory_space<vmem>>) offsets(%dma_start3A_40 : memref<96xi32, #tpu.memory_space<vmem>>) semaphore(%arg8 : memref<!tpu.dma_semaphore, #tpu.memory_space<semaphore_mem>>)
    %dma_start3A_44 = arith.constant 480 : i32
    %dma_start3A_45 = arith.constant 0 : i32
    %dma_start3A_46 = tpu.memref_slice %arg6[%dma_start3A_44, %dma_start3A_45] : memref<576x64xf32, #tpu.memory_space<vmem>> -> memref<96x64xf32, #tpu.memory_space<vmem>>
    %dma_start3A_47 = arith.constant 480 : i32
    %dma_start3A_48 = tpu.memref_slice %arg5[%dma_start3A_47] : memref<1152xi32, #tpu.memory_space<vmem>> -> memref<96xi32, #tpu.memory_space<vmem>>
    %dma_start3A_49 = arith.constant 0 : i32
    %dma_start3A_50 = arith.constant 0 : i32
    %dma_start3A_51 = tpu.memref_slice %arg3[%dma_start3A_49, %dma_start3A_50] : memref<73728x64xf32, #tpu.memory_space<hbm>> -> memref<73728x64xf32, #tpu.memory_space<hbm>>
    tpu.enqueue_indirect_dma source(%dma_start3A_51 : memref<73728x64xf32, #tpu.memory_space<hbm>>) target(%dma_start3A_46 : memref<96x64xf32, #tpu.memory_space<vmem>>) offsets(%dma_start3A_48 : memref<96xi32, #tpu.memory_space<vmem>>) semaphore(%arg8 : memref<!tpu.dma_semaphore, #tpu.memory_space<semaphore_mem>>)
    %dma_wait3A = arith.constant 0 : i32
    %dma_wait3A_52 = arith.constant 0 : i32
    %dma_wait3A_53 = tpu.memref_slice %arg6[%dma_wait3A, %dma_wait3A_52] : memref<576x64xf32, #tpu.memory_space<vmem>> -> memref<96x64xf32, #tpu.memory_space<vmem>>
    %dma_wait3A_54 = arith.constant 0 : i32
    %dma_wait3A_55 = tpu.memref_slice %arg5[%dma_wait3A_54] : memref<1152xi32, #tpu.memory_space<vmem>> -> memref<96xi32, #tpu.memory_space<vmem>>
    %dma_wait3A_56 = arith.constant 0 : i32
    %dma_wait3A_57 = arith.constant 0 : i32
    %dma_wait3A_58 = tpu.memref_slice %arg3[%dma_wait3A_56, %dma_wait3A_57] : memref<73728x64xf32, #tpu.memory_space<hbm>> -> memref<73728x64xf32, #tpu.memory_space<hbm>>
    tpu.wait_indirect_dma semaphore(%arg8 : memref<!tpu.dma_semaphore, #tpu.memory_space<semaphore_mem>>) src(%dma_wait3A_58 : memref<73728x64xf32, #tpu.memory_space<hbm>>) dst(%dma_wait3A_53 : memref<96x64xf32, #tpu.memory_space<vmem>>)
    %dma_wait3A_59 = arith.constant 96 : i32
    %dma_wait3A_60 = arith.constant 0 : i32
    %dma_wait3A_61 = tpu.memref_slice %arg6[%dma_wait3A_59, %dma_wait3A_60] : memref<576x64xf32, #tpu.memory_space<vmem>> -> memref<96x64xf32, #tpu.memory_space<vmem>>
    %dma_wait3A_62 = arith.constant 96 : i32
    %dma_wait3A_63 = tpu.memref_slice %arg5[%dma_wait3A_62] : memref<1152xi32, #tpu.memory_space<vmem>> -> memref<96xi32, #tpu.memory_space<vmem>>
    %dma_wait3A_64 = arith.constant 0 : i32
    %dma_wait3A_65 = arith.constant 0 : i32
    %dma_wait3A_66 = tpu.memref_slice %arg3[%dma_wait3A_64, %dma_wait3A_65] : memref<73728x64xf32, #tpu.memory_space<hbm>> -> memref<73728x64xf32, #tpu.memory_space<hbm>>
    tpu.wait_indirect_dma semaphore(%arg8 : memref<!tpu.dma_semaphore, #tpu.memory_space<semaphore_mem>>) src(%dma_wait3A_66 : memref<73728x64xf32, #tpu.memory_space<hbm>>) dst(%dma_wait3A_61 : memref<96x64xf32, #tpu.memory_space<vmem>>)
    %dma_wait3A_67 = arith.constant 192 : i32
    %dma_wait3A_68 = arith.constant 0 : i32
    %dma_wait3A_69 = tpu.memref_slice %arg6[%dma_wait3A_67, %dma_wait3A_68] : memref<576x64xf32, #tpu.memory_space<vmem>> -> memref<96x64xf32, #tpu.memory_space<vmem>>
    %dma_wait3A_70 = arith.constant 192 : i32
    %dma_wait3A_71 = tpu.memref_slice %arg5[%dma_wait3A_70] : memref<1152xi32, #tpu.memory_space<vmem>> -> memref<96xi32, #tpu.memory_space<vmem>>
    %dma_wait3A_72 = arith.constant 0 : i32
    %dma_wait3A_73 = arith.constant 0 : i32
    %dma_wait3A_74 = tpu.memref_slice %arg3[%dma_wait3A_72, %dma_wait3A_73] : memref<73728x64xf32, #tpu.memory_space<hbm>> -> memref<73728x64xf32, #tpu.memory_space<hbm>>
    tpu.wait_indirect_dma semaphore(%arg8 : memref<!tpu.dma_semaphore, #tpu.memory_space<semaphore_mem>>) src(%dma_wait3A_74 : memref<73728x64xf32, #tpu.memory_space<hbm>>) dst(%dma_wait3A_69 : memref<96x64xf32, #tpu.memory_space<vmem>>)
    %dma_wait3A_75 = arith.constant 288 : i32
    %dma_wait3A_76 = arith.constant 0 : i32
    %dma_wait3A_77 = tpu.memref_slice %arg6[%dma_wait3A_75, %dma_wait3A_76] : memref<576x64xf32, #tpu.memory_space<vmem>> -> memref<96x64xf32, #tpu.memory_space<vmem>>
    %dma_wait3A_78 = arith.constant 288 : i32
    %dma_wait3A_79 = tpu.memref_slice %arg5[%dma_wait3A_78] : memref<1152xi32, #tpu.memory_space<vmem>> -> memref<96xi32, #tpu.memory_space<vmem>>
    %dma_wait3A_80 = arith.constant 0 : i32
    %dma_wait3A_81 = arith.constant 0 : i32
    %dma_wait3A_82 = tpu.memref_slice %arg3[%dma_wait3A_80, %dma_wait3A_81] : memref<73728x64xf32, #tpu.memory_space<hbm>> -> memref<73728x64xf32, #tpu.memory_space<hbm>>
    tpu.wait_indirect_dma semaphore(%arg8 : memref<!tpu.dma_semaphore, #tpu.memory_space<semaphore_mem>>) src(%dma_wait3A_82 : memref<73728x64xf32, #tpu.memory_space<hbm>>) dst(%dma_wait3A_77 : memref<96x64xf32, #tpu.memory_space<vmem>>)
    %dma_wait3A_83 = arith.constant 384 : i32
    %dma_wait3A_84 = arith.constant 0 : i32
    %dma_wait3A_85 = tpu.memref_slice %arg6[%dma_wait3A_83, %dma_wait3A_84] : memref<576x64xf32, #tpu.memory_space<vmem>> -> memref<96x64xf32, #tpu.memory_space<vmem>>
    %dma_wait3A_86 = arith.constant 384 : i32
    %dma_wait3A_87 = tpu.memref_slice %arg5[%dma_wait3A_86] : memref<1152xi32, #tpu.memory_space<vmem>> -> memref<96xi32, #tpu.memory_space<vmem>>
    %dma_wait3A_88 = arith.constant 0 : i32
    %dma_wait3A_89 = arith.constant 0 : i32
    %dma_wait3A_90 = tpu.memref_slice %arg3[%dma_wait3A_88, %dma_wait3A_89] : memref<73728x64xf32, #tpu.memory_space<hbm>> -> memref<73728x64xf32, #tpu.memory_space<hbm>>
    tpu.wait_indirect_dma semaphore(%arg8 : memref<!tpu.dma_semaphore, #tpu.memory_space<semaphore_mem>>) src(%dma_wait3A_90 : memref<73728x64xf32, #tpu.memory_space<hbm>>) dst(%dma_wait3A_85 : memref<96x64xf32, #tpu.memory_space<vmem>>)
    %dma_wait3A_91 = arith.constant 480 : i32
    %dma_wait3A_92 = arith.constant 0 : i32
    %dma_wait3A_93 = tpu.memref_slice %arg6[%dma_wait3A_91, %dma_wait3A_92] : memref<576x64xf32, #tpu.memory_space<vmem>> -> memref<96x64xf32, #tpu.memory_space<vmem>>
    %dma_wait3A_94 = arith.constant 480 : i32
    %dma_wait3A_95 = tpu.memref_slice %arg5[%dma_wait3A_94] : memref<1152xi32, #tpu.memory_space<vmem>> -> memref<96xi32, #tpu.memory_space<vmem>>
    %dma_wait3A_96 = arith.constant 0 : i32
    %dma_wait3A_97 = arith.constant 0 : i32
    %dma_wait3A_98 = tpu.memref_slice %arg3[%dma_wait3A_96, %dma_wait3A_97] : memref<73728x64xf32, #tpu.memory_space<hbm>> -> memref<73728x64xf32, #tpu.memory_space<hbm>>
    tpu.wait_indirect_dma semaphore(%arg8 : memref<!tpu.dma_semaphore, #tpu.memory_space<semaphore_mem>>) src(%dma_wait3A_98 : memref<73728x64xf32, #tpu.memory_space<hbm>>) dst(%dma_wait3A_93 : memref<96x64xf32, #tpu.memory_space<vmem>>)
    %scan3A = arith.constant 0 : i32
    %scan3A_99 = arith.constant 0 : i32
    %scan3A_100 = arith.constant 64 : i32
    %scan3A_101 = arith.addi %scan3A_99, %scan3A_100 : i32
    %scan3A_102 = arith.constant 1 : i32
    scf.for %scan3A_210 = %scan3A_99 to %scan3A_101 step %scan3A_102  : i32 {
      %mul3A_211 = arith.constant 9 : i32
      %mul3A_212 = arith.muli %scan3A_210, %mul3A_211 : i32
      %get3A = arith.index_cast %mul3A_212 : i32 to index
      %get3A_213 = arith.constant 0 : index
      %get3A_214 = tpu.vector_load %arg6[%get3A, %get3A_213] {strides = array<i32>} : memref<576x64xf32, #tpu.memory_space<vmem>>, vector<1x16xf32>,
      %get3A_215 = vector.shape_cast %get3A_214 : vector<1x16xf32> to vector<16xf32>
      %mul3A_216 = arith.constant 9 : i32
      %mul3A_217 = arith.muli %scan3A_210, %mul3A_216 : i32
      %add3A_218 = arith.constant 1 : i32
      %add3A_219 = arith.addi %mul3A_217, %add3A_218 : i32
      %get3A_220 = arith.index_cast %add3A_219 : i32 to index
      %get3A_221 = arith.constant 0 : index
      %get3A_222 = tpu.vector_load %arg6[%get3A_220, %get3A_221] {strides = array<i32>} : memref<576x64xf32, #tpu.memory_space<vmem>>, vector<1x16xf32>,
      %get3A_223 = vector.shape_cast %get3A_222 : vector<1x16xf32> to vector<16xf32>
      %add3A_224 = arith.addf %get3A_215, %get3A_223 : vector<16xf32>
      %mul3A_225 = arith.constant 9 : i32
      %mul3A_226 = arith.muli %scan3A_210, %mul3A_225 : i32
      %add3A_227 = arith.constant 2 : i32
      %add3A_228 = arith.addi %mul3A_226, %add3A_227 : i32
      %get3A_229 = arith.index_cast %add3A_228 : i32 to index
      %get3A_230 = arith.constant 0 : index
      %get3A_231 = tpu.vector_load %arg6[%get3A_229, %get3A_230] {strides = array<i32>} : memref<576x64xf32, #tpu.memory_space<vmem>>, vector<1x16xf32>,
      %get3A_232 = vector.shape_cast %get3A_231 : vector<1x16xf32> to vector<16xf32>
      %add3A_233 = arith.addf %add3A_224, %get3A_232 : vector<16xf32>
      %mul3A_234 = arith.constant 9 : i32
      %mul3A_235 = arith.muli %scan3A_210, %mul3A_234 : i32
      %add3A_236 = arith.constant 3 : i32
      %add3A_237 = arith.addi %mul3A_235, %add3A_236 : i32
      %get3A_238 = arith.index_cast %add3A_237 : i32 to index
      %get3A_239 = arith.constant 0 : index
      %get3A_240 = tpu.vector_load %arg6[%get3A_238, %get3A_239] {strides = array<i32>} : memref<576x64xf32, #tpu.memory_space<vmem>>, vector<1x16xf32>,
      %get3A_241 = vector.shape_cast %get3A_240 : vector<1x16xf32> to vector<16xf32>
      %add3A_242 = arith.addf %add3A_233, %get3A_241 : vector<16xf32>
      %mul3A_243 = arith.constant 9 : i32
      %mul3A_244 = arith.muli %scan3A_210, %mul3A_243 : i32
      %add3A_245 = arith.constant 4 : i32
      %add3A_246 = arith.addi %mul3A_244, %add3A_245 : i32
      %get3A_247 = arith.index_cast %add3A_246 : i32 to index
      %get3A_248 = arith.constant 0 : index
      %get3A_249 = tpu.vector_load %arg6[%get3A_247, %get3A_248] {strides = array<i32>} : memref<576x64xf32, #tpu.memory_space<vmem>>, vector<1x16xf32>,
      %get3A_250 = vector.shape_cast %get3A_249 : vector<1x16xf32> to vector<16xf32>
      %add3A_251 = arith.addf %add3A_242, %get3A_250 : vector<16xf32>
      %mul3A_252 = arith.constant 9 : i32
      %mul3A_253 = arith.muli %scan3A_210, %mul3A_252 : i32
      %add3A_254 = arith.constant 5 : i32
      %add3A_255 = arith.addi %mul3A_253, %add3A_254 : i32
      %get3A_256 = arith.index_cast %add3A_255 : i32 to index
      %get3A_257 = arith.constant 0 : index
      %get3A_258 = tpu.vector_load %arg6[%get3A_256, %get3A_257] {strides = array<i32>} : memref<576x64xf32, #tpu.memory_space<vmem>>, vector<1x16xf32>,
      %get3A_259 = vector.shape_cast %get3A_258 : vector<1x16xf32> to vector<16xf32>
      %add3A_260 = arith.addf %add3A_251, %get3A_259 : vector<16xf32>
      %mul3A_261 = arith.constant 9 : i32
      %mul3A_262 = arith.muli %scan3A_210, %mul3A_261 : i32
      %add3A_263 = arith.constant 6 : i32
      %add3A_264 = arith.addi %mul3A_262, %add3A_263 : i32
      %get3A_265 = arith.index_cast %add3A_264 : i32 to index
      %get3A_266 = arith.constant 0 : index
      %get3A_267 = tpu.vector_load %arg6[%get3A_265, %get3A_266] {strides = array<i32>} : memref<576x64xf32, #tpu.memory_space<vmem>>, vector<1x16xf32>,
      %get3A_268 = vector.shape_cast %get3A_267 : vector<1x16xf32> to vector<16xf32>
      %add3A_269 = arith.addf %add3A_260, %get3A_268 : vector<16xf32>
      %mul3A_270 = arith.constant 9 : i32
      %mul3A_271 = arith.muli %scan3A_210, %mul3A_270 : i32
      %add3A_272 = arith.constant 7 : i32
      %add3A_273 = arith.addi %mul3A_271, %add3A_272 : i32
      %get3A_274 = arith.index_cast %add3A_273 : i32 to index
      %get3A_275 = arith.constant 0 : index
      %get3A_276 = tpu.vector_load %arg6[%get3A_274, %get3A_275] {strides = array<i32>} : memref<576x64xf32, #tpu.memory_space<vmem>>, vector<1x16xf32>,
      %get3A_277 = vector.shape_cast %get3A_276 : vector<1x16xf32> to vector<16xf32>
      %add3A_278 = arith.addf %add3A_269, %get3A_277 : vector<16xf32>
      %mul3A_279 = arith.constant 9 : i32
      %mul3A_280 = arith.muli %scan3A_210, %mul3A_279 : i32
      %add3A_281 = arith.constant 8 : i32
      %add3A_282 = arith.addi %mul3A_280, %add3A_281 : i32
      %get3A_283 = arith.index_cast %add3A_282 : i32 to index
      %get3A_284 = arith.constant 0 : index
      %get3A_285 = tpu.vector_load %arg6[%get3A_283, %get3A_284] {strides = array<i32>} : memref<576x64xf32, #tpu.memory_space<vmem>>, vector<1x16xf32>,
      %get3A_286 = vector.shape_cast %get3A_285 : vector<1x16xf32> to vector<16xf32>
      %add3A_287 = arith.addf %add3A_278, %get3A_286 : vector<16xf32>
      %swap3A = arith.index_cast %scan3A_210 : i32 to index
      %swap3A_288 = arith.constant 0 : index
      %swap3A_289 = tpu.vector_load %arg7[%swap3A, %swap3A_288] {strides = array<i32>} : memref<64x64xf32, #tpu.memory_space<vmem>>, vector<1x16xf32>,
      %swap3A_290 = vector.shape_cast %swap3A_289 : vector<1x16xf32> to vector<16xf32>
      %swap3A_291 = vector.shape_cast %add3A_287 : vector<16xf32> to vector<1x16xf32>
      tpu.vector_store %arg7[%swap3A, %swap3A_288], %swap3A_291 {strides = array<i32>} : memref<64x64xf32, #tpu.memory_space<vmem>>, vector<1x16xf32>,
      %mul3A_292 = arith.constant 9 : i32
      %mul3A_293 = arith.muli %scan3A_210, %mul3A_292 : i32
      %get3A_294 = arith.index_cast %mul3A_293 : i32 to index
      %get3A_295 = arith.constant 16 : index
      %get3A_296 = tpu.vector_load %arg6[%get3A_294, %get3A_295] {strides = array<i32>} : memref<576x64xf32, #tpu.memory_space<vmem>>, vector<1x16xf32>,
      %get3A_297 = vector.shape_cast %get3A_296 : vector<1x16xf32> to vector<16xf32>
      %mul3A_298 = arith.constant 9 : i32
      %mul3A_299 = arith.muli %scan3A_210, %mul3A_298 : i32
      %add3A_300 = arith.constant 1 : i32
      %add3A_301 = arith.addi %mul3A_299, %add3A_300 : i32
      %get3A_302 = arith.index_cast %add3A_301 : i32 to index
      %get3A_303 = arith.constant 16 : index
      %get3A_304 = tpu.vector_load %arg6[%get3A_302, %get3A_303] {strides = array<i32>} : memref<576x64xf32, #tpu.memory_space<vmem>>, vector<1x16xf32>,
      %get3A_305 = vector.shape_cast %get3A_304 : vector<1x16xf32> to vector<16xf32>
      %add3A_306 = arith.addf %get3A_297, %get3A_305 : vector<16xf32>
      %mul3A_307 = arith.constant 9 : i32
      %mul3A_308 = arith.muli %scan3A_210, %mul3A_307 : i32
      %add3A_309 = arith.constant 2 : i32
      %add3A_310 = arith.addi %mul3A_308, %add3A_309 : i32
      %get3A_311 = arith.index_cast %add3A_310 : i32 to index
      %get3A_312 = arith.constant 16 : index
      %get3A_313 = tpu.vector_load %arg6[%get3A_311, %get3A_312] {strides = array<i32>} : memref<576x64xf32, #tpu.memory_space<vmem>>, vector<1x16xf32>,
      %get3A_314 = vector.shape_cast %get3A_313 : vector<1x16xf32> to vector<16xf32>
      %add3A_315 = arith.addf %add3A_306, %get3A_314 : vector<16xf32>
      %mul3A_316 = arith.constant 9 : i32
      %mul3A_317 = arith.muli %scan3A_210, %mul3A_316 : i32
      %add3A_318 = arith.constant 3 : i32
      %add3A_319 = arith.addi %mul3A_317, %add3A_318 : i32
      %get3A_320 = arith.index_cast %add3A_319 : i32 to index
      %get3A_321 = arith.constant 16 : index
      %get3A_322 = tpu.vector_load %arg6[%get3A_320, %get3A_321] {strides = array<i32>} : memref<576x64xf32, #tpu.memory_space<vmem>>, vector<1x16xf32>,
      %get3A_323 = vector.shape_cast %get3A_322 : vector<1x16xf32> to vector<16xf32>
      %add3A_324 = arith.addf %add3A_315, %get3A_323 : vector<16xf32>
      %mul3A_325 = arith.constant 9 : i32
      %mul3A_326 = arith.muli %scan3A_210, %mul3A_325 : i32
      %add3A_327 = arith.constant 4 : i32
      %add3A_328 = arith.addi %mul3A_326, %add3A_327 : i32
      %get3A_329 = arith.index_cast %add3A_328 : i32 to index
      %get3A_330 = arith.constant 16 : index
      %get3A_331 = tpu.vector_load %arg6[%get3A_329, %get3A_330] {strides = array<i32>} : memref<576x64xf32, #tpu.memory_space<vmem>>, vector<1x16xf32>,
      %get3A_332 = vector.shape_cast %get3A_331 : vector<1x16xf32> to vector<16xf32>
      %add3A_333 = arith.addf %add3A_324, %get3A_332 : vector<16xf32>
      %mul3A_334 = arith.constant 9 : i32
      %mul3A_335 = arith.muli %scan3A_210, %mul3A_334 : i32
      %add3A_336 = arith.constant 5 : i32
      %add3A_337 = arith.addi %mul3A_335, %add3A_336 : i32
      %get3A_338 = arith.index_cast %add3A_337 : i32 to index
      %get3A_339 = arith.constant 16 : index
      %get3A_340 = tpu.vector_load %arg6[%get3A_338, %get3A_339] {strides = array<i32>} : memref<576x64xf32, #tpu.memory_space<vmem>>, vector<1x16xf32>,
      %get3A_341 = vector.shape_cast %get3A_340 : vector<1x16xf32> to vector<16xf32>
      %add3A_342 = arith.addf %add3A_333, %get3A_341 : vector<16xf32>
      %mul3A_343 = arith.constant 9 : i32
      %mul3A_344 = arith.muli %scan3A_210, %mul3A_343 : i32
      %add3A_345 = arith.constant 6 : i32
      %add3A_346 = arith.addi %mul3A_344, %add3A_345 : i32
      %get3A_347 = arith.index_cast %add3A_346 : i32 to index
      %get3A_348 = arith.constant 16 : index
      %get3A_349 = tpu.vector_load %arg6[%get3A_347, %get3A_348] {strides = array<i32>} : memref<576x64xf32, #tpu.memory_space<vmem>>, vector<1x16xf32>,
      %get3A_350 = vector.shape_cast %get3A_349 : vector<1x16xf32> to vector<16xf32>
      %add3A_351 = arith.addf %add3A_342, %get3A_350 : vector<16xf32>
      %mul3A_352 = arith.constant 9 : i32
      %mul3A_353 = arith.muli %scan3A_210, %mul3A_352 : i32
      %add3A_354 = arith.constant 7 : i32
      %add3A_355 = arith.addi %mul3A_353, %add3A_354 : i32
      %get3A_356 = arith.index_cast %add3A_355 : i32 to index
      %get3A_357 = arith.constant 16 : index
      %get3A_358 = tpu.vector_load %arg6[%get3A_356, %get3A_357] {strides = array<i32>} : memref<576x64xf32, #tpu.memory_space<vmem>>, vector<1x16xf32>,
      %get3A_359 = vector.shape_cast %get3A_358 : vector<1x16xf32> to vector<16xf32>
      %add3A_360 = arith.addf %add3A_351, %get3A_359 : vector<16xf32>
      %mul3A_361 = arith.constant 9 : i32
      %mul3A_362 = arith.muli %scan3A_210, %mul3A_361 : i32
      %add3A_363 = arith.constant 8 : i32
      %add3A_364 = arith.addi %mul3A_362, %add3A_363 : i32
      %get3A_365 = arith.index_cast %add3A_364 : i32 to index
      %get3A_366 = arith.constant 16 : index
      %get3A_367 = tpu.vector_load %arg6[%get3A_365, %get3A_366] {strides = array<i32>} : memref<576x64xf32, #tpu.memory_space<vmem>>, vector<1x16xf32>,
      %get3A_368 = vector.shape_cast %get3A_367 : vector<1x16xf32> to vector<16xf32>
      %add3A_369 = arith.addf %add3A_360, %get3A_368 : vector<16xf32>
      %swap3A_370 = arith.index_cast %scan3A_210 : i32 to index
      %swap3A_371 = arith.constant 16 : index
      %swap3A_372 = tpu.vector_load %arg7[%swap3A_370, %swap3A_371] {strides = array<i32>} : memref<64x64xf32, #tpu.memory_space<vmem>>, vector<1x16xf32>,
      %swap3A_373 = vector.shape_cast %swap3A_372 : vector<1x16xf32> to vector<16xf32>
      %swap3A_374 = vector.shape_cast %add3A_369 : vector<16xf32> to vector<1x16xf32>
      tpu.vector_store %arg7[%swap3A_370, %swap3A_371], %swap3A_374 {strides = array<i32>} : memref<64x64xf32, #tpu.memory_space<vmem>>, vector<1x16xf32>,
      %mul3A_375 = arith.constant 9 : i32
      %mul3A_376 = arith.muli %scan3A_210, %mul3A_375 : i32
      %get3A_377 = arith.index_cast %mul3A_376 : i32 to index
      %get3A_378 = arith.constant 32 : index
      %get3A_379 = tpu.vector_load %arg6[%get3A_377, %get3A_378] {strides = array<i32>} : memref<576x64xf32, #tpu.memory_space<vmem>>, vector<1x16xf32>,
      %get3A_380 = vector.shape_cast %get3A_379 : vector<1x16xf32> to vector<16xf32>
      %mul3A_381 = arith.constant 9 : i32
      %mul3A_382 = arith.muli %scan3A_210, %mul3A_381 : i32
      %add3A_383 = arith.constant 1 : i32
      %add3A_384 = arith.addi %mul3A_382, %add3A_383 : i32
      %get3A_385 = arith.index_cast %add3A_384 : i32 to index
      %get3A_386 = arith.constant 32 : index
      %get3A_387 = tpu.vector_load %arg6[%get3A_385, %get3A_386] {strides = array<i32>} : memref<576x64xf32, #tpu.memory_space<vmem>>, vector<1x16xf32>,
      %get3A_388 = vector.shape_cast %get3A_387 : vector<1x16xf32> to vector<16xf32>
      %add3A_389 = arith.addf %get3A_380, %get3A_388 : vector<16xf32>
      %mul3A_390 = arith.constant 9 : i32
      %mul3A_391 = arith.muli %scan3A_210, %mul3A_390 : i32
      %add3A_392 = arith.constant 2 : i32
      %add3A_393 = arith.addi %mul3A_391, %add3A_392 : i32
      %get3A_394 = arith.index_cast %add3A_393 : i32 to index
      %get3A_395 = arith.constant 32 : index
      %get3A_396 = tpu.vector_load %arg6[%get3A_394, %get3A_395] {strides = array<i32>} : memref<576x64xf32, #tpu.memory_space<vmem>>, vector<1x16xf32>,
      %get3A_397 = vector.shape_cast %get3A_396 : vector<1x16xf32> to vector<16xf32>
      %add3A_398 = arith.addf %add3A_389, %get3A_397 : vector<16xf32>
      %mul3A_399 = arith.constant 9 : i32
      %mul3A_400 = arith.muli %scan3A_210, %mul3A_399 : i32
      %add3A_401 = arith.constant 3 : i32
      %add3A_402 = arith.addi %mul3A_400, %add3A_401 : i32
      %get3A_403 = arith.index_cast %add3A_402 : i32 to index
      %get3A_404 = arith.constant 32 : index
      %get3A_405 = tpu.vector_load %arg6[%get3A_403, %get3A_404] {strides = array<i32>} : memref<576x64xf32, #tpu.memory_space<vmem>>, vector<1x16xf32>,
      %get3A_406 = vector.shape_cast %get3A_405 : vector<1x16xf32> to vector<16xf32>
      %add3A_407 = arith.addf %add3A_398, %get3A_406 : vector<16xf32>
      %mul3A_408 = arith.constant 9 : i32
      %mul3A_409 = arith.muli %scan3A_210, %mul3A_408 : i32
      %add3A_410 = arith.constant 4 : i32
      %add3A_411 = arith.addi %mul3A_409, %add3A_410 : i32
      %get3A_412 = arith.index_cast %add3A_411 : i32 to index
      %get3A_413 = arith.constant 32 : index
      %get3A_414 = tpu.vector_load %arg6[%get3A_412, %get3A_413] {strides = array<i32>} : memref<576x64xf32, #tpu.memory_space<vmem>>, vector<1x16xf32>,
      %get3A_415 = vector.shape_cast %get3A_414 : vector<1x16xf32> to vector<16xf32>
      %add3A_416 = arith.addf %add3A_407, %get3A_415 : vector<16xf32>
      %mul3A_417 = arith.constant 9 : i32
      %mul3A_418 = arith.muli %scan3A_210, %mul3A_417 : i32
      %add3A_419 = arith.constant 5 : i32
      %add3A_420 = arith.addi %mul3A_418, %add3A_419 : i32
      %get3A_421 = arith.index_cast %add3A_420 : i32 to index
      %get3A_422 = arith.constant 32 : index
      %get3A_423 = tpu.vector_load %arg6[%get3A_421, %get3A_422] {strides = array<i32>} : memref<576x64xf32, #tpu.memory_space<vmem>>, vector<1x16xf32>,
      %get3A_424 = vector.shape_cast %get3A_423 : vector<1x16xf32> to vector<16xf32>
      %add3A_425 = arith.addf %add3A_416, %get3A_424 : vector<16xf32>
      %mul3A_426 = arith.constant 9 : i32
      %mul3A_427 = arith.muli %scan3A_210, %mul3A_426 : i32
      %add3A_428 = arith.constant 6 : i32
      %add3A_429 = arith.addi %mul3A_427, %add3A_428 : i32
      %get3A_430 = arith.index_cast %add3A_429 : i32 to index
      %get3A_431 = arith.constant 32 : index
      %get3A_432 = tpu.vector_load %arg6[%get3A_430, %get3A_431] {strides = array<i32>} : memref<576x64xf32, #tpu.memory_space<vmem>>, vector<1x16xf32>,
      %get3A_433 = vector.shape_cast %get3A_432 : vector<1x16xf32> to vector<16xf32>
      %add3A_434 = arith.addf %add3A_425, %get3A_433 : vector<16xf32>
      %mul3A_435 = arith.constant 9 : i32
      %mul3A_436 = arith.muli %scan3A_210, %mul3A_435 : i32
      %add3A_437 = arith.constant 7 : i32
      %add3A_438 = arith.addi %mul3A_436, %add3A_437 : i32
      %get3A_439 = arith.index_cast %add3A_438 : i32 to index
      %get3A_440 = arith.constant 32 : index
      %get3A_441 = tpu.vector_load %arg6[%get3A_439, %get3A_440] {strides = array<i32>} : memref<576x64xf32, #tpu.memory_space<vmem>>, vector<1x16xf32>,
      %get3A_442 = vector.shape_cast %get3A_441 : vector<1x16xf32> to vector<16xf32>
      %add3A_443 = arith.addf %add3A_434, %get3A_442 : vector<16xf32>
      %mul3A_444 = arith.constant 9 : i32
      %mul3A_445 = arith.muli %scan3A_210, %mul3A_444 : i32
      %add3A_446 = arith.constant 8 : i32
      %add3A_447 = arith.addi %mul3A_445, %add3A_446 : i32
      %get3A_448 = arith.index_cast %add3A_447 : i32 to index
      %get3A_449 = arith.constant 32 : index
      %get3A_450 = tpu.vector_load %arg6[%get3A_448, %get3A_449] {strides = array<i32>} : memref<576x64xf32, #tpu.memory_space<vmem>>, vector<1x16xf32>,
      %get3A_451 = vector.shape_cast %get3A_450 : vector<1x16xf32> to vector<16xf32>
      %add3A_452 = arith.addf %add3A_443, %get3A_451 : vector<16xf32>
      %swap3A_453 = arith.index_cast %scan3A_210 : i32 to index
      %swap3A_454 = arith.constant 32 : index
      %swap3A_455 = tpu.vector_load %arg7[%swap3A_453, %swap3A_454] {strides = array<i32>} : memref<64x64xf32, #tpu.memory_space<vmem>>, vector<1x16xf32>,
      %swap3A_456 = vector.shape_cast %swap3A_455 : vector<1x16xf32> to vector<16xf32>
      %swap3A_457 = vector.shape_cast %add3A_452 : vector<16xf32> to vector<1x16xf32>
      tpu.vector_store %arg7[%swap3A_453, %swap3A_454], %swap3A_457 {strides = array<i32>} : memref<64x64xf32, #tpu.memory_space<vmem>>, vector<1x16xf32>,
      %mul3A_458 = arith.constant 9 : i32
      %mul3A_459 = arith.muli %scan3A_210, %mul3A_458 : i32
      %get3A_460 = arith.index_cast %mul3A_459 : i32 to index
      %get3A_461 = arith.constant 48 : index
      %get3A_462 = tpu.vector_load %arg6[%get3A_460, %get3A_461] {strides = array<i32>} : memref<576x64xf32, #tpu.memory_space<vmem>>, vector<1x16xf32>,
      %get3A_463 = vector.shape_cast %get3A_462 : vector<1x16xf32> to vector<16xf32>
      %mul3A_464 = arith.constant 9 : i32
      %mul3A_465 = arith.muli %scan3A_210, %mul3A_464 : i32
      %add3A_466 = arith.constant 1 : i32
      %add3A_467 = arith.addi %mul3A_465, %add3A_466 : i32
      %get3A_468 = arith.index_cast %add3A_467 : i32 to index
      %get3A_469 = arith.constant 48 : index
      %get3A_470 = tpu.vector_load %arg6[%get3A_468, %get3A_469] {strides = array<i32>} : memref<576x64xf32, #tpu.memory_space<vmem>>, vector<1x16xf32>,
      %get3A_471 = vector.shape_cast %get3A_470 : vector<1x16xf32> to vector<16xf32>
      %add3A_472 = arith.addf %get3A_463, %get3A_471 : vector<16xf32>
      %mul3A_473 = arith.constant 9 : i32
      %mul3A_474 = arith.muli %scan3A_210, %mul3A_473 : i32
      %add3A_475 = arith.constant 2 : i32
      %add3A_476 = arith.addi %mul3A_474, %add3A_475 : i32
      %get3A_477 = arith.index_cast %add3A_476 : i32 to index
      %get3A_478 = arith.constant 48 : index
      %get3A_479 = tpu.vector_load %arg6[%get3A_477, %get3A_478] {strides = array<i32>} : memref<576x64xf32, #tpu.memory_space<vmem>>, vector<1x16xf32>,
      %get3A_480 = vector.shape_cast %get3A_479 : vector<1x16xf32> to vector<16xf32>
      %add3A_481 = arith.addf %add3A_472, %get3A_480 : vector<16xf32>
      %mul3A_482 = arith.constant 9 : i32
      %mul3A_483 = arith.muli %scan3A_210, %mul3A_482 : i32
      %add3A_484 = arith.constant 3 : i32
      %add3A_485 = arith.addi %mul3A_483, %add3A_484 : i32
      %get3A_486 = arith.index_cast %add3A_485 : i32 to index
      %get3A_487 = arith.constant 48 : index
      %get3A_488 = tpu.vector_load %arg6[%get3A_486, %get3A_487] {strides = array<i32>} : memref<576x64xf32, #tpu.memory_space<vmem>>, vector<1x16xf32>,
      %get3A_489 = vector.shape_cast %get3A_488 : vector<1x16xf32> to vector<16xf32>
      %add3A_490 = arith.addf %add3A_481, %get3A_489 : vector<16xf32>
      %mul3A_491 = arith.constant 9 : i32
      %mul3A_492 = arith.muli %scan3A_210, %mul3A_491 : i32
      %add3A_493 = arith.constant 4 : i32
      %add3A_494 = arith.addi %mul3A_492, %add3A_493 : i32
      %get3A_495 = arith.index_cast %add3A_494 : i32 to index
      %get3A_496 = arith.constant 48 : index
      %get3A_497 = tpu.vector_load %arg6[%get3A_495, %get3A_496] {strides = array<i32>} : memref<576x64xf32, #tpu.memory_space<vmem>>, vector<1x16xf32>,
      %get3A_498 = vector.shape_cast %get3A_497 : vector<1x16xf32> to vector<16xf32>
      %add3A_499 = arith.addf %add3A_490, %get3A_498 : vector<16xf32>
      %mul3A_500 = arith.constant 9 : i32
      %mul3A_501 = arith.muli %scan3A_210, %mul3A_500 : i32
      %add3A_502 = arith.constant 5 : i32
      %add3A_503 = arith.addi %mul3A_501, %add3A_502 : i32
      %get3A_504 = arith.index_cast %add3A_503 : i32 to index
      %get3A_505 = arith.constant 48 : index
      %get3A_506 = tpu.vector_load %arg6[%get3A_504, %get3A_505] {strides = array<i32>} : memref<576x64xf32, #tpu.memory_space<vmem>>, vector<1x16xf32>,
      %get3A_507 = vector.shape_cast %get3A_506 : vector<1x16xf32> to vector<16xf32>
      %add3A_508 = arith.addf %add3A_499, %get3A_507 : vector<16xf32>
      %mul3A_509 = arith.constant 9 : i32
      %mul3A_510 = arith.muli %scan3A_210, %mul3A_509 : i32
      %add3A_511 = arith.constant 6 : i32
      %add3A_512 = arith.addi %mul3A_510, %add3A_511 : i32
      %get3A_513 = arith.index_cast %add3A_512 : i32 to index
      %get3A_514 = arith.constant 48 : index
      %get3A_515 = tpu.vector_load %arg6[%get3A_513, %get3A_514] {strides = array<i32>} : memref<576x64xf32, #tpu.memory_space<vmem>>, vector<1x16xf32>,
      %get3A_516 = vector.shape_cast %get3A_515 : vector<1x16xf32> to vector<16xf32>
      %add3A_517 = arith.addf %add3A_508, %get3A_516 : vector<16xf32>
      %mul3A_518 = arith.constant 9 : i32
      %mul3A_519 = arith.muli %scan3A_210, %mul3A_518 : i32
      %add3A_520 = arith.constant 7 : i32
      %add3A_521 = arith.addi %mul3A_519, %add3A_520 : i32
      %get3A_522 = arith.index_cast %add3A_521 : i32 to index
      %get3A_523 = arith.constant 48 : index
      %get3A_524 = tpu.vector_load %arg6[%get3A_522, %get3A_523] {strides = array<i32>} : memref<576x64xf32, #tpu.memory_space<vmem>>, vector<1x16xf32>,
      %get3A_525 = vector.shape_cast %get3A_524 : vector<1x16xf32> to vector<16xf32>
      %add3A_526 = arith.addf %add3A_517, %get3A_525 : vector<16xf32>
      %mul3A_527 = arith.constant 9 : i32
      %mul3A_528 = arith.muli %scan3A_210, %mul3A_527 : i32
      %add3A_529 = arith.constant 8 : i32
      %add3A_530 = arith.addi %mul3A_528, %add3A_529 : i32
      %get3A_531 = arith.index_cast %add3A_530 : i32 to index
      %get3A_532 = arith.constant 48 : index
      %get3A_533 = tpu.vector_load %arg6[%get3A_531, %get3A_532] {strides = array<i32>} : memref<576x64xf32, #tpu.memory_space<vmem>>, vector<1x16xf32>,
      %get3A_534 = vector.shape_cast %get3A_533 : vector<1x16xf32> to vector<16xf32>
      %add3A_535 = arith.addf %add3A_526, %get3A_534 : vector<16xf32>
      %swap3A_536 = arith.index_cast %scan3A_210 : i32 to index
      %swap3A_537 = arith.constant 48 : index
      %swap3A_538 = tpu.vector_load %arg7[%swap3A_536, %swap3A_537] {strides = array<i32>} : memref<64x64xf32, #tpu.memory_space<vmem>>, vector<1x16xf32>,
      %swap3A_539 = vector.shape_cast %swap3A_538 : vector<1x16xf32> to vector<16xf32>
      %swap3A_540 = vector.shape_cast %add3A_535 : vector<16xf32> to vector<1x16xf32>
      tpu.vector_store %arg7[%swap3A_536, %swap3A_537], %swap3A_540 {strides = array<i32>} : memref<64x64xf32, #tpu.memory_space<vmem>>, vector<1x16xf32>,
    }
    %scan3A_103 = arith.constant 64 : i32
    %add3A_104 = arith.constant 0 : i32
    %add3A_105 = arith.addi %mul3A_2, %add3A_104 : i32
    "tpu.region"() ({
      %run_scoped3A = tpu.sem_alloc : memref<!tpu.dma_semaphore, #tpu.memory_space<semaphore_mem>>
      %dma_start3A_210 = arith.constant 0 : i32
      %dma_start3A_211 = tpu.memref_slice %arg4[%add3A_105, %dma_start3A_210] : memref<4096x64xf32, #tpu.memory_space<hbm>> -> memref<64x64xf32, #tpu.memory_space<hbm>>
      %dma_start3A_212 = arith.constant 0 : i32
      %dma_start3A_213 = tpu.memref_slice %arg4[%add3A_105, %dma_start3A_212] : memref<4096x64xf32, #tpu.memory_space<hbm>> -> memref<64x64xf32, #tpu.memory_space<hbm>>
      tpu.enqueue_dma source(%arg7 : memref<64x64xf32, #tpu.memory_space<vmem>>) target(%dma_start3A_213 : memref<64x64xf32, #tpu.memory_space<hbm>>) target_semaphore(%run_scoped3A : memref<!tpu.dma_semaphore, #tpu.memory_space<semaphore_mem>>)
      %dma_wait3A_214 = arith.constant 0 : i32
      %dma_wait3A_215 = tpu.memref_slice %arg4[%add3A_105, %dma_wait3A_214] : memref<4096x64xf32, #tpu.memory_space<hbm>> -> memref<64x64xf32, #tpu.memory_space<hbm>>
      %dma_wait3A_216 = arith.constant 0 : i32
      %dma_wait3A_217 = tpu.memref_slice %arg4[%add3A_105, %dma_wait3A_216] : memref<4096x64xf32, #tpu.memory_space<hbm>> -> memref<64x64xf32, #tpu.memory_space<hbm>>
      tpu.wait_dma2 semaphore(%run_scoped3A : memref<!tpu.dma_semaphore, #tpu.memory_space<semaphore_mem>>) src(%arg7 : memref<64x64xf32, #tpu.memory_space<vmem>>) dst(%dma_wait3A_217 : memref<64x64xf32, #tpu.memory_space<hbm>>)
      tpu.yield
    }) : () -> ()
    %dma_start3A_106 = arith.constant 0 : i32
    %dma_start3A_107 = arith.constant 0 : i32
    %dma_start3A_108 = tpu.memref_slice %arg6[%dma_start3A_106, %dma_start3A_107] : memref<576x64xf32, #tpu.memory_space<vmem>> -> memref<96x64xf32, #tpu.memory_space<vmem>>
    %dma_start3A_109 = arith.constant 576 : i32
    %dma_start3A_110 = tpu.memref_slice %arg5[%dma_start3A_109] : memref<1152xi32, #tpu.memory_space<vmem>> -> memref<96xi32, #tpu.memory_space<vmem>>
    %dma_start3A_111 = arith.constant 0 : i32
    %dma_start3A_112 = arith.constant 0 : i32
    %dma_start3A_113 = tpu.memref_slice %arg3[%dma_start3A_111, %dma_start3A_112] : memref<73728x64xf32, #tpu.memory_space<hbm>> -> memref<73728x64xf32, #tpu.memory_space<hbm>>
    tpu.enqueue_indirect_dma source(%dma_start3A_113 : memref<73728x64xf32, #tpu.memory_space<hbm>>) target(%dma_start3A_108 : memref<96x64xf32, #tpu.memory_space<vmem>>) offsets(%dma_start3A_110 : memref<96xi32, #tpu.memory_space<vmem>>) semaphore(%arg8 : memref<!tpu.dma_semaphore, #tpu.memory_space<semaphore_mem>>)
    %dma_start3A_114 = arith.constant 96 : i32
    %dma_start3A_115 = arith.constant 0 : i32
    %dma_start3A_116 = tpu.memref_slice %arg6[%dma_start3A_114, %dma_start3A_115] : memref<576x64xf32, #tpu.memory_space<vmem>> -> memref<96x64xf32, #tpu.memory_space<vmem>>
    %dma_start3A_117 = arith.constant 672 : i32
    %dma_start3A_118 = tpu.memref_slice %arg5[%dma_start3A_117] : memref<1152xi32, #tpu.memory_space<vmem>> -> memref<96xi32, #tpu.memory_space<vmem>>
    %dma_start3A_119 = arith.constant 0 : i32
    %dma_start3A_120 = arith.constant 0 : i32
    %dma_start3A_121 = tpu.memref_slice %arg3[%dma_start3A_119, %dma_start3A_120] : memref<73728x64xf32, #tpu.memory_space<hbm>> -> memref<73728x64xf32, #tpu.memory_space<hbm>>
    tpu.enqueue_indirect_dma source(%dma_start3A_121 : memref<73728x64xf32, #tpu.memory_space<hbm>>) target(%dma_start3A_116 : memref<96x64xf32, #tpu.memory_space<vmem>>) offsets(%dma_start3A_118 : memref<96xi32, #tpu.memory_space<vmem>>) semaphore(%arg8 : memref<!tpu.dma_semaphore, #tpu.memory_space<semaphore_mem>>)
    %dma_start3A_122 = arith.constant 192 : i32
    %dma_start3A_123 = arith.constant 0 : i32
    %dma_start3A_124 = tpu.memref_slice %arg6[%dma_start3A_122, %dma_start3A_123] : memref<576x64xf32, #tpu.memory_space<vmem>> -> memref<96x64xf32, #tpu.memory_space<vmem>>
    %dma_start3A_125 = arith.constant 768 : i32
    %dma_start3A_126 = tpu.memref_slice %arg5[%dma_start3A_125] : memref<1152xi32, #tpu.memory_space<vmem>> -> memref<96xi32, #tpu.memory_space<vmem>>
    %dma_start3A_127 = arith.constant 0 : i32
    %dma_start3A_128 = arith.constant 0 : i32
    %dma_start3A_129 = tpu.memref_slice %arg3[%dma_start3A_127, %dma_start3A_128] : memref<73728x64xf32, #tpu.memory_space<hbm>> -> memref<73728x64xf32, #tpu.memory_space<hbm>>
    tpu.enqueue_indirect_dma source(%dma_start3A_129 : memref<73728x64xf32, #tpu.memory_space<hbm>>) target(%dma_start3A_124 : memref<96x64xf32, #tpu.memory_space<vmem>>) offsets(%dma_start3A_126 : memref<96xi32, #tpu.memory_space<vmem>>) semaphore(%arg8 : memref<!tpu.dma_semaphore, #tpu.memory_space<semaphore_mem>>)
    %dma_start3A_130 = arith.constant 288 : i32
    %dma_start3A_131 = arith.constant 0 : i32
    %dma_start3A_132 = tpu.memref_slice %arg6[%dma_start3A_130, %dma_start3A_131] : memref<576x64xf32, #tpu.memory_space<vmem>> -> memref<96x64xf32, #tpu.memory_space<vmem>>
    %dma_start3A_133 = arith.constant 864 : i32
    %dma_start3A_134 = tpu.memref_slice %arg5[%dma_start3A_133] : memref<1152xi32, #tpu.memory_space<vmem>> -> memref<96xi32, #tpu.memory_space<vmem>>
    %dma_start3A_135 = arith.constant 0 : i32
    %dma_start3A_136 = arith.constant 0 : i32
    %dma_start3A_137 = tpu.memref_slice %arg3[%dma_start3A_135, %dma_start3A_136] : memref<73728x64xf32, #tpu.memory_space<hbm>> -> memref<73728x64xf32, #tpu.memory_space<hbm>>
    tpu.enqueue_indirect_dma source(%dma_start3A_137 : memref<73728x64xf32, #tpu.memory_space<hbm>>) target(%dma_start3A_132 : memref<96x64xf32, #tpu.memory_space<vmem>>) offsets(%dma_start3A_134 : memref<96xi32, #tpu.memory_space<vmem>>) semaphore(%arg8 : memref<!tpu.dma_semaphore, #tpu.memory_space<semaphore_mem>>)
    %dma_start3A_138 = arith.constant 384 : i32
    %dma_start3A_139 = arith.constant 0 : i32
    %dma_start3A_140 = tpu.memref_slice %arg6[%dma_start3A_138, %dma_start3A_139] : memref<576x64xf32, #tpu.memory_space<vmem>> -> memref<96x64xf32, #tpu.memory_space<vmem>>
    %dma_start3A_141 = arith.constant 960 : i32
    %dma_start3A_142 = tpu.memref_slice %arg5[%dma_start3A_141] : memref<1152xi32, #tpu.memory_space<vmem>> -> memref<96xi32, #tpu.memory_space<vmem>>
    %dma_start3A_143 = arith.constant 0 : i32
    %dma_start3A_144 = arith.constant 0 : i32
    %dma_start3A_145 = tpu.memref_slice %arg3[%dma_start3A_143, %dma_start3A_144] : memref<73728x64xf32, #tpu.memory_space<hbm>> -> memref<73728x64xf32, #tpu.memory_space<hbm>>
    tpu.enqueue_indirect_dma source(%dma_start3A_145 : memref<73728x64xf32, #tpu.memory_space<hbm>>) target(%dma_start3A_140 : memref<96x64xf32, #tpu.memory_space<vmem>>) offsets(%dma_start3A_142 : memref<96xi32, #tpu.memory_space<vmem>>) semaphore(%arg8 : memref<!tpu.dma_semaphore, #tpu.memory_space<semaphore_mem>>)
    %dma_start3A_146 = arith.constant 480 : i32
    %dma_start3A_147 = arith.constant 0 : i32
    %dma_start3A_148 = tpu.memref_slice %arg6[%dma_start3A_146, %dma_start3A_147] : memref<576x64xf32, #tpu.memory_space<vmem>> -> memref<96x64xf32, #tpu.memory_space<vmem>>
    %dma_start3A_149 = arith.constant 1056 : i32
    %dma_start3A_150 = tpu.memref_slice %arg5[%dma_start3A_149] : memref<1152xi32, #tpu.memory_space<vmem>> -> memref<96xi32, #tpu.memory_space<vmem>>
    %dma_start3A_151 = arith.constant 0 : i32
    %dma_start3A_152 = arith.constant 0 : i32
    %dma_start3A_153 = tpu.memref_slice %arg3[%dma_start3A_151, %dma_start3A_152] : memref<73728x64xf32, #tpu.memory_space<hbm>> -> memref<73728x64xf32, #tpu.memory_space<hbm>>
    tpu.enqueue_indirect_dma source(%dma_start3A_153 : memref<73728x64xf32, #tpu.memory_space<hbm>>) target(%dma_start3A_148 : memref<96x64xf32, #tpu.memory_space<vmem>>) offsets(%dma_start3A_150 : memref<96xi32, #tpu.memory_space<vmem>>) semaphore(%arg8 : memref<!tpu.dma_semaphore, #tpu.memory_space<semaphore_mem>>)
    %dma_wait3A_154 = arith.constant 0 : i32
    %dma_wait3A_155 = arith.constant 0 : i32
    %dma_wait3A_156 = tpu.memref_slice %arg6[%dma_wait3A_154, %dma_wait3A_155] : memref<576x64xf32, #tpu.memory_space<vmem>> -> memref<96x64xf32, #tpu.memory_space<vmem>>
    %dma_wait3A_157 = arith.constant 576 : i32
    %dma_wait3A_158 = tpu.memref_slice %arg5[%dma_wait3A_157] : memref<1152xi32, #tpu.memory_space<vmem>> -> memref<96xi32, #tpu.memory_space<vmem>>
    %dma_wait3A_159 = arith.constant 0 : i32
    %dma_wait3A_160 = arith.constant 0 : i32
    %dma_wait3A_161 = tpu.memref_slice %arg3[%dma_wait3A_159, %dma_wait3A_160] : memref<73728x64xf32, #tpu.memory_space<hbm>> -> memref<73728x64xf32, #tpu.memory_space<hbm>>
    tpu.wait_indirect_dma semaphore(%arg8 : memref<!tpu.dma_semaphore, #tpu.memory_space<semaphore_mem>>) src(%dma_wait3A_161 : memref<73728x64xf32, #tpu.memory_space<hbm>>) dst(%dma_wait3A_156 : memref<96x64xf32, #tpu.memory_space<vmem>>)
    %dma_wait3A_162 = arith.constant 96 : i32
    %dma_wait3A_163 = arith.constant 0 : i32
    %dma_wait3A_164 = tpu.memref_slice %arg6[%dma_wait3A_162, %dma_wait3A_163] : memref<576x64xf32, #tpu.memory_space<vmem>> -> memref<96x64xf32, #tpu.memory_space<vmem>>
    %dma_wait3A_165 = arith.constant 672 : i32
    %dma_wait3A_166 = tpu.memref_slice %arg5[%dma_wait3A_165] : memref<1152xi32, #tpu.memory_space<vmem>> -> memref<96xi32, #tpu.memory_space<vmem>>
    %dma_wait3A_167 = arith.constant 0 : i32
    %dma_wait3A_168 = arith.constant 0 : i32
    %dma_wait3A_169 = tpu.memref_slice %arg3[%dma_wait3A_167, %dma_wait3A_168] : memref<73728x64xf32, #tpu.memory_space<hbm>> -> memref<73728x64xf32, #tpu.memory_space<hbm>>
    tpu.wait_indirect_dma semaphore(%arg8 : memref<!tpu.dma_semaphore, #tpu.memory_space<semaphore_mem>>) src(%dma_wait3A_169 : memref<73728x64xf32, #tpu.memory_space<hbm>>) dst(%dma_wait3A_164 : memref<96x64xf32, #tpu.memory_space<vmem>>)
    %dma_wait3A_170 = arith.constant 192 : i32
    %dma_wait3A_171 = arith.constant 0 : i32
    %dma_wait3A_172 = tpu.memref_slice %arg6[%dma_wait3A_170, %dma_wait3A_171] : memref<576x64xf32, #tpu.memory_space<vmem>> -> memref<96x64xf32, #tpu.memory_space<vmem>>
    %dma_wait3A_173 = arith.constant 768 : i32
    %dma_wait3A_174 = tpu.memref_slice %arg5[%dma_wait3A_173] : memref<1152xi32, #tpu.memory_space<vmem>> -> memref<96xi32, #tpu.memory_space<vmem>>
    %dma_wait3A_175 = arith.constant 0 : i32
    %dma_wait3A_176 = arith.constant 0 : i32
    %dma_wait3A_177 = tpu.memref_slice %arg3[%dma_wait3A_175, %dma_wait3A_176] : memref<73728x64xf32, #tpu.memory_space<hbm>> -> memref<73728x64xf32, #tpu.memory_space<hbm>>
    tpu.wait_indirect_dma semaphore(%arg8 : memref<!tpu.dma_semaphore, #tpu.memory_space<semaphore_mem>>) src(%dma_wait3A_177 : memref<73728x64xf32, #tpu.memory_space<hbm>>) dst(%dma_wait3A_172 : memref<96x64xf32, #tpu.memory_space<vmem>>)
    %dma_wait3A_178 = arith.constant 288 : i32
    %dma_wait3A_179 = arith.constant 0 : i32
    %dma_wait3A_180 = tpu.memref_slice %arg6[%dma_wait3A_178, %dma_wait3A_179] : memref<576x64xf32, #tpu.memory_space<vmem>> -> memref<96x64xf32, #tpu.memory_space<vmem>>
    %dma_wait3A_181 = arith.constant 864 : i32
    %dma_wait3A_182 = tpu.memref_slice %arg5[%dma_wait3A_181] : memref<1152xi32, #tpu.memory_space<vmem>> -> memref<96xi32, #tpu.memory_space<vmem>>
    %dma_wait3A_183 = arith.constant 0 : i32
    %dma_wait3A_184 = arith.constant 0 : i32
    %dma_wait3A_185 = tpu.memref_slice %arg3[%dma_wait3A_183, %dma_wait3A_184] : memref<73728x64xf32, #tpu.memory_space<hbm>> -> memref<73728x64xf32, #tpu.memory_space<hbm>>
    tpu.wait_indirect_dma semaphore(%arg8 : memref<!tpu.dma_semaphore, #tpu.memory_space<semaphore_mem>>) src(%dma_wait3A_185 : memref<73728x64xf32, #tpu.memory_space<hbm>>) dst(%dma_wait3A_180 : memref<96x64xf32, #tpu.memory_space<vmem>>)
    %dma_wait3A_186 = arith.constant 384 : i32
    %dma_wait3A_187 = arith.constant 0 : i32
    %dma_wait3A_188 = tpu.memref_slice %arg6[%dma_wait3A_186, %dma_wait3A_187] : memref<576x64xf32, #tpu.memory_space<vmem>> -> memref<96x64xf32, #tpu.memory_space<vmem>>
    %dma_wait3A_189 = arith.constant 960 : i32
    %dma_wait3A_190 = tpu.memref_slice %arg5[%dma_wait3A_189] : memref<1152xi32, #tpu.memory_space<vmem>> -> memref<96xi32, #tpu.memory_space<vmem>>
    %dma_wait3A_191 = arith.constant 0 : i32
    %dma_wait3A_192 = arith.constant 0 : i32
    %dma_wait3A_193 = tpu.memref_slice %arg3[%dma_wait3A_191, %dma_wait3A_192] : memref<73728x64xf32, #tpu.memory_space<hbm>> -> memref<73728x64xf32, #tpu.memory_space<hbm>>
    tpu.wait_indirect_dma semaphore(%arg8 : memref<!tpu.dma_semaphore, #tpu.memory_space<semaphore_mem>>) src(%dma_wait3A_193 : memref<73728x64xf32, #tpu.memory_space<hbm>>) dst(%dma_wait3A_188 : memref<96x64xf32, #tpu.memory_space<vmem>>)
    %dma_wait3A_194 = arith.constant 480 : i32
    %dma_wait3A_195 = arith.constant 0 : i32
    %dma_wait3A_196 = tpu.memref_slice %arg6[%dma_wait3A_194, %dma_wait3A_195] : memref<576x64xf32, #tpu.memory_space<vmem>> -> memref<96x64xf32, #tpu.memory_space<vmem>>
    %dma_wait3A_197 = arith.constant 1056 : i32
    %dma_wait3A_198 = tpu.memref_slice %arg5[%dma_wait3A_197] : memref<1152xi32, #tpu.memory_space<vmem>> -> memref<96xi32, #tpu.memory_space<vmem>>
    %dma_wait3A_199 = arith.constant 0 : i32
    %dma_wait3A_200 = arith.constant 0 : i32
    %dma_wait3A_201 = tpu.memref_slice %arg3[%dma_wait3A_199, %dma_wait3A_200] : memref<73728x64xf32, #tpu.memory_space<hbm>> -> memref<73728x64xf32, #tpu.memory_space<hbm>>
    tpu.wait_indirect_dma semaphore(%arg8 : memref<!tpu.dma_semaphore, #tpu.memory_space<semaphore_mem>>) src(%dma_wait3A_201 : memref<73728x64xf32, #tpu.memory_space<hbm>>) dst(%dma_wait3A_196 : memref<96x64xf32, #tpu.memory_space<vmem>>)
    %scan3A_202 = arith.constant 0 : i32
    %scan3A_203 = arith.constant 0 : i32
    %scan3A_204 = arith.constant 64 : i32
    %scan3A_205 = arith.addi %scan3A_203, %scan3A_204 : i32
    %scan3A_206 = arith.constant 1 : i32
    scf.for %scan3A_210 = %scan3A_203 to %scan3A_205 step %scan3A_206  : i32 {
      %mul3A_211 = arith.constant 9 : i32
      %mul3A_212 = arith.muli %scan3A_210, %mul3A_211 : i32
      %get3A = arith.index_cast %mul3A_212 : i32 to index
      %get3A_213 = arith.constant 0 : index
      %get3A_214 = tpu.vector_load %arg6[%get3A, %get3A_213] {strides = array<i32>} : memref<576x64xf32, #tpu.memory_space<vmem>>, vector<1x16xf32>,
      %get3A_215 = vector.shape_cast %get3A_214 : vector<1x16xf32> to vector<16xf32>
      %mul3A_216 = arith.constant 9 : i32
      %mul3A_217 = arith.muli %scan3A_210, %mul3A_216 : i32
      %add3A_218 = arith.constant 1 : i32
      %add3A_219 = arith.addi %mul3A_217, %add3A_218 : i32
      %get3A_220 = arith.index_cast %add3A_219 : i32 to index
      %get3A_221 = arith.constant 0 : index
      %get3A_222 = tpu.vector_load %arg6[%get3A_220, %get3A_221] {strides = array<i32>} : memref<576x64xf32, #tpu.memory_space<vmem>>, vector<1x16xf32>,
      %get3A_223 = vector.shape_cast %get3A_222 : vector<1x16xf32> to vector<16xf32>
      %add3A_224 = arith.addf %get3A_215, %get3A_223 : vector<16xf32>
      %mul3A_225 = arith.constant 9 : i32
      %mul3A_226 = arith.muli %scan3A_210, %mul3A_225 : i32
      %add3A_227 = arith.constant 2 : i32
      %add3A_228 = arith.addi %mul3A_226, %add3A_227 : i32
      %get3A_229 = arith.index_cast %add3A_228 : i32 to index
      %get3A_230 = arith.constant 0 : index
      %get3A_231 = tpu.vector_load %arg6[%get3A_229, %get3A_230] {strides = array<i32>} : memref<576x64xf32, #tpu.memory_space<vmem>>, vector<1x16xf32>,
      %get3A_232 = vector.shape_cast %get3A_231 : vector<1x16xf32> to vector<16xf32>
      %add3A_233 = arith.addf %add3A_224, %get3A_232 : vector<16xf32>
      %mul3A_234 = arith.constant 9 : i32
      %mul3A_235 = arith.muli %scan3A_210, %mul3A_234 : i32
      %add3A_236 = arith.constant 3 : i32
      %add3A_237 = arith.addi %mul3A_235, %add3A_236 : i32
      %get3A_238 = arith.index_cast %add3A_237 : i32 to index
      %get3A_239 = arith.constant 0 : index
      %get3A_240 = tpu.vector_load %arg6[%get3A_238, %get3A_239] {strides = array<i32>} : memref<576x64xf32, #tpu.memory_space<vmem>>, vector<1x16xf32>,
      %get3A_241 = vector.shape_cast %get3A_240 : vector<1x16xf32> to vector<16xf32>
      %add3A_242 = arith.addf %add3A_233, %get3A_241 : vector<16xf32>
      %mul3A_243 = arith.constant 9 : i32
      %mul3A_244 = arith.muli %scan3A_210, %mul3A_243 : i32
      %add3A_245 = arith.constant 4 : i32
      %add3A_246 = arith.addi %mul3A_244, %add3A_245 : i32
      %get3A_247 = arith.index_cast %add3A_246 : i32 to index
      %get3A_248 = arith.constant 0 : index
      %get3A_249 = tpu.vector_load %arg6[%get3A_247, %get3A_248] {strides = array<i32>} : memref<576x64xf32, #tpu.memory_space<vmem>>, vector<1x16xf32>,
      %get3A_250 = vector.shape_cast %get3A_249 : vector<1x16xf32> to vector<16xf32>
      %add3A_251 = arith.addf %add3A_242, %get3A_250 : vector<16xf32>
      %mul3A_252 = arith.constant 9 : i32
      %mul3A_253 = arith.muli %scan3A_210, %mul3A_252 : i32
      %add3A_254 = arith.constant 5 : i32
      %add3A_255 = arith.addi %mul3A_253, %add3A_254 : i32
      %get3A_256 = arith.index_cast %add3A_255 : i32 to index
      %get3A_257 = arith.constant 0 : index
      %get3A_258 = tpu.vector_load %arg6[%get3A_256, %get3A_257] {strides = array<i32>} : memref<576x64xf32, #tpu.memory_space<vmem>>, vector<1x16xf32>,
      %get3A_259 = vector.shape_cast %get3A_258 : vector<1x16xf32> to vector<16xf32>
      %add3A_260 = arith.addf %add3A_251, %get3A_259 : vector<16xf32>
      %mul3A_261 = arith.constant 9 : i32
      %mul3A_262 = arith.muli %scan3A_210, %mul3A_261 : i32
      %add3A_263 = arith.constant 6 : i32
      %add3A_264 = arith.addi %mul3A_262, %add3A_263 : i32
      %get3A_265 = arith.index_cast %add3A_264 : i32 to index
      %get3A_266 = arith.constant 0 : index
      %get3A_267 = tpu.vector_load %arg6[%get3A_265, %get3A_266] {strides = array<i32>} : memref<576x64xf32, #tpu.memory_space<vmem>>, vector<1x16xf32>,
      %get3A_268 = vector.shape_cast %get3A_267 : vector<1x16xf32> to vector<16xf32>
      %add3A_269 = arith.addf %add3A_260, %get3A_268 : vector<16xf32>
      %mul3A_270 = arith.constant 9 : i32
      %mul3A_271 = arith.muli %scan3A_210, %mul3A_270 : i32
      %add3A_272 = arith.constant 7 : i32
      %add3A_273 = arith.addi %mul3A_271, %add3A_272 : i32
      %get3A_274 = arith.index_cast %add3A_273 : i32 to index
      %get3A_275 = arith.constant 0 : index
      %get3A_276 = tpu.vector_load %arg6[%get3A_274, %get3A_275] {strides = array<i32>} : memref<576x64xf32, #tpu.memory_space<vmem>>, vector<1x16xf32>,
      %get3A_277 = vector.shape_cast %get3A_276 : vector<1x16xf32> to vector<16xf32>
      %add3A_278 = arith.addf %add3A_269, %get3A_277 : vector<16xf32>
      %mul3A_279 = arith.constant 9 : i32
      %mul3A_280 = arith.muli %scan3A_210, %mul3A_279 : i32
      %add3A_281 = arith.constant 8 : i32
      %add3A_282 = arith.addi %mul3A_280, %add3A_281 : i32
      %get3A_283 = arith.index_cast %add3A_282 : i32 to index
      %get3A_284 = arith.constant 0 : index
      %get3A_285 = tpu.vector_load %arg6[%get3A_283, %get3A_284] {strides = array<i32>} : memref<576x64xf32, #tpu.memory_space<vmem>>, vector<1x16xf32>,
      %get3A_286 = vector.shape_cast %get3A_285 : vector<1x16xf32> to vector<16xf32>
      %add3A_287 = arith.addf %add3A_278, %get3A_286 : vector<16xf32>
      %swap3A = arith.index_cast %scan3A_210 : i32 to index
      %swap3A_288 = arith.constant 0 : index
      %swap3A_289 = tpu.vector_load %arg7[%swap3A, %swap3A_288] {strides = array<i32>} : memref<64x64xf32, #tpu.memory_space<vmem>>, vector<1x16xf32>,
      %swap3A_290 = vector.shape_cast %swap3A_289 : vector<1x16xf32> to vector<16xf32>
      %swap3A_291 = vector.shape_cast %add3A_287 : vector<16xf32> to vector<1x16xf32>
      tpu.vector_store %arg7[%swap3A, %swap3A_288], %swap3A_291 {strides = array<i32>} : memref<64x64xf32, #tpu.memory_space<vmem>>, vector<1x16xf32>,
      %mul3A_292 = arith.constant 9 : i32
      %mul3A_293 = arith.muli %scan3A_210, %mul3A_292 : i32
      %get3A_294 = arith.index_cast %mul3A_293 : i32 to index
      %get3A_295 = arith.constant 16 : index
      %get3A_296 = tpu.vector_load %arg6[%get3A_294, %get3A_295] {strides = array<i32>} : memref<576x64xf32, #tpu.memory_space<vmem>>, vector<1x16xf32>,
      %get3A_297 = vector.shape_cast %get3A_296 : vector<1x16xf32> to vector<16xf32>
      %mul3A_298 = arith.constant 9 : i32
      %mul3A_299 = arith.muli %scan3A_210, %mul3A_298 : i32
      %add3A_300 = arith.constant 1 : i32
      %add3A_301 = arith.addi %mul3A_299, %add3A_300 : i32
      %get3A_302 = arith.index_cast %add3A_301 : i32 to index
      %get3A_303 = arith.constant 16 : index
      %get3A_304 = tpu.vector_load %arg6[%get3A_302, %get3A_303] {strides = array<i32>} : memref<576x64xf32, #tpu.memory_space<vmem>>, vector<1x16xf32>,
      %get3A_305 = vector.shape_cast %get3A_304 : vector<1x16xf32> to vector<16xf32>
      %add3A_306 = arith.addf %get3A_297, %get3A_305 : vector<16xf32>
      %mul3A_307 = arith.constant 9 : i32
      %mul3A_308 = arith.muli %scan3A_210, %mul3A_307 : i32
      %add3A_309 = arith.constant 2 : i32
      %add3A_310 = arith.addi %mul3A_308, %add3A_309 : i32
      %get3A_311 = arith.index_cast %add3A_310 : i32 to index
      %get3A_312 = arith.constant 16 : index
      %get3A_313 = tpu.vector_load %arg6[%get3A_311, %get3A_312] {strides = array<i32>} : memref<576x64xf32, #tpu.memory_space<vmem>>, vector<1x16xf32>,
      %get3A_314 = vector.shape_cast %get3A_313 : vector<1x16xf32> to vector<16xf32>
      %add3A_315 = arith.addf %add3A_306, %get3A_314 : vector<16xf32>
      %mul3A_316 = arith.constant 9 : i32
      %mul3A_317 = arith.muli %scan3A_210, %mul3A_316 : i32
      %add3A_318 = arith.constant 3 : i32
      %add3A_319 = arith.addi %mul3A_317, %add3A_318 : i32
      %get3A_320 = arith.index_cast %add3A_319 : i32 to index
      %get3A_321 = arith.constant 16 : index
      %get3A_322 = tpu.vector_load %arg6[%get3A_320, %get3A_321] {strides = array<i32>} : memref<576x64xf32, #tpu.memory_space<vmem>>, vector<1x16xf32>,
      %get3A_323 = vector.shape_cast %get3A_322 : vector<1x16xf32> to vector<16xf32>
      %add3A_324 = arith.addf %add3A_315, %get3A_323 : vector<16xf32>
      %mul3A_325 = arith.constant 9 : i32
      %mul3A_326 = arith.muli %scan3A_210, %mul3A_325 : i32
      %add3A_327 = arith.constant 4 : i32
      %add3A_328 = arith.addi %mul3A_326, %add3A_327 : i32
      %get3A_329 = arith.index_cast %add3A_328 : i32 to index
      %get3A_330 = arith.constant 16 : index
      %get3A_331 = tpu.vector_load %arg6[%get3A_329, %get3A_330] {strides = array<i32>} : memref<576x64xf32, #tpu.memory_space<vmem>>, vector<1x16xf32>,
      %get3A_332 = vector.shape_cast %get3A_331 : vector<1x16xf32> to vector<16xf32>
      %add3A_333 = arith.addf %add3A_324, %get3A_332 : vector<16xf32>
      %mul3A_334 = arith.constant 9 : i32
      %mul3A_335 = arith.muli %scan3A_210, %mul3A_334 : i32
      %add3A_336 = arith.constant 5 : i32
      %add3A_337 = arith.addi %mul3A_335, %add3A_336 : i32
      %get3A_338 = arith.index_cast %add3A_337 : i32 to index
      %get3A_339 = arith.constant 16 : index
      %get3A_340 = tpu.vector_load %arg6[%get3A_338, %get3A_339] {strides = array<i32>} : memref<576x64xf32, #tpu.memory_space<vmem>>, vector<1x16xf32>,
      %get3A_341 = vector.shape_cast %get3A_340 : vector<1x16xf32> to vector<16xf32>
      %add3A_342 = arith.addf %add3A_333, %get3A_341 : vector<16xf32>
      %mul3A_343 = arith.constant 9 : i32
      %mul3A_344 = arith.muli %scan3A_210, %mul3A_343 : i32
      %add3A_345 = arith.constant 6 : i32
      %add3A_346 = arith.addi %mul3A_344, %add3A_345 : i32
      %get3A_347 = arith.index_cast %add3A_346 : i32 to index
      %get3A_348 = arith.constant 16 : index
      %get3A_349 = tpu.vector_load %arg6[%get3A_347, %get3A_348] {strides = array<i32>} : memref<576x64xf32, #tpu.memory_space<vmem>>, vector<1x16xf32>,
      %get3A_350 = vector.shape_cast %get3A_349 : vector<1x16xf32> to vector<16xf32>
      %add3A_351 = arith.addf %add3A_342, %get3A_350 : vector<16xf32>
      %mul3A_352 = arith.constant 9 : i32
      %mul3A_353 = arith.muli %scan3A_210, %mul3A_352 : i32
      %add3A_354 = arith.constant 7 : i32
      %add3A_355 = arith.addi %mul3A_353, %add3A_354 : i32
      %get3A_356 = arith.index_cast %add3A_355 : i32 to index
      %get3A_357 = arith.constant 16 : index
      %get3A_358 = tpu.vector_load %arg6[%get3A_356, %get3A_357] {strides = array<i32>} : memref<576x64xf32, #tpu.memory_space<vmem>>, vector<1x16xf32>,
      %get3A_359 = vector.shape_cast %get3A_358 : vector<1x16xf32> to vector<16xf32>
      %add3A_360 = arith.addf %add3A_351, %get3A_359 : vector<16xf32>
      %mul3A_361 = arith.constant 9 : i32
      %mul3A_362 = arith.muli %scan3A_210, %mul3A_361 : i32
      %add3A_363 = arith.constant 8 : i32
      %add3A_364 = arith.addi %mul3A_362, %add3A_363 : i32
      %get3A_365 = arith.index_cast %add3A_364 : i32 to index
      %get3A_366 = arith.constant 16 : index
      %get3A_367 = tpu.vector_load %arg6[%get3A_365, %get3A_366] {strides = array<i32>} : memref<576x64xf32, #tpu.memory_space<vmem>>, vector<1x16xf32>,
      %get3A_368 = vector.shape_cast %get3A_367 : vector<1x16xf32> to vector<16xf32>
      %add3A_369 = arith.addf %add3A_360, %get3A_368 : vector<16xf32>
      %swap3A_370 = arith.index_cast %scan3A_210 : i32 to index
      %swap3A_371 = arith.constant 16 : index
      %swap3A_372 = tpu.vector_load %arg7[%swap3A_370, %swap3A_371] {strides = array<i32>} : memref<64x64xf32, #tpu.memory_space<vmem>>, vector<1x16xf32>,
      %swap3A_373 = vector.shape_cast %swap3A_372 : vector<1x16xf32> to vector<16xf32>
      %swap3A_374 = vector.shape_cast %add3A_369 : vector<16xf32> to vector<1x16xf32>
      tpu.vector_store %arg7[%swap3A_370, %swap3A_371], %swap3A_374 {strides = array<i32>} : memref<64x64xf32, #tpu.memory_space<vmem>>, vector<1x16xf32>,
      %mul3A_375 = arith.constant 9 : i32
      %mul3A_376 = arith.muli %scan3A_210, %mul3A_375 : i32
      %get3A_377 = arith.index_cast %mul3A_376 : i32 to index
      %get3A_378 = arith.constant 32 : index
      %get3A_379 = tpu.vector_load %arg6[%get3A_377, %get3A_378] {strides = array<i32>} : memref<576x64xf32, #tpu.memory_space<vmem>>, vector<1x16xf32>,
      %get3A_380 = vector.shape_cast %get3A_379 : vector<1x16xf32> to vector<16xf32>
      %mul3A_381 = arith.constant 9 : i32
      %mul3A_382 = arith.muli %scan3A_210, %mul3A_381 : i32
      %add3A_383 = arith.constant 1 : i32
      %add3A_384 = arith.addi %mul3A_382, %add3A_383 : i32
      %get3A_385 = arith.index_cast %add3A_384 : i32 to index
      %get3A_386 = arith.constant 32 : index
      %get3A_387 = tpu.vector_load %arg6[%get3A_385, %get3A_386] {strides = array<i32>} : memref<576x64xf32, #tpu.memory_space<vmem>>, vector<1x16xf32>,
      %get3A_388 = vector.shape_cast %get3A_387 : vector<1x16xf32> to vector<16xf32>
      %add3A_389 = arith.addf %get3A_380, %get3A_388 : vector<16xf32>
      %mul3A_390 = arith.constant 9 : i32
      %mul3A_391 = arith.muli %scan3A_210, %mul3A_390 : i32
      %add3A_392 = arith.constant 2 : i32
      %add3A_393 = arith.addi %mul3A_391, %add3A_392 : i32
      %get3A_394 = arith.index_cast %add3A_393 : i32 to index
      %get3A_395 = arith.constant 32 : index
      %get3A_396 = tpu.vector_load %arg6[%get3A_394, %get3A_395] {strides = array<i32>} : memref<576x64xf32, #tpu.memory_space<vmem>>, vector<1x16xf32>,
      %get3A_397 = vector.shape_cast %get3A_396 : vector<1x16xf32> to vector<16xf32>
      %add3A_398 = arith.addf %add3A_389, %get3A_397 : vector<16xf32>
      %mul3A_399 = arith.constant 9 : i32
      %mul3A_400 = arith.muli %scan3A_210, %mul3A_399 : i32
      %add3A_401 = arith.constant 3 : i32
      %add3A_402 = arith.addi %mul3A_400, %add3A_401 : i32
      %get3A_403 = arith.index_cast %add3A_402 : i32 to index
      %get3A_404 = arith.constant 32 : index
      %get3A_405 = tpu.vector_load %arg6[%get3A_403, %get3A_404] {strides = array<i32>} : memref<576x64xf32, #tpu.memory_space<vmem>>, vector<1x16xf32>,
      %get3A_406 = vector.shape_cast %get3A_405 : vector<1x16xf32> to vector<16xf32>
      %add3A_407 = arith.addf %add3A_398, %get3A_406 : vector<16xf32>
      %mul3A_408 = arith.constant 9 : i32
      %mul3A_409 = arith.muli %scan3A_210, %mul3A_408 : i32
      %add3A_410 = arith.constant 4 : i32
      %add3A_411 = arith.addi %mul3A_409, %add3A_410 : i32
      %get3A_412 = arith.index_cast %add3A_411 : i32 to index
      %get3A_413 = arith.constant 32 : index
      %get3A_414 = tpu.vector_load %arg6[%get3A_412, %get3A_413] {strides = array<i32>} : memref<576x64xf32, #tpu.memory_space<vmem>>, vector<1x16xf32>,
      %get3A_415 = vector.shape_cast %get3A_414 : vector<1x16xf32> to vector<16xf32>
      %add3A_416 = arith.addf %add3A_407, %get3A_415 : vector<16xf32>
      %mul3A_417 = arith.constant 9 : i32
      %mul3A_418 = arith.muli %scan3A_210, %mul3A_417 : i32
      %add3A_419 = arith.constant 5 : i32
      %add3A_420 = arith.addi %mul3A_418, %add3A_419 : i32
      %get3A_421 = arith.index_cast %add3A_420 : i32 to index
      %get3A_422 = arith.constant 32 : index
      %get3A_423 = tpu.vector_load %arg6[%get3A_421, %get3A_422] {strides = array<i32>} : memref<576x64xf32, #tpu.memory_space<vmem>>, vector<1x16xf32>,
      %get3A_424 = vector.shape_cast %get3A_423 : vector<1x16xf32> to vector<16xf32>
      %add3A_425 = arith.addf %add3A_416, %get3A_424 : vector<16xf32>
      %mul3A_426 = arith.constant 9 : i32
      %mul3A_427 = arith.muli %scan3A_210, %mul3A_426 : i32
      %add3A_428 = arith.constant 6 : i32
      %add3A_429 = arith.addi %mul3A_427, %add3A_428 : i32
      %get3A_430 = arith.index_cast %add3A_429 : i32 to index
      %get3A_431 = arith.constant 32 : index
      %get3A_432 = tpu.vector_load %arg6[%get3A_430, %get3A_431] {strides = array<i32>} : memref<576x64xf32, #tpu.memory_space<vmem>>, vector<1x16xf32>,
      %get3A_433 = vector.shape_cast %get3A_432 : vector<1x16xf32> to vector<16xf32>
      %add3A_434 = arith.addf %add3A_425, %get3A_433 : vector<16xf32>
      %mul3A_435 = arith.constant 9 : i32
      %mul3A_436 = arith.muli %scan3A_210, %mul3A_435 : i32
      %add3A_437 = arith.constant 7 : i32
      %add3A_438 = arith.addi %mul3A_436, %add3A_437 : i32
      %get3A_439 = arith.index_cast %add3A_438 : i32 to index
      %get3A_440 = arith.constant 32 : index
      %get3A_441 = tpu.vector_load %arg6[%get3A_439, %get3A_440] {strides = array<i32>} : memref<576x64xf32, #tpu.memory_space<vmem>>, vector<1x16xf32>,
      %get3A_442 = vector.shape_cast %get3A_441 : vector<1x16xf32> to vector<16xf32>
      %add3A_443 = arith.addf %add3A_434, %get3A_442 : vector<16xf32>
      %mul3A_444 = arith.constant 9 : i32
      %mul3A_445 = arith.muli %scan3A_210, %mul3A_444 : i32
      %add3A_446 = arith.constant 8 : i32
      %add3A_447 = arith.addi %mul3A_445, %add3A_446 : i32
      %get3A_448 = arith.index_cast %add3A_447 : i32 to index
      %get3A_449 = arith.constant 32 : index
      %get3A_450 = tpu.vector_load %arg6[%get3A_448, %get3A_449] {strides = array<i32>} : memref<576x64xf32, #tpu.memory_space<vmem>>, vector<1x16xf32>,
      %get3A_451 = vector.shape_cast %get3A_450 : vector<1x16xf32> to vector<16xf32>
      %add3A_452 = arith.addf %add3A_443, %get3A_451 : vector<16xf32>
      %swap3A_453 = arith.index_cast %scan3A_210 : i32 to index
      %swap3A_454 = arith.constant 32 : index
      %swap3A_455 = tpu.vector_load %arg7[%swap3A_453, %swap3A_454] {strides = array<i32>} : memref<64x64xf32, #tpu.memory_space<vmem>>, vector<1x16xf32>,
      %swap3A_456 = vector.shape_cast %swap3A_455 : vector<1x16xf32> to vector<16xf32>
      %swap3A_457 = vector.shape_cast %add3A_452 : vector<16xf32> to vector<1x16xf32>
      tpu.vector_store %arg7[%swap3A_453, %swap3A_454], %swap3A_457 {strides = array<i32>} : memref<64x64xf32, #tpu.memory_space<vmem>>, vector<1x16xf32>,
      %mul3A_458 = arith.constant 9 : i32
      %mul3A_459 = arith.muli %scan3A_210, %mul3A_458 : i32
      %get3A_460 = arith.index_cast %mul3A_459 : i32 to index
      %get3A_461 = arith.constant 48 : index
      %get3A_462 = tpu.vector_load %arg6[%get3A_460, %get3A_461] {strides = array<i32>} : memref<576x64xf32, #tpu.memory_space<vmem>>, vector<1x16xf32>,
      %get3A_463 = vector.shape_cast %get3A_462 : vector<1x16xf32> to vector<16xf32>
      %mul3A_464 = arith.constant 9 : i32
      %mul3A_465 = arith.muli %scan3A_210, %mul3A_464 : i32
      %add3A_466 = arith.constant 1 : i32
      %add3A_467 = arith.addi %mul3A_465, %add3A_466 : i32
      %get3A_468 = arith.index_cast %add3A_467 : i32 to index
      %get3A_469 = arith.constant 48 : index
      %get3A_470 = tpu.vector_load %arg6[%get3A_468, %get3A_469] {strides = array<i32>} : memref<576x64xf32, #tpu.memory_space<vmem>>, vector<1x16xf32>,
      %get3A_471 = vector.shape_cast %get3A_470 : vector<1x16xf32> to vector<16xf32>
      %add3A_472 = arith.addf %get3A_463, %get3A_471 : vector<16xf32>
      %mul3A_473 = arith.constant 9 : i32
      %mul3A_474 = arith.muli %scan3A_210, %mul3A_473 : i32
      %add3A_475 = arith.constant 2 : i32
      %add3A_476 = arith.addi %mul3A_474, %add3A_475 : i32
      %get3A_477 = arith.index_cast %add3A_476 : i32 to index
      %get3A_478 = arith.constant 48 : index
      %get3A_479 = tpu.vector_load %arg6[%get3A_477, %get3A_478] {strides = array<i32>} : memref<576x64xf32, #tpu.memory_space<vmem>>, vector<1x16xf32>,
      %get3A_480 = vector.shape_cast %get3A_479 : vector<1x16xf32> to vector<16xf32>
      %add3A_481 = arith.addf %add3A_472, %get3A_480 : vector<16xf32>
      %mul3A_482 = arith.constant 9 : i32
      %mul3A_483 = arith.muli %scan3A_210, %mul3A_482 : i32
      %add3A_484 = arith.constant 3 : i32
      %add3A_485 = arith.addi %mul3A_483, %add3A_484 : i32
      %get3A_486 = arith.index_cast %add3A_485 : i32 to index
      %get3A_487 = arith.constant 48 : index
      %get3A_488 = tpu.vector_load %arg6[%get3A_486, %get3A_487] {strides = array<i32>} : memref<576x64xf32, #tpu.memory_space<vmem>>, vector<1x16xf32>,
      %get3A_489 = vector.shape_cast %get3A_488 : vector<1x16xf32> to vector<16xf32>
      %add3A_490 = arith.addf %add3A_481, %get3A_489 : vector<16xf32>
      %mul3A_491 = arith.constant 9 : i32
      %mul3A_492 = arith.muli %scan3A_210, %mul3A_491 : i32
      %add3A_493 = arith.constant 4 : i32
      %add3A_494 = arith.addi %mul3A_492, %add3A_493 : i32
      %get3A_495 = arith.index_cast %add3A_494 : i32 to index
      %get3A_496 = arith.constant 48 : index
      %get3A_497 = tpu.vector_load %arg6[%get3A_495, %get3A_496] {strides = array<i32>} : memref<576x64xf32, #tpu.memory_space<vmem>>, vector<1x16xf32>,
      %get3A_498 = vector.shape_cast %get3A_497 : vector<1x16xf32> to vector<16xf32>
      %add3A_499 = arith.addf %add3A_490, %get3A_498 : vector<16xf32>
      %mul3A_500 = arith.constant 9 : i32
      %mul3A_501 = arith.muli %scan3A_210, %mul3A_500 : i32
      %add3A_502 = arith.constant 5 : i32
      %add3A_503 = arith.addi %mul3A_501, %add3A_502 : i32
      %get3A_504 = arith.index_cast %add3A_503 : i32 to index
      %get3A_505 = arith.constant 48 : index
      %get3A_506 = tpu.vector_load %arg6[%get3A_504, %get3A_505] {strides = array<i32>} : memref<576x64xf32, #tpu.memory_space<vmem>>, vector<1x16xf32>,
      %get3A_507 = vector.shape_cast %get3A_506 : vector<1x16xf32> to vector<16xf32>
      %add3A_508 = arith.addf %add3A_499, %get3A_507 : vector<16xf32>
      %mul3A_509 = arith.constant 9 : i32
      %mul3A_510 = arith.muli %scan3A_210, %mul3A_509 : i32
      %add3A_511 = arith.constant 6 : i32
      %add3A_512 = arith.addi %mul3A_510, %add3A_511 : i32
      %get3A_513 = arith.index_cast %add3A_512 : i32 to index
      %get3A_514 = arith.constant 48 : index
      %get3A_515 = tpu.vector_load %arg6[%get3A_513, %get3A_514] {strides = array<i32>} : memref<576x64xf32, #tpu.memory_space<vmem>>, vector<1x16xf32>,
      %get3A_516 = vector.shape_cast %get3A_515 : vector<1x16xf32> to vector<16xf32>
      %add3A_517 = arith.addf %add3A_508, %get3A_516 : vector<16xf32>
      %mul3A_518 = arith.constant 9 : i32
      %mul3A_519 = arith.muli %scan3A_210, %mul3A_518 : i32
      %add3A_520 = arith.constant 7 : i32
      %add3A_521 = arith.addi %mul3A_519, %add3A_520 : i32
      %get3A_522 = arith.index_cast %add3A_521 : i32 to index
      %get3A_523 = arith.constant 48 : index
      %get3A_524 = tpu.vector_load %arg6[%get3A_522, %get3A_523] {strides = array<i32>} : memref<576x64xf32, #tpu.memory_space<vmem>>, vector<1x16xf32>,
      %get3A_525 = vector.shape_cast %get3A_524 : vector<1x16xf32> to vector<16xf32>
      %add3A_526 = arith.addf %add3A_517, %get3A_525 : vector<16xf32>
      %mul3A_527 = arith.constant 9 : i32
      %mul3A_528 = arith.muli %scan3A_210, %mul3A_527 : i32
      %add3A_529 = arith.constant 8 : i32
      %add3A_530 = arith.addi %mul3A_528, %add3A_529 : i32
      %get3A_531 = arith.index_cast %add3A_530 : i32 to index
      %get3A_532 = arith.constant 48 : index
      %get3A_533 = tpu.vector_load %arg6[%get3A_531, %get3A_532] {strides = array<i32>} : memref<576x64xf32, #tpu.memory_space<vmem>>, vector<1x16xf32>,
      %get3A_534 = vector.shape_cast %get3A_533 : vector<1x16xf32> to vector<16xf32>
      %add3A_535 = arith.addf %add3A_526, %get3A_534 : vector<16xf32>
      %swap3A_536 = arith.index_cast %scan3A_210 : i32 to index
      %swap3A_537 = arith.constant 48 : index
      %swap3A_538 = tpu.vector_load %arg7[%swap3A_536, %swap3A_537] {strides = array<i32>} : memref<64x64xf32, #tpu.memory_space<vmem>>, vector<1x16xf32>,
      %swap3A_539 = vector.shape_cast %swap3A_538 : vector<1x16xf32> to vector<16xf32>
      %swap3A_540 = vector.shape_cast %add3A_535 : vector<16xf32> to vector<1x16xf32>
      tpu.vector_store %arg7[%swap3A_536, %swap3A_537], %swap3A_540 {strides = array<i32>} : memref<64x64xf32, #tpu.memory_space<vmem>>, vector<1x16xf32>,
    }
    %scan3A_207 = arith.constant 64 : i32
    %add3A_208 = arith.constant 64 : i32
    %add3A_209 = arith.addi %mul3A_2, %add3A_208 : i32
    "tpu.region"() ({
      %run_scoped3A = tpu.sem_alloc : memref<!tpu.dma_semaphore, #tpu.memory_space<semaphore_mem>>
      %dma_start3A_210 = arith.constant 0 : i32
      %dma_start3A_211 = tpu.memref_slice %arg4[%add3A_209, %dma_start3A_210] : memref<4096x64xf32, #tpu.memory_space<hbm>> -> memref<64x64xf32, #tpu.memory_space<hbm>>
      %dma_start3A_212 = arith.constant 0 : i32
      %dma_start3A_213 = tpu.memref_slice %arg4[%add3A_209, %dma_start3A_212] : memref<4096x64xf32, #tpu.memory_space<hbm>> -> memref<64x64xf32, #tpu.memory_space<hbm>>
      tpu.enqueue_dma source(%arg7 : memref<64x64xf32, #tpu.memory_space<vmem>>) target(%dma_start3A_213 : memref<64x64xf32, #tpu.memory_space<hbm>>) target_semaphore(%run_scoped3A : memref<!tpu.dma_semaphore, #tpu.memory_space<semaphore_mem>>)
      %dma_wait3A_214 = arith.constant 0 : i32
      %dma_wait3A_215 = tpu.memref_slice %arg4[%add3A_209, %dma_wait3A_214] : memref<4096x64xf32, #tpu.memory_space<hbm>> -> memref<64x64xf32, #tpu.memory_space<hbm>>
      %dma_wait3A_216 = arith.constant 0 : i32
      %dma_wait3A_217 = tpu.memref_slice %arg4[%add3A_209, %dma_wait3A_216] : memref<4096x64xf32, #tpu.memory_space<hbm>> -> memref<64x64xf32, #tpu.memory_space<hbm>>
      tpu.wait_dma2 semaphore(%run_scoped3A : memref<!tpu.dma_semaphore, #tpu.memory_space<semaphore_mem>>) src(%arg7 : memref<64x64xf32, #tpu.memory_space<vmem>>) dst(%dma_wait3A_217 : memref<64x64xf32, #tpu.memory_space<hbm>>)
      tpu.yield
    }) : () -> ()
    return
  }
}

module attributes {stable_mosaic.version = 14 : i64} {
  func.func @_octant_body(%arg0: i32, %arg1: i32, %arg2: memref<1x3x2048xf32, #tpu.memory_space<vmem>>, %arg3: memref<1x256x3xf32, #tpu.memory_space<vmem>>, %arg4: memref<1x256x9xi32, #tpu.memory_space<vmem>>) attributes {dimension_semantics = [#tpu.dimension_semantics<arbitrary>, #tpu.dimension_semantics<arbitrary>], iteration_bounds = array<i64: 2, 8>, scalar_prefetch = 0 : i64, scratch_operands = 0 : i64, tpu.core_type = #tpu.core_type<tc>, window_params = [{transform_indices = @transform_0, window_bounds = array<i64: 1, 3, 2048>}, {transform_indices = @transform_1, window_bounds = array<i64: 1, 256, 3>}, {transform_indices = @transform_2, window_bounds = array<i64: 1, 256, 9>}]} {
    %get3A = arith.constant 0 : index
    %get3A_0 = arith.constant 0 : index
    %get3A_1 = arith.constant 0 : index
    %get3A_2 = vector.load %arg2[%get3A, %get3A_0, %get3A_1] : memref<1x3x2048xf32, #tpu.memory_space<vmem>>, vector<1x1x2048xf32>
    %get3A_3 = vector.shape_cast %get3A_2 : vector<1x1x2048xf32> to vector<1x2048xf32>
    %get3A_4 = arith.constant 0 : index
    %get3A_5 = arith.constant 1 : index
    %get3A_6 = arith.constant 0 : index
    %get3A_7 = vector.load %arg2[%get3A_4, %get3A_5, %get3A_6] : memref<1x3x2048xf32, #tpu.memory_space<vmem>>, vector<1x1x2048xf32>
    %get3A_8 = vector.shape_cast %get3A_7 : vector<1x1x2048xf32> to vector<1x2048xf32>
    %get3A_9 = arith.constant 0 : index
    %get3A_10 = arith.constant 2 : index
    %get3A_11 = arith.constant 0 : index
    %get3A_12 = vector.load %arg2[%get3A_9, %get3A_10, %get3A_11] : memref<1x3x2048xf32, #tpu.memory_space<vmem>>, vector<1x1x2048xf32>
    %get3A_13 = vector.shape_cast %get3A_12 : vector<1x1x2048xf32> to vector<1x2048xf32>
    %get3A_14 = arith.constant 0 : index
    %get3A_15 = arith.constant 0 : index
    %get3A_16 = arith.constant 0 : index
    %get3A_17 = vector.load %arg3[%get3A_14, %get3A_15, %get3A_16] : memref<1x256x3xf32, #tpu.memory_space<vmem>>, vector<1x256x1xf32>
    %get3A_18 = vector.shape_cast %get3A_17 : vector<1x256x1xf32> to vector<256x1xf32>
    %get3A_19 = arith.constant 0 : index
    %get3A_20 = arith.constant 0 : index
    %get3A_21 = arith.constant 1 : index
    %get3A_22 = vector.load %arg3[%get3A_19, %get3A_20, %get3A_21] : memref<1x256x3xf32, #tpu.memory_space<vmem>>, vector<1x256x1xf32>
    %get3A_23 = vector.shape_cast %get3A_22 : vector<1x256x1xf32> to vector<256x1xf32>
    %get3A_24 = arith.constant 0 : index
    %get3A_25 = arith.constant 0 : index
    %get3A_26 = arith.constant 2 : index
    %get3A_27 = vector.load %arg3[%get3A_24, %get3A_25, %get3A_26] : memref<1x256x3xf32, #tpu.memory_space<vmem>>, vector<1x256x1xf32>
    %get3A_28 = vector.shape_cast %get3A_27 : vector<1x256x1xf32> to vector<256x1xf32>
    %sub3A = vector.broadcast %get3A_3 : vector<1x2048xf32> to vector<256x2048xf32>
    %sub3A_29 = vector.broadcast %get3A_18 : vector<256x1xf32> to vector<256x2048xf32>
    %sub3A_30 = arith.subf %sub3A, %sub3A_29 : vector<256x2048xf32>
    %sub3A_31 = vector.broadcast %get3A_8 : vector<1x2048xf32> to vector<256x2048xf32>
    %sub3A_32 = vector.broadcast %get3A_23 : vector<256x1xf32> to vector<256x2048xf32>
    %sub3A_33 = arith.subf %sub3A_31, %sub3A_32 : vector<256x2048xf32>
    %sub3A_34 = vector.broadcast %get3A_13 : vector<1x2048xf32> to vector<256x2048xf32>
    %sub3A_35 = vector.broadcast %get3A_28 : vector<256x1xf32> to vector<256x2048xf32>
    %sub3A_36 = arith.subf %sub3A_34, %sub3A_35 : vector<256x2048xf32>
    %mul3A = arith.mulf %sub3A_30, %sub3A_30 : vector<256x2048xf32>
    %mul3A_37 = arith.mulf %sub3A_33, %sub3A_33 : vector<256x2048xf32>
    %add3A = arith.addf %mul3A, %mul3A_37 : vector<256x2048xf32>
    %mul3A_38 = arith.mulf %sub3A_36, %sub3A_36 : vector<256x2048xf32>
    %add3A_39 = arith.addf %add3A, %mul3A_38 : vector<256x2048xf32>
    %le3A = arith.constant 2.250000e-02 : f32
    %le3A_40 = vector.broadcast %le3A : f32 to vector<256x2048xf32>
    %le3A_41 = arith.cmpf ole, %add3A_39, %le3A_40 : vector<256x2048xf32>
    %gt3A = arith.constant 0.000000e+00 : f32
    %gt3A_42 = vector.broadcast %gt3A : f32 to vector<256x2048xf32>
    %gt3A_43 = arith.cmpf ogt, %add3A_39, %gt3A_42 : vector<256x2048xf32>
    %and3A = arith.andi %le3A_41, %gt3A_43 : vector<256x2048xi1>
    %jit3A = arith.constant 0x7F800000 : f32
    %broadcast_in_dim3A = vector.broadcast %jit3A : f32 to vector<256x2048xf32>
    %select_n3A = arith.select %and3A, %add3A_39, %broadcast_in_dim3A : vector<256x2048xi1>, vector<256x2048xf32>
    %ge3A = arith.constant 0.000000e+00 : f32
    %ge3A_44 = vector.broadcast %ge3A : f32 to vector<256x2048xf32>
    %ge3A_45 = arith.cmpf oge, %sub3A_30, %ge3A_44 : vector<256x2048xf32>
    %ge3A_46 = arith.constant 0.000000e+00 : f32
    %ge3A_47 = vector.broadcast %ge3A_46 : f32 to vector<256x2048xf32>
    %ge3A_48 = arith.cmpf oge, %sub3A_33, %ge3A_47 : vector<256x2048xf32>
    %ge3A_49 = arith.constant 0.000000e+00 : f32
    %ge3A_50 = vector.broadcast %ge3A_49 : f32 to vector<256x2048xf32>
    %ge3A_51 = arith.cmpf oge, %sub3A_36, %ge3A_50 : vector<256x2048xf32>
    %convert_element_type3A = arith.extui %ge3A_45 : vector<256x2048xi1> to vector<256x2048xi32>
    %mul3A_52 = arith.constant 4 : i32
    %mul3A_53 = vector.broadcast %mul3A_52 : i32 to vector<256x2048xi32>
    %mul3A_54 = arith.muli %convert_element_type3A, %mul3A_53 : vector<256x2048xi32>
    %convert_element_type3A_55 = arith.extui %ge3A_48 : vector<256x2048xi1> to vector<256x2048xi32>
    %mul3A_56 = arith.constant 2 : i32
    %mul3A_57 = vector.broadcast %mul3A_56 : i32 to vector<256x2048xi32>
    %mul3A_58 = arith.muli %convert_element_type3A_55, %mul3A_57 : vector<256x2048xi32>
    %add3A_59 = arith.addi %mul3A_54, %mul3A_58 : vector<256x2048xi32>
    %convert_element_type3A_60 = arith.extui %ge3A_51 : vector<256x2048xi1> to vector<256x2048xi32>
    %add3A_61 = arith.addi %add3A_59, %convert_element_type3A_60 : vector<256x2048xi32>
    %iota3A = tpu.iota {dimensions = array<i32: 1>} : vector<256x2048xi32>
    %convert_element_type3A_62 = arith.sitofp %iota3A : vector<256x2048xi32> to vector<256x2048xf32>
    %mul3A_63 = arith.constant 256 : i32
    %mul3A_64 = arith.muli %arg1, %mul3A_63 : i32
    %iota3A_65 = tpu.iota {dimensions = array<i32: 0>} : vector<256x1xi32>
    %add3A_66 = vector.broadcast %mul3A_64 : i32 to vector<256x1xi32>
    %add3A_67 = arith.addi %add3A_66, %iota3A_65 : vector<256x1xi32>
    %convert_element_type3A_68 = arith.sitofp %add3A_67 : vector<256x1xi32> to vector<256x1xf32>
    %add3A_69 = arith.constant 2 : i32
    %add3A_70 = arith.addi %arg0, %add3A_69 : i32
    %convert_element_type3A_71 = arith.sitofp %add3A_70 : i32 to f32
    %mul3A_72 = arith.constant 1.843200e+04 : f32
    %mul3A_73 = arith.mulf %mul3A_72, %convert_element_type3A_71 : f32
    %mul3A_74 = arith.constant 9.000000e+00 : f32
    %mul3A_75 = vector.broadcast %mul3A_74 : f32 to vector<256x1xf32>
    %mul3A_76 = arith.mulf %convert_element_type3A_68, %mul3A_75 : vector<256x1xf32>
    %add3A_77 = vector.broadcast %mul3A_73 : f32 to vector<256x1xf32>
    %add3A_78 = arith.addf %add3A_77, %mul3A_76 : vector<256x1xf32>
    %eq3A = arith.constant 0 : i32
    %eq3A_79 = vector.broadcast %eq3A : i32 to vector<256x2048xi32>
    %eq3A_80 = arith.cmpi eq, %add3A_61, %eq3A_79 : vector<256x2048xi32>
    %jit3A_81 = arith.constant 0x7F800000 : f32
    %broadcast_in_dim3A_82 = vector.broadcast %jit3A_81 : f32 to vector<256x2048xf32>
    %select_n3A_83 = arith.select %eq3A_80, %select_n3A, %broadcast_in_dim3A_82 : vector<256x2048xi1>, vector<256x2048xf32>
    %reduce_min3A = arith.constant dense<0x7F800000> : vector<256xf32>
    %reduce_min3A_84 = vector.multi_reduction <minimumf>, %select_n3A_83, %reduce_min3A [1] : vector<256x2048xf32> to vector<256xf32>
    %broadcast_in_dim3A_85 = vector.shape_cast %reduce_min3A_84 : vector<256xf32> to vector<256x1xf32>
    %eq3A_86 = vector.broadcast %broadcast_in_dim3A_85 : vector<256x1xf32> to vector<256x2048xf32>
    %eq3A_87 = arith.cmpf oeq, %select_n3A_83, %eq3A_86 : vector<256x2048xf32>
    %jit3A_88 = arith.constant 2.048000e+03 : f32
    %broadcast_in_dim3A_89 = vector.broadcast %jit3A_88 : f32 to vector<256x2048xf32>
    %select_n3A_90 = arith.select %eq3A_87, %convert_element_type3A_62, %broadcast_in_dim3A_89 : vector<256x2048xi1>, vector<256x2048xf32>
    %reduce_min3A_91 = arith.constant dense<0x7F800000> : vector<256xf32>
    %reduce_min3A_92 = vector.multi_reduction <minimumf>, %select_n3A_90, %reduce_min3A_91 [1] : vector<256x2048xf32> to vector<256xf32>
    %broadcast_in_dim3A_93 = vector.shape_cast %reduce_min3A_92 : vector<256xf32> to vector<256x1xf32>
    %lt3A = arith.constant 0x7F800000 : f32
    %lt3A_94 = vector.broadcast %lt3A : f32 to vector<256x1xf32>
    %lt3A_95 = arith.cmpf olt, %broadcast_in_dim3A_85, %lt3A_94 : vector<256x1xf32>
    %select_n3A_96 = arith.select %lt3A_95, %broadcast_in_dim3A_93, %convert_element_type3A_68 : vector<256x1xi1>, vector<256x1xf32>
    %mul3A_97 = arith.constant 9.000000e+00 : f32
    %mul3A_98 = vector.broadcast %mul3A_97 : f32 to vector<256x1xf32>
    %mul3A_99 = arith.mulf %select_n3A_96, %mul3A_98 : vector<256x1xf32>
    %add3A_100 = vector.broadcast %mul3A_73 : f32 to vector<256x1xf32>
    %add3A_101 = arith.addf %add3A_100, %mul3A_99 : vector<256x1xf32>
    %add3A_102 = arith.constant 1.000000e+00 : f32
    %add3A_103 = vector.broadcast %add3A_102 : f32 to vector<256x1xf32>
    %add3A_104 = arith.addf %add3A_101, %add3A_103 : vector<256x1xf32>
    %eq3A_105 = arith.constant 1 : i32
    %eq3A_106 = vector.broadcast %eq3A_105 : i32 to vector<256x2048xi32>
    %eq3A_107 = arith.cmpi eq, %add3A_61, %eq3A_106 : vector<256x2048xi32>
    %jit3A_108 = arith.constant 0x7F800000 : f32
    %broadcast_in_dim3A_109 = vector.broadcast %jit3A_108 : f32 to vector<256x2048xf32>
    %select_n3A_110 = arith.select %eq3A_107, %select_n3A, %broadcast_in_dim3A_109 : vector<256x2048xi1>, vector<256x2048xf32>
    %reduce_min3A_111 = arith.constant dense<0x7F800000> : vector<256xf32>
    %reduce_min3A_112 = vector.multi_reduction <minimumf>, %select_n3A_110, %reduce_min3A_111 [1] : vector<256x2048xf32> to vector<256xf32>
    %broadcast_in_dim3A_113 = vector.shape_cast %reduce_min3A_112 : vector<256xf32> to vector<256x1xf32>
    %eq3A_114 = vector.broadcast %broadcast_in_dim3A_113 : vector<256x1xf32> to vector<256x2048xf32>
    %eq3A_115 = arith.cmpf oeq, %select_n3A_110, %eq3A_114 : vector<256x2048xf32>
    %jit3A_116 = arith.constant 2.048000e+03 : f32
    %broadcast_in_dim3A_117 = vector.broadcast %jit3A_116 : f32 to vector<256x2048xf32>
    %select_n3A_118 = arith.select %eq3A_115, %convert_element_type3A_62, %broadcast_in_dim3A_117 : vector<256x2048xi1>, vector<256x2048xf32>
    %reduce_min3A_119 = arith.constant dense<0x7F800000> : vector<256xf32>
    %reduce_min3A_120 = vector.multi_reduction <minimumf>, %select_n3A_118, %reduce_min3A_119 [1] : vector<256x2048xf32> to vector<256xf32>
    %broadcast_in_dim3A_121 = vector.shape_cast %reduce_min3A_120 : vector<256xf32> to vector<256x1xf32>
    %lt3A_122 = arith.constant 0x7F800000 : f32
    %lt3A_123 = vector.broadcast %lt3A_122 : f32 to vector<256x1xf32>
    %lt3A_124 = arith.cmpf olt, %broadcast_in_dim3A_113, %lt3A_123 : vector<256x1xf32>
    %select_n3A_125 = arith.select %lt3A_124, %broadcast_in_dim3A_121, %convert_element_type3A_68 : vector<256x1xi1>, vector<256x1xf32>
    %mul3A_126 = arith.constant 9.000000e+00 : f32
    %mul3A_127 = vector.broadcast %mul3A_126 : f32 to vector<256x1xf32>
    %mul3A_128 = arith.mulf %select_n3A_125, %mul3A_127 : vector<256x1xf32>
    %add3A_129 = vector.broadcast %mul3A_73 : f32 to vector<256x1xf32>
    %add3A_130 = arith.addf %add3A_129, %mul3A_128 : vector<256x1xf32>
    %add3A_131 = arith.constant 2.000000e+00 : f32
    %add3A_132 = vector.broadcast %add3A_131 : f32 to vector<256x1xf32>
    %add3A_133 = arith.addf %add3A_130, %add3A_132 : vector<256x1xf32>
    %eq3A_134 = arith.constant 2 : i32
    %eq3A_135 = vector.broadcast %eq3A_134 : i32 to vector<256x2048xi32>
    %eq3A_136 = arith.cmpi eq, %add3A_61, %eq3A_135 : vector<256x2048xi32>
    %jit3A_137 = arith.constant 0x7F800000 : f32
    %broadcast_in_dim3A_138 = vector.broadcast %jit3A_137 : f32 to vector<256x2048xf32>
    %select_n3A_139 = arith.select %eq3A_136, %select_n3A, %broadcast_in_dim3A_138 : vector<256x2048xi1>, vector<256x2048xf32>
    %reduce_min3A_140 = arith.constant dense<0x7F800000> : vector<256xf32>
    %reduce_min3A_141 = vector.multi_reduction <minimumf>, %select_n3A_139, %reduce_min3A_140 [1] : vector<256x2048xf32> to vector<256xf32>
    %broadcast_in_dim3A_142 = vector.shape_cast %reduce_min3A_141 : vector<256xf32> to vector<256x1xf32>
    %eq3A_143 = vector.broadcast %broadcast_in_dim3A_142 : vector<256x1xf32> to vector<256x2048xf32>
    %eq3A_144 = arith.cmpf oeq, %select_n3A_139, %eq3A_143 : vector<256x2048xf32>
    %jit3A_145 = arith.constant 2.048000e+03 : f32
    %broadcast_in_dim3A_146 = vector.broadcast %jit3A_145 : f32 to vector<256x2048xf32>
    %select_n3A_147 = arith.select %eq3A_144, %convert_element_type3A_62, %broadcast_in_dim3A_146 : vector<256x2048xi1>, vector<256x2048xf32>
    %reduce_min3A_148 = arith.constant dense<0x7F800000> : vector<256xf32>
    %reduce_min3A_149 = vector.multi_reduction <minimumf>, %select_n3A_147, %reduce_min3A_148 [1] : vector<256x2048xf32> to vector<256xf32>
    %broadcast_in_dim3A_150 = vector.shape_cast %reduce_min3A_149 : vector<256xf32> to vector<256x1xf32>
    %lt3A_151 = arith.constant 0x7F800000 : f32
    %lt3A_152 = vector.broadcast %lt3A_151 : f32 to vector<256x1xf32>
    %lt3A_153 = arith.cmpf olt, %broadcast_in_dim3A_142, %lt3A_152 : vector<256x1xf32>
    %select_n3A_154 = arith.select %lt3A_153, %broadcast_in_dim3A_150, %convert_element_type3A_68 : vector<256x1xi1>, vector<256x1xf32>
    %mul3A_155 = arith.constant 9.000000e+00 : f32
    %mul3A_156 = vector.broadcast %mul3A_155 : f32 to vector<256x1xf32>
    %mul3A_157 = arith.mulf %select_n3A_154, %mul3A_156 : vector<256x1xf32>
    %add3A_158 = vector.broadcast %mul3A_73 : f32 to vector<256x1xf32>
    %add3A_159 = arith.addf %add3A_158, %mul3A_157 : vector<256x1xf32>
    %add3A_160 = arith.constant 3.000000e+00 : f32
    %add3A_161 = vector.broadcast %add3A_160 : f32 to vector<256x1xf32>
    %add3A_162 = arith.addf %add3A_159, %add3A_161 : vector<256x1xf32>
    %eq3A_163 = arith.constant 3 : i32
    %eq3A_164 = vector.broadcast %eq3A_163 : i32 to vector<256x2048xi32>
    %eq3A_165 = arith.cmpi eq, %add3A_61, %eq3A_164 : vector<256x2048xi32>
    %jit3A_166 = arith.constant 0x7F800000 : f32
    %broadcast_in_dim3A_167 = vector.broadcast %jit3A_166 : f32 to vector<256x2048xf32>
    %select_n3A_168 = arith.select %eq3A_165, %select_n3A, %broadcast_in_dim3A_167 : vector<256x2048xi1>, vector<256x2048xf32>
    %reduce_min3A_169 = arith.constant dense<0x7F800000> : vector<256xf32>
    %reduce_min3A_170 = vector.multi_reduction <minimumf>, %select_n3A_168, %reduce_min3A_169 [1] : vector<256x2048xf32> to vector<256xf32>
    %broadcast_in_dim3A_171 = vector.shape_cast %reduce_min3A_170 : vector<256xf32> to vector<256x1xf32>
    %eq3A_172 = vector.broadcast %broadcast_in_dim3A_171 : vector<256x1xf32> to vector<256x2048xf32>
    %eq3A_173 = arith.cmpf oeq, %select_n3A_168, %eq3A_172 : vector<256x2048xf32>
    %jit3A_174 = arith.constant 2.048000e+03 : f32
    %broadcast_in_dim3A_175 = vector.broadcast %jit3A_174 : f32 to vector<256x2048xf32>
    %select_n3A_176 = arith.select %eq3A_173, %convert_element_type3A_62, %broadcast_in_dim3A_175 : vector<256x2048xi1>, vector<256x2048xf32>
    %reduce_min3A_177 = arith.constant dense<0x7F800000> : vector<256xf32>
    %reduce_min3A_178 = vector.multi_reduction <minimumf>, %select_n3A_176, %reduce_min3A_177 [1] : vector<256x2048xf32> to vector<256xf32>
    %broadcast_in_dim3A_179 = vector.shape_cast %reduce_min3A_178 : vector<256xf32> to vector<256x1xf32>
    %lt3A_180 = arith.constant 0x7F800000 : f32
    %lt3A_181 = vector.broadcast %lt3A_180 : f32 to vector<256x1xf32>
    %lt3A_182 = arith.cmpf olt, %broadcast_in_dim3A_171, %lt3A_181 : vector<256x1xf32>
    %select_n3A_183 = arith.select %lt3A_182, %broadcast_in_dim3A_179, %convert_element_type3A_68 : vector<256x1xi1>, vector<256x1xf32>
    %mul3A_184 = arith.constant 9.000000e+00 : f32
    %mul3A_185 = vector.broadcast %mul3A_184 : f32 to vector<256x1xf32>
    %mul3A_186 = arith.mulf %select_n3A_183, %mul3A_185 : vector<256x1xf32>
    %add3A_187 = vector.broadcast %mul3A_73 : f32 to vector<256x1xf32>
    %add3A_188 = arith.addf %add3A_187, %mul3A_186 : vector<256x1xf32>
    %add3A_189 = arith.constant 4.000000e+00 : f32
    %add3A_190 = vector.broadcast %add3A_189 : f32 to vector<256x1xf32>
    %add3A_191 = arith.addf %add3A_188, %add3A_190 : vector<256x1xf32>
    %eq3A_192 = arith.constant 4 : i32
    %eq3A_193 = vector.broadcast %eq3A_192 : i32 to vector<256x2048xi32>
    %eq3A_194 = arith.cmpi eq, %add3A_61, %eq3A_193 : vector<256x2048xi32>
    %jit3A_195 = arith.constant 0x7F800000 : f32
    %broadcast_in_dim3A_196 = vector.broadcast %jit3A_195 : f32 to vector<256x2048xf32>
    %select_n3A_197 = arith.select %eq3A_194, %select_n3A, %broadcast_in_dim3A_196 : vector<256x2048xi1>, vector<256x2048xf32>
    %reduce_min3A_198 = arith.constant dense<0x7F800000> : vector<256xf32>
    %reduce_min3A_199 = vector.multi_reduction <minimumf>, %select_n3A_197, %reduce_min3A_198 [1] : vector<256x2048xf32> to vector<256xf32>
    %broadcast_in_dim3A_200 = vector.shape_cast %reduce_min3A_199 : vector<256xf32> to vector<256x1xf32>
    %eq3A_201 = vector.broadcast %broadcast_in_dim3A_200 : vector<256x1xf32> to vector<256x2048xf32>
    %eq3A_202 = arith.cmpf oeq, %select_n3A_197, %eq3A_201 : vector<256x2048xf32>
    %jit3A_203 = arith.constant 2.048000e+03 : f32
    %broadcast_in_dim3A_204 = vector.broadcast %jit3A_203 : f32 to vector<256x2048xf32>
    %select_n3A_205 = arith.select %eq3A_202, %convert_element_type3A_62, %broadcast_in_dim3A_204 : vector<256x2048xi1>, vector<256x2048xf32>
    %reduce_min3A_206 = arith.constant dense<0x7F800000> : vector<256xf32>
    %reduce_min3A_207 = vector.multi_reduction <minimumf>, %select_n3A_205, %reduce_min3A_206 [1] : vector<256x2048xf32> to vector<256xf32>
    %broadcast_in_dim3A_208 = vector.shape_cast %reduce_min3A_207 : vector<256xf32> to vector<256x1xf32>
    %lt3A_209 = arith.constant 0x7F800000 : f32
    %lt3A_210 = vector.broadcast %lt3A_209 : f32 to vector<256x1xf32>
    %lt3A_211 = arith.cmpf olt, %broadcast_in_dim3A_200, %lt3A_210 : vector<256x1xf32>
    %select_n3A_212 = arith.select %lt3A_211, %broadcast_in_dim3A_208, %convert_element_type3A_68 : vector<256x1xi1>, vector<256x1xf32>
    %mul3A_213 = arith.constant 9.000000e+00 : f32
    %mul3A_214 = vector.broadcast %mul3A_213 : f32 to vector<256x1xf32>
    %mul3A_215 = arith.mulf %select_n3A_212, %mul3A_214 : vector<256x1xf32>
    %add3A_216 = vector.broadcast %mul3A_73 : f32 to vector<256x1xf32>
    %add3A_217 = arith.addf %add3A_216, %mul3A_215 : vector<256x1xf32>
    %add3A_218 = arith.constant 5.000000e+00 : f32
    %add3A_219 = vector.broadcast %add3A_218 : f32 to vector<256x1xf32>
    %add3A_220 = arith.addf %add3A_217, %add3A_219 : vector<256x1xf32>
    %eq3A_221 = arith.constant 5 : i32
    %eq3A_222 = vector.broadcast %eq3A_221 : i32 to vector<256x2048xi32>
    %eq3A_223 = arith.cmpi eq, %add3A_61, %eq3A_222 : vector<256x2048xi32>
    %jit3A_224 = arith.constant 0x7F800000 : f32
    %broadcast_in_dim3A_225 = vector.broadcast %jit3A_224 : f32 to vector<256x2048xf32>
    %select_n3A_226 = arith.select %eq3A_223, %select_n3A, %broadcast_in_dim3A_225 : vector<256x2048xi1>, vector<256x2048xf32>
    %reduce_min3A_227 = arith.constant dense<0x7F800000> : vector<256xf32>
    %reduce_min3A_228 = vector.multi_reduction <minimumf>, %select_n3A_226, %reduce_min3A_227 [1] : vector<256x2048xf32> to vector<256xf32>
    %broadcast_in_dim3A_229 = vector.shape_cast %reduce_min3A_228 : vector<256xf32> to vector<256x1xf32>
    %eq3A_230 = vector.broadcast %broadcast_in_dim3A_229 : vector<256x1xf32> to vector<256x2048xf32>
    %eq3A_231 = arith.cmpf oeq, %select_n3A_226, %eq3A_230 : vector<256x2048xf32>
    %jit3A_232 = arith.constant 2.048000e+03 : f32
    %broadcast_in_dim3A_233 = vector.broadcast %jit3A_232 : f32 to vector<256x2048xf32>
    %select_n3A_234 = arith.select %eq3A_231, %convert_element_type3A_62, %broadcast_in_dim3A_233 : vector<256x2048xi1>, vector<256x2048xf32>
    %reduce_min3A_235 = arith.constant dense<0x7F800000> : vector<256xf32>
    %reduce_min3A_236 = vector.multi_reduction <minimumf>, %select_n3A_234, %reduce_min3A_235 [1] : vector<256x2048xf32> to vector<256xf32>
    %broadcast_in_dim3A_237 = vector.shape_cast %reduce_min3A_236 : vector<256xf32> to vector<256x1xf32>
    %lt3A_238 = arith.constant 0x7F800000 : f32
    %lt3A_239 = vector.broadcast %lt3A_238 : f32 to vector<256x1xf32>
    %lt3A_240 = arith.cmpf olt, %broadcast_in_dim3A_229, %lt3A_239 : vector<256x1xf32>
    %select_n3A_241 = arith.select %lt3A_240, %broadcast_in_dim3A_237, %convert_element_type3A_68 : vector<256x1xi1>, vector<256x1xf32>
    %mul3A_242 = arith.constant 9.000000e+00 : f32
    %mul3A_243 = vector.broadcast %mul3A_242 : f32 to vector<256x1xf32>
    %mul3A_244 = arith.mulf %select_n3A_241, %mul3A_243 : vector<256x1xf32>
    %add3A_245 = vector.broadcast %mul3A_73 : f32 to vector<256x1xf32>
    %add3A_246 = arith.addf %add3A_245, %mul3A_244 : vector<256x1xf32>
    %add3A_247 = arith.constant 6.000000e+00 : f32
    %add3A_248 = vector.broadcast %add3A_247 : f32 to vector<256x1xf32>
    %add3A_249 = arith.addf %add3A_246, %add3A_248 : vector<256x1xf32>
    %eq3A_250 = arith.constant 6 : i32
    %eq3A_251 = vector.broadcast %eq3A_250 : i32 to vector<256x2048xi32>
    %eq3A_252 = arith.cmpi eq, %add3A_61, %eq3A_251 : vector<256x2048xi32>
    %jit3A_253 = arith.constant 0x7F800000 : f32
    %broadcast_in_dim3A_254 = vector.broadcast %jit3A_253 : f32 to vector<256x2048xf32>
    %select_n3A_255 = arith.select %eq3A_252, %select_n3A, %broadcast_in_dim3A_254 : vector<256x2048xi1>, vector<256x2048xf32>
    %reduce_min3A_256 = arith.constant dense<0x7F800000> : vector<256xf32>
    %reduce_min3A_257 = vector.multi_reduction <minimumf>, %select_n3A_255, %reduce_min3A_256 [1] : vector<256x2048xf32> to vector<256xf32>
    %broadcast_in_dim3A_258 = vector.shape_cast %reduce_min3A_257 : vector<256xf32> to vector<256x1xf32>
    %eq3A_259 = vector.broadcast %broadcast_in_dim3A_258 : vector<256x1xf32> to vector<256x2048xf32>
    %eq3A_260 = arith.cmpf oeq, %select_n3A_255, %eq3A_259 : vector<256x2048xf32>
    %jit3A_261 = arith.constant 2.048000e+03 : f32
    %broadcast_in_dim3A_262 = vector.broadcast %jit3A_261 : f32 to vector<256x2048xf32>
    %select_n3A_263 = arith.select %eq3A_260, %convert_element_type3A_62, %broadcast_in_dim3A_262 : vector<256x2048xi1>, vector<256x2048xf32>
    %reduce_min3A_264 = arith.constant dense<0x7F800000> : vector<256xf32>
    %reduce_min3A_265 = vector.multi_reduction <minimumf>, %select_n3A_263, %reduce_min3A_264 [1] : vector<256x2048xf32> to vector<256xf32>
    %broadcast_in_dim3A_266 = vector.shape_cast %reduce_min3A_265 : vector<256xf32> to vector<256x1xf32>
    %lt3A_267 = arith.constant 0x7F800000 : f32
    %lt3A_268 = vector.broadcast %lt3A_267 : f32 to vector<256x1xf32>
    %lt3A_269 = arith.cmpf olt, %broadcast_in_dim3A_258, %lt3A_268 : vector<256x1xf32>
    %select_n3A_270 = arith.select %lt3A_269, %broadcast_in_dim3A_266, %convert_element_type3A_68 : vector<256x1xi1>, vector<256x1xf32>
    %mul3A_271 = arith.constant 9.000000e+00 : f32
    %mul3A_272 = vector.broadcast %mul3A_271 : f32 to vector<256x1xf32>
    %mul3A_273 = arith.mulf %select_n3A_270, %mul3A_272 : vector<256x1xf32>
    %add3A_274 = vector.broadcast %mul3A_73 : f32 to vector<256x1xf32>
    %add3A_275 = arith.addf %add3A_274, %mul3A_273 : vector<256x1xf32>
    %add3A_276 = arith.constant 7.000000e+00 : f32
    %add3A_277 = vector.broadcast %add3A_276 : f32 to vector<256x1xf32>
    %add3A_278 = arith.addf %add3A_275, %add3A_277 : vector<256x1xf32>
    %eq3A_279 = arith.constant 7 : i32
    %eq3A_280 = vector.broadcast %eq3A_279 : i32 to vector<256x2048xi32>
    %eq3A_281 = arith.cmpi eq, %add3A_61, %eq3A_280 : vector<256x2048xi32>
    %jit3A_282 = arith.constant 0x7F800000 : f32
    %broadcast_in_dim3A_283 = vector.broadcast %jit3A_282 : f32 to vector<256x2048xf32>
    %select_n3A_284 = arith.select %eq3A_281, %select_n3A, %broadcast_in_dim3A_283 : vector<256x2048xi1>, vector<256x2048xf32>
    %reduce_min3A_285 = arith.constant dense<0x7F800000> : vector<256xf32>
    %reduce_min3A_286 = vector.multi_reduction <minimumf>, %select_n3A_284, %reduce_min3A_285 [1] : vector<256x2048xf32> to vector<256xf32>
    %broadcast_in_dim3A_287 = vector.shape_cast %reduce_min3A_286 : vector<256xf32> to vector<256x1xf32>
    %eq3A_288 = vector.broadcast %broadcast_in_dim3A_287 : vector<256x1xf32> to vector<256x2048xf32>
    %eq3A_289 = arith.cmpf oeq, %select_n3A_284, %eq3A_288 : vector<256x2048xf32>
    %jit3A_290 = arith.constant 2.048000e+03 : f32
    %broadcast_in_dim3A_291 = vector.broadcast %jit3A_290 : f32 to vector<256x2048xf32>
    %select_n3A_292 = arith.select %eq3A_289, %convert_element_type3A_62, %broadcast_in_dim3A_291 : vector<256x2048xi1>, vector<256x2048xf32>
    %reduce_min3A_293 = arith.constant dense<0x7F800000> : vector<256xf32>
    %reduce_min3A_294 = vector.multi_reduction <minimumf>, %select_n3A_292, %reduce_min3A_293 [1] : vector<256x2048xf32> to vector<256xf32>
    %broadcast_in_dim3A_295 = vector.shape_cast %reduce_min3A_294 : vector<256xf32> to vector<256x1xf32>
    %lt3A_296 = arith.constant 0x7F800000 : f32
    %lt3A_297 = vector.broadcast %lt3A_296 : f32 to vector<256x1xf32>
    %lt3A_298 = arith.cmpf olt, %broadcast_in_dim3A_287, %lt3A_297 : vector<256x1xf32>
    %select_n3A_299 = arith.select %lt3A_298, %broadcast_in_dim3A_295, %convert_element_type3A_68 : vector<256x1xi1>, vector<256x1xf32>
    %mul3A_300 = arith.constant 9.000000e+00 : f32
    %mul3A_301 = vector.broadcast %mul3A_300 : f32 to vector<256x1xf32>
    %mul3A_302 = arith.mulf %select_n3A_299, %mul3A_301 : vector<256x1xf32>
    %add3A_303 = vector.broadcast %mul3A_73 : f32 to vector<256x1xf32>
    %add3A_304 = arith.addf %add3A_303, %mul3A_302 : vector<256x1xf32>
    %add3A_305 = arith.constant 8.000000e+00 : f32
    %add3A_306 = vector.broadcast %add3A_305 : f32 to vector<256x1xf32>
    %add3A_307 = arith.addf %add3A_304, %add3A_306 : vector<256x1xf32>
    %concatenate3A = tpu.concatenate %add3A_78, %add3A_104, %add3A_133, %add3A_162, %add3A_191, %add3A_220, %add3A_249, %add3A_278, %add3A_307 in 1 : vector<256x1xf32>, vector<256x1xf32>, vector<256x1xf32>, vector<256x1xf32>, vector<256x1xf32>, vector<256x1xf32>, vector<256x1xf32>, vector<256x1xf32>, vector<256x1xf32> -> vector<256x9xf32>
    %convert_element_type3A_308 = arith.fptosi %concatenate3A : vector<256x9xf32> to vector<256x9xi32>
    %swap3A = arith.constant 0 : index
    %swap3A_309 = arith.constant 0 : index
    %swap3A_310 = arith.constant 0 : index
    %swap3A_311 = vector.load %arg4[%swap3A, %swap3A_309, %swap3A_310] : memref<1x256x9xi32, #tpu.memory_space<vmem>>, vector<1x256x9xi32>
    %swap3A_312 = vector.shape_cast %swap3A_311 : vector<1x256x9xi32> to vector<256x9xi32>
    %swap3A_313 = vector.shape_cast %convert_element_type3A_308 : vector<256x9xi32> to vector<1x256x9xi32>
    tpu.vector_store %arg4[%swap3A, %swap3A_309, %swap3A_310], %swap3A_313 {strides = array<i32>} : memref<1x256x9xi32, #tpu.memory_space<vmem>>, vector<1x256x9xi32>,
    return
  }
  func.func @transform_0(%arg0: i32, %arg1: i32) -> (i32, i32, i32) {
    %c0_i32 = arith.constant 0 : i32
    %c0_i32_0 = arith.constant 0 : i32
    %c0_i32_1 = arith.constant 0 : i32
    return %arg0, %c0_i32, %c0_i32_0 : i32, i32, i32
  }
  func.func @transform_1(%arg0: i32, %arg1: i32) -> (i32, i32, i32) {
    %c0_i32 = arith.constant 0 : i32
    %c0_i32_0 = arith.constant 0 : i32
    return %arg0, %arg1, %c0_i32 : i32, i32, i32
  }
  func.func @transform_2(%arg0: i32, %arg1: i32) -> (i32, i32, i32) {
    %c0_i32 = arith.constant 0 : i32
    %c0_i32_0 = arith.constant 0 : i32
    return %arg0, %arg1, %c0_i32 : i32, i32, i32
  }
}

module attributes {stable_mosaic.version = 14 : i64} {
  func.func @_table_body(%arg0: i32, %arg1: memref<1x64x2048xf32, #tpu.memory_space<vmem>>, %arg2: memref<64x576xf32, #tpu.memory_space<vmem>>, %arg3: memref<1x576xf32, #tpu.memory_space<vmem>>, %arg4: memref<1x2048x576xf32, #tpu.memory_space<vmem>>) attributes {dimension_semantics = [#tpu.dimension_semantics<arbitrary>], iteration_bounds = array<i64: 4>, scalar_prefetch = 0 : i64, scratch_operands = 0 : i64, tpu.core_type = #tpu.core_type<tc>, window_params = [{transform_indices = @transform_0, window_bounds = array<i64: 1, 64, 2048>}, {pipeline_mode = #tpu.pipeline_mode<synchronous>, transform_indices = @transform_1, window_bounds = array<i64: 64, 576>}, {pipeline_mode = #tpu.pipeline_mode<synchronous>, transform_indices = @transform_2, window_bounds = array<i64: 1, 576>}, {transform_indices = @transform_3, window_bounds = array<i64: 1, 2048, 576>}]} {
    %get3A = arith.constant 0 : index
    %get3A_0 = arith.constant 0 : index
    %get3A_1 = arith.constant 0 : index
    %get3A_2 = vector.load %arg1[%get3A, %get3A_0, %get3A_1] : memref<1x64x2048xf32, #tpu.memory_space<vmem>>, vector<1x64x2048xf32>
    %get3A_3 = vector.shape_cast %get3A_2 : vector<1x64x2048xf32> to vector<64x2048xf32>
    %get3A_4 = arith.constant 0 : index
    %get3A_5 = arith.constant 0 : index
    %get3A_6 = vector.load %arg2[%get3A_4, %get3A_5] : memref<64x576xf32, #tpu.memory_space<vmem>>, vector<64x576xf32>
    %dot_general3A = arith.constant dense<0.000000e+00> : vector<2048x576xf32>
    %dot_general3A_7 = tpu.matmul %get3A_3, %get3A_6, %dot_general3A {dimension_numbers = #tpu.dot_dimension_numbers<[0], [0], [1], [1], [0, 1, 1, 1], [], []>, transpose_lhs_hint = false} : vector<64x2048xf32>, vector<64x576xf32>, vector<2048x576xf32> -> vector<2048x576xf32>
    %get3A_8 = arith.constant 0 : index
    %get3A_9 = arith.constant 0 : index
    %get3A_10 = vector.load %arg3[%get3A_8, %get3A_9] : memref<1x576xf32, #tpu.memory_space<vmem>>, vector<1x576xf32>
    %add3A = vector.broadcast %get3A_10 : vector<1x576xf32> to vector<2048x576xf32>
    %add3A_11 = arith.addf %dot_general3A_7, %add3A : vector<2048x576xf32>
    %swap3A = arith.constant 0 : index
    %swap3A_12 = arith.constant 0 : index
    %swap3A_13 = arith.constant 0 : index
    %swap3A_14 = vector.load %arg4[%swap3A, %swap3A_12, %swap3A_13] : memref<1x2048x576xf32, #tpu.memory_space<vmem>>, vector<1x2048x576xf32>
    %swap3A_15 = vector.shape_cast %swap3A_14 : vector<1x2048x576xf32> to vector<2048x576xf32>
    %swap3A_16 = vector.shape_cast %add3A_11 : vector<2048x576xf32> to vector<1x2048x576xf32>
    tpu.vector_store %arg4[%swap3A, %swap3A_12, %swap3A_13], %swap3A_16 {strides = array<i32>} : memref<1x2048x576xf32, #tpu.memory_space<vmem>>, vector<1x2048x576xf32>,
    return
  }
  func.func @transform_0(%arg0: i32) -> (i32, i32, i32) {
    %c0_i32 = arith.constant 0 : i32
    %c0_i32_0 = arith.constant 0 : i32
    %c0_i32_1 = arith.constant 0 : i32
    return %arg0, %c0_i32, %c0_i32_0 : i32, i32, i32
  }
  func.func @transform_1(%arg0: i32) -> (i32, i32) {
    %c0_i32 = arith.constant 0 : i32
    %c0_i32_0 = arith.constant 0 : i32
    %c0_i32_1 = arith.constant 0 : i32
    return %c0_i32, %c0_i32_0 : i32, i32
  }
  func.func @transform_2(%arg0: i32) -> (i32, i32) {
    %c0_i32 = arith.constant 0 : i32
    %c0_i32_0 = arith.constant 0 : i32
    %c0_i32_1 = arith.constant 0 : i32
    return %c0_i32, %c0_i32_0 : i32, i32
  }
  func.func @transform_3(%arg0: i32) -> (i32, i32, i32) {
    %c0_i32 = arith.constant 0 : i32
    %c0_i32_0 = arith.constant 0 : i32
    %c0_i32_1 = arith.constant 0 : i32
    return %arg0, %c0_i32, %c0_i32_0 : i32, i32, i32
  }
}

module attributes {stable_mosaic.version = 14 : i64} {
  func.func @_octant_body(%arg0: i32, %arg1: i32, %arg2: memref<1x3x2048xf32, #tpu.memory_space<vmem>>, %arg3: memref<1x256x3xf32, #tpu.memory_space<vmem>>, %arg4: memref<1x256x9xi32, #tpu.memory_space<vmem>>) attributes {dimension_semantics = [#tpu.dimension_semantics<arbitrary>, #tpu.dimension_semantics<arbitrary>], iteration_bounds = array<i64: 2, 8>, scalar_prefetch = 0 : i64, scratch_operands = 0 : i64, tpu.core_type = #tpu.core_type<tc>, window_params = [{transform_indices = @transform_0, window_bounds = array<i64: 1, 3, 2048>}, {transform_indices = @transform_1, window_bounds = array<i64: 1, 256, 3>}, {transform_indices = @transform_2, window_bounds = array<i64: 1, 256, 9>}]} {
    %get3A = arith.constant 0 : index
    %get3A_0 = arith.constant 0 : index
    %get3A_1 = arith.constant 0 : index
    %get3A_2 = vector.load %arg2[%get3A, %get3A_0, %get3A_1] : memref<1x3x2048xf32, #tpu.memory_space<vmem>>, vector<1x1x2048xf32>
    %get3A_3 = vector.shape_cast %get3A_2 : vector<1x1x2048xf32> to vector<1x2048xf32>
    %get3A_4 = arith.constant 0 : index
    %get3A_5 = arith.constant 1 : index
    %get3A_6 = arith.constant 0 : index
    %get3A_7 = vector.load %arg2[%get3A_4, %get3A_5, %get3A_6] : memref<1x3x2048xf32, #tpu.memory_space<vmem>>, vector<1x1x2048xf32>
    %get3A_8 = vector.shape_cast %get3A_7 : vector<1x1x2048xf32> to vector<1x2048xf32>
    %get3A_9 = arith.constant 0 : index
    %get3A_10 = arith.constant 2 : index
    %get3A_11 = arith.constant 0 : index
    %get3A_12 = vector.load %arg2[%get3A_9, %get3A_10, %get3A_11] : memref<1x3x2048xf32, #tpu.memory_space<vmem>>, vector<1x1x2048xf32>
    %get3A_13 = vector.shape_cast %get3A_12 : vector<1x1x2048xf32> to vector<1x2048xf32>
    %get3A_14 = arith.constant 0 : index
    %get3A_15 = arith.constant 0 : index
    %get3A_16 = arith.constant 0 : index
    %get3A_17 = vector.load %arg3[%get3A_14, %get3A_15, %get3A_16] : memref<1x256x3xf32, #tpu.memory_space<vmem>>, vector<1x256x1xf32>
    %get3A_18 = vector.shape_cast %get3A_17 : vector<1x256x1xf32> to vector<256x1xf32>
    %get3A_19 = arith.constant 0 : index
    %get3A_20 = arith.constant 0 : index
    %get3A_21 = arith.constant 1 : index
    %get3A_22 = vector.load %arg3[%get3A_19, %get3A_20, %get3A_21] : memref<1x256x3xf32, #tpu.memory_space<vmem>>, vector<1x256x1xf32>
    %get3A_23 = vector.shape_cast %get3A_22 : vector<1x256x1xf32> to vector<256x1xf32>
    %get3A_24 = arith.constant 0 : index
    %get3A_25 = arith.constant 0 : index
    %get3A_26 = arith.constant 2 : index
    %get3A_27 = vector.load %arg3[%get3A_24, %get3A_25, %get3A_26] : memref<1x256x3xf32, #tpu.memory_space<vmem>>, vector<1x256x1xf32>
    %get3A_28 = vector.shape_cast %get3A_27 : vector<1x256x1xf32> to vector<256x1xf32>
    %sub3A = vector.broadcast %get3A_3 : vector<1x2048xf32> to vector<256x2048xf32>
    %sub3A_29 = vector.broadcast %get3A_18 : vector<256x1xf32> to vector<256x2048xf32>
    %sub3A_30 = arith.subf %sub3A, %sub3A_29 : vector<256x2048xf32>
    %sub3A_31 = vector.broadcast %get3A_8 : vector<1x2048xf32> to vector<256x2048xf32>
    %sub3A_32 = vector.broadcast %get3A_23 : vector<256x1xf32> to vector<256x2048xf32>
    %sub3A_33 = arith.subf %sub3A_31, %sub3A_32 : vector<256x2048xf32>
    %sub3A_34 = vector.broadcast %get3A_13 : vector<1x2048xf32> to vector<256x2048xf32>
    %sub3A_35 = vector.broadcast %get3A_28 : vector<256x1xf32> to vector<256x2048xf32>
    %sub3A_36 = arith.subf %sub3A_34, %sub3A_35 : vector<256x2048xf32>
    %mul3A = arith.mulf %sub3A_30, %sub3A_30 : vector<256x2048xf32>
    %mul3A_37 = arith.mulf %sub3A_33, %sub3A_33 : vector<256x2048xf32>
    %add3A = arith.addf %mul3A, %mul3A_37 : vector<256x2048xf32>
    %mul3A_38 = arith.mulf %sub3A_36, %sub3A_36 : vector<256x2048xf32>
    %add3A_39 = arith.addf %add3A, %mul3A_38 : vector<256x2048xf32>
    %le3A = arith.constant 2.250000e-02 : f32
    %le3A_40 = vector.broadcast %le3A : f32 to vector<256x2048xf32>
    %le3A_41 = arith.cmpf ole, %add3A_39, %le3A_40 : vector<256x2048xf32>
    %gt3A = arith.constant 0.000000e+00 : f32
    %gt3A_42 = vector.broadcast %gt3A : f32 to vector<256x2048xf32>
    %gt3A_43 = arith.cmpf ogt, %add3A_39, %gt3A_42 : vector<256x2048xf32>
    %and3A = arith.andi %le3A_41, %gt3A_43 : vector<256x2048xi1>
    %jit3A = arith.constant 0x7F800000 : f32
    %broadcast_in_dim3A = vector.broadcast %jit3A : f32 to vector<256x2048xf32>
    %select_n3A = arith.select %and3A, %add3A_39, %broadcast_in_dim3A : vector<256x2048xi1>, vector<256x2048xf32>
    %ge3A = arith.constant 0.000000e+00 : f32
    %ge3A_44 = vector.broadcast %ge3A : f32 to vector<256x2048xf32>
    %ge3A_45 = arith.cmpf oge, %sub3A_30, %ge3A_44 : vector<256x2048xf32>
    %ge3A_46 = arith.constant 0.000000e+00 : f32
    %ge3A_47 = vector.broadcast %ge3A_46 : f32 to vector<256x2048xf32>
    %ge3A_48 = arith.cmpf oge, %sub3A_33, %ge3A_47 : vector<256x2048xf32>
    %ge3A_49 = arith.constant 0.000000e+00 : f32
    %ge3A_50 = vector.broadcast %ge3A_49 : f32 to vector<256x2048xf32>
    %ge3A_51 = arith.cmpf oge, %sub3A_36, %ge3A_50 : vector<256x2048xf32>
    %convert_element_type3A = arith.extui %ge3A_45 : vector<256x2048xi1> to vector<256x2048xi32>
    %mul3A_52 = arith.constant 4 : i32
    %mul3A_53 = vector.broadcast %mul3A_52 : i32 to vector<256x2048xi32>
    %mul3A_54 = arith.muli %convert_element_type3A, %mul3A_53 : vector<256x2048xi32>
    %convert_element_type3A_55 = arith.extui %ge3A_48 : vector<256x2048xi1> to vector<256x2048xi32>
    %mul3A_56 = arith.constant 2 : i32
    %mul3A_57 = vector.broadcast %mul3A_56 : i32 to vector<256x2048xi32>
    %mul3A_58 = arith.muli %convert_element_type3A_55, %mul3A_57 : vector<256x2048xi32>
    %add3A_59 = arith.addi %mul3A_54, %mul3A_58 : vector<256x2048xi32>
    %convert_element_type3A_60 = arith.extui %ge3A_51 : vector<256x2048xi1> to vector<256x2048xi32>
    %add3A_61 = arith.addi %add3A_59, %convert_element_type3A_60 : vector<256x2048xi32>
    %iota3A = tpu.iota {dimensions = array<i32: 1>} : vector<256x2048xi32>
    %convert_element_type3A_62 = arith.sitofp %iota3A : vector<256x2048xi32> to vector<256x2048xf32>
    %mul3A_63 = arith.constant 256 : i32
    %mul3A_64 = arith.muli %arg1, %mul3A_63 : i32
    %iota3A_65 = tpu.iota {dimensions = array<i32: 0>} : vector<256x1xi32>
    %add3A_66 = vector.broadcast %mul3A_64 : i32 to vector<256x1xi32>
    %add3A_67 = arith.addi %add3A_66, %iota3A_65 : vector<256x1xi32>
    %convert_element_type3A_68 = arith.sitofp %add3A_67 : vector<256x1xi32> to vector<256x1xf32>
    %add3A_69 = arith.constant 0 : i32
    %add3A_70 = arith.addi %arg0, %add3A_69 : i32
    %convert_element_type3A_71 = arith.sitofp %add3A_70 : i32 to f32
    %mul3A_72 = arith.constant 1.843200e+04 : f32
    %mul3A_73 = arith.mulf %mul3A_72, %convert_element_type3A_71 : f32
    %mul3A_74 = arith.constant 9.000000e+00 : f32
    %mul3A_75 = vector.broadcast %mul3A_74 : f32 to vector<256x1xf32>
    %mul3A_76 = arith.mulf %convert_element_type3A_68, %mul3A_75 : vector<256x1xf32>
    %add3A_77 = vector.broadcast %mul3A_73 : f32 to vector<256x1xf32>
    %add3A_78 = arith.addf %add3A_77, %mul3A_76 : vector<256x1xf32>
    %eq3A = arith.constant 0 : i32
    %eq3A_79 = vector.broadcast %eq3A : i32 to vector<256x2048xi32>
    %eq3A_80 = arith.cmpi eq, %add3A_61, %eq3A_79 : vector<256x2048xi32>
    %jit3A_81 = arith.constant 0x7F800000 : f32
    %broadcast_in_dim3A_82 = vector.broadcast %jit3A_81 : f32 to vector<256x2048xf32>
    %select_n3A_83 = arith.select %eq3A_80, %select_n3A, %broadcast_in_dim3A_82 : vector<256x2048xi1>, vector<256x2048xf32>
    %reduce_min3A = arith.constant dense<0x7F800000> : vector<256xf32>
    %reduce_min3A_84 = vector.multi_reduction <minimumf>, %select_n3A_83, %reduce_min3A [1] : vector<256x2048xf32> to vector<256xf32>
    %broadcast_in_dim3A_85 = vector.shape_cast %reduce_min3A_84 : vector<256xf32> to vector<256x1xf32>
    %eq3A_86 = vector.broadcast %broadcast_in_dim3A_85 : vector<256x1xf32> to vector<256x2048xf32>
    %eq3A_87 = arith.cmpf oeq, %select_n3A_83, %eq3A_86 : vector<256x2048xf32>
    %jit3A_88 = arith.constant 2.048000e+03 : f32
    %broadcast_in_dim3A_89 = vector.broadcast %jit3A_88 : f32 to vector<256x2048xf32>
    %select_n3A_90 = arith.select %eq3A_87, %convert_element_type3A_62, %broadcast_in_dim3A_89 : vector<256x2048xi1>, vector<256x2048xf32>
    %reduce_min3A_91 = arith.constant dense<0x7F800000> : vector<256xf32>
    %reduce_min3A_92 = vector.multi_reduction <minimumf>, %select_n3A_90, %reduce_min3A_91 [1] : vector<256x2048xf32> to vector<256xf32>
    %broadcast_in_dim3A_93 = vector.shape_cast %reduce_min3A_92 : vector<256xf32> to vector<256x1xf32>
    %lt3A = arith.constant 0x7F800000 : f32
    %lt3A_94 = vector.broadcast %lt3A : f32 to vector<256x1xf32>
    %lt3A_95 = arith.cmpf olt, %broadcast_in_dim3A_85, %lt3A_94 : vector<256x1xf32>
    %select_n3A_96 = arith.select %lt3A_95, %broadcast_in_dim3A_93, %convert_element_type3A_68 : vector<256x1xi1>, vector<256x1xf32>
    %mul3A_97 = arith.constant 9.000000e+00 : f32
    %mul3A_98 = vector.broadcast %mul3A_97 : f32 to vector<256x1xf32>
    %mul3A_99 = arith.mulf %select_n3A_96, %mul3A_98 : vector<256x1xf32>
    %add3A_100 = vector.broadcast %mul3A_73 : f32 to vector<256x1xf32>
    %add3A_101 = arith.addf %add3A_100, %mul3A_99 : vector<256x1xf32>
    %add3A_102 = arith.constant 1.000000e+00 : f32
    %add3A_103 = vector.broadcast %add3A_102 : f32 to vector<256x1xf32>
    %add3A_104 = arith.addf %add3A_101, %add3A_103 : vector<256x1xf32>
    %eq3A_105 = arith.constant 1 : i32
    %eq3A_106 = vector.broadcast %eq3A_105 : i32 to vector<256x2048xi32>
    %eq3A_107 = arith.cmpi eq, %add3A_61, %eq3A_106 : vector<256x2048xi32>
    %jit3A_108 = arith.constant 0x7F800000 : f32
    %broadcast_in_dim3A_109 = vector.broadcast %jit3A_108 : f32 to vector<256x2048xf32>
    %select_n3A_110 = arith.select %eq3A_107, %select_n3A, %broadcast_in_dim3A_109 : vector<256x2048xi1>, vector<256x2048xf32>
    %reduce_min3A_111 = arith.constant dense<0x7F800000> : vector<256xf32>
    %reduce_min3A_112 = vector.multi_reduction <minimumf>, %select_n3A_110, %reduce_min3A_111 [1] : vector<256x2048xf32> to vector<256xf32>
    %broadcast_in_dim3A_113 = vector.shape_cast %reduce_min3A_112 : vector<256xf32> to vector<256x1xf32>
    %eq3A_114 = vector.broadcast %broadcast_in_dim3A_113 : vector<256x1xf32> to vector<256x2048xf32>
    %eq3A_115 = arith.cmpf oeq, %select_n3A_110, %eq3A_114 : vector<256x2048xf32>
    %jit3A_116 = arith.constant 2.048000e+03 : f32
    %broadcast_in_dim3A_117 = vector.broadcast %jit3A_116 : f32 to vector<256x2048xf32>
    %select_n3A_118 = arith.select %eq3A_115, %convert_element_type3A_62, %broadcast_in_dim3A_117 : vector<256x2048xi1>, vector<256x2048xf32>
    %reduce_min3A_119 = arith.constant dense<0x7F800000> : vector<256xf32>
    %reduce_min3A_120 = vector.multi_reduction <minimumf>, %select_n3A_118, %reduce_min3A_119 [1] : vector<256x2048xf32> to vector<256xf32>
    %broadcast_in_dim3A_121 = vector.shape_cast %reduce_min3A_120 : vector<256xf32> to vector<256x1xf32>
    %lt3A_122 = arith.constant 0x7F800000 : f32
    %lt3A_123 = vector.broadcast %lt3A_122 : f32 to vector<256x1xf32>
    %lt3A_124 = arith.cmpf olt, %broadcast_in_dim3A_113, %lt3A_123 : vector<256x1xf32>
    %select_n3A_125 = arith.select %lt3A_124, %broadcast_in_dim3A_121, %convert_element_type3A_68 : vector<256x1xi1>, vector<256x1xf32>
    %mul3A_126 = arith.constant 9.000000e+00 : f32
    %mul3A_127 = vector.broadcast %mul3A_126 : f32 to vector<256x1xf32>
    %mul3A_128 = arith.mulf %select_n3A_125, %mul3A_127 : vector<256x1xf32>
    %add3A_129 = vector.broadcast %mul3A_73 : f32 to vector<256x1xf32>
    %add3A_130 = arith.addf %add3A_129, %mul3A_128 : vector<256x1xf32>
    %add3A_131 = arith.constant 2.000000e+00 : f32
    %add3A_132 = vector.broadcast %add3A_131 : f32 to vector<256x1xf32>
    %add3A_133 = arith.addf %add3A_130, %add3A_132 : vector<256x1xf32>
    %eq3A_134 = arith.constant 2 : i32
    %eq3A_135 = vector.broadcast %eq3A_134 : i32 to vector<256x2048xi32>
    %eq3A_136 = arith.cmpi eq, %add3A_61, %eq3A_135 : vector<256x2048xi32>
    %jit3A_137 = arith.constant 0x7F800000 : f32
    %broadcast_in_dim3A_138 = vector.broadcast %jit3A_137 : f32 to vector<256x2048xf32>
    %select_n3A_139 = arith.select %eq3A_136, %select_n3A, %broadcast_in_dim3A_138 : vector<256x2048xi1>, vector<256x2048xf32>
    %reduce_min3A_140 = arith.constant dense<0x7F800000> : vector<256xf32>
    %reduce_min3A_141 = vector.multi_reduction <minimumf>, %select_n3A_139, %reduce_min3A_140 [1] : vector<256x2048xf32> to vector<256xf32>
    %broadcast_in_dim3A_142 = vector.shape_cast %reduce_min3A_141 : vector<256xf32> to vector<256x1xf32>
    %eq3A_143 = vector.broadcast %broadcast_in_dim3A_142 : vector<256x1xf32> to vector<256x2048xf32>
    %eq3A_144 = arith.cmpf oeq, %select_n3A_139, %eq3A_143 : vector<256x2048xf32>
    %jit3A_145 = arith.constant 2.048000e+03 : f32
    %broadcast_in_dim3A_146 = vector.broadcast %jit3A_145 : f32 to vector<256x2048xf32>
    %select_n3A_147 = arith.select %eq3A_144, %convert_element_type3A_62, %broadcast_in_dim3A_146 : vector<256x2048xi1>, vector<256x2048xf32>
    %reduce_min3A_148 = arith.constant dense<0x7F800000> : vector<256xf32>
    %reduce_min3A_149 = vector.multi_reduction <minimumf>, %select_n3A_147, %reduce_min3A_148 [1] : vector<256x2048xf32> to vector<256xf32>
    %broadcast_in_dim3A_150 = vector.shape_cast %reduce_min3A_149 : vector<256xf32> to vector<256x1xf32>
    %lt3A_151 = arith.constant 0x7F800000 : f32
    %lt3A_152 = vector.broadcast %lt3A_151 : f32 to vector<256x1xf32>
    %lt3A_153 = arith.cmpf olt, %broadcast_in_dim3A_142, %lt3A_152 : vector<256x1xf32>
    %select_n3A_154 = arith.select %lt3A_153, %broadcast_in_dim3A_150, %convert_element_type3A_68 : vector<256x1xi1>, vector<256x1xf32>
    %mul3A_155 = arith.constant 9.000000e+00 : f32
    %mul3A_156 = vector.broadcast %mul3A_155 : f32 to vector<256x1xf32>
    %mul3A_157 = arith.mulf %select_n3A_154, %mul3A_156 : vector<256x1xf32>
    %add3A_158 = vector.broadcast %mul3A_73 : f32 to vector<256x1xf32>
    %add3A_159 = arith.addf %add3A_158, %mul3A_157 : vector<256x1xf32>
    %add3A_160 = arith.constant 3.000000e+00 : f32
    %add3A_161 = vector.broadcast %add3A_160 : f32 to vector<256x1xf32>
    %add3A_162 = arith.addf %add3A_159, %add3A_161 : vector<256x1xf32>
    %eq3A_163 = arith.constant 3 : i32
    %eq3A_164 = vector.broadcast %eq3A_163 : i32 to vector<256x2048xi32>
    %eq3A_165 = arith.cmpi eq, %add3A_61, %eq3A_164 : vector<256x2048xi32>
    %jit3A_166 = arith.constant 0x7F800000 : f32
    %broadcast_in_dim3A_167 = vector.broadcast %jit3A_166 : f32 to vector<256x2048xf32>
    %select_n3A_168 = arith.select %eq3A_165, %select_n3A, %broadcast_in_dim3A_167 : vector<256x2048xi1>, vector<256x2048xf32>
    %reduce_min3A_169 = arith.constant dense<0x7F800000> : vector<256xf32>
    %reduce_min3A_170 = vector.multi_reduction <minimumf>, %select_n3A_168, %reduce_min3A_169 [1] : vector<256x2048xf32> to vector<256xf32>
    %broadcast_in_dim3A_171 = vector.shape_cast %reduce_min3A_170 : vector<256xf32> to vector<256x1xf32>
    %eq3A_172 = vector.broadcast %broadcast_in_dim3A_171 : vector<256x1xf32> to vector<256x2048xf32>
    %eq3A_173 = arith.cmpf oeq, %select_n3A_168, %eq3A_172 : vector<256x2048xf32>
    %jit3A_174 = arith.constant 2.048000e+03 : f32
    %broadcast_in_dim3A_175 = vector.broadcast %jit3A_174 : f32 to vector<256x2048xf32>
    %select_n3A_176 = arith.select %eq3A_173, %convert_element_type3A_62, %broadcast_in_dim3A_175 : vector<256x2048xi1>, vector<256x2048xf32>
    %reduce_min3A_177 = arith.constant dense<0x7F800000> : vector<256xf32>
    %reduce_min3A_178 = vector.multi_reduction <minimumf>, %select_n3A_176, %reduce_min3A_177 [1] : vector<256x2048xf32> to vector<256xf32>
    %broadcast_in_dim3A_179 = vector.shape_cast %reduce_min3A_178 : vector<256xf32> to vector<256x1xf32>
    %lt3A_180 = arith.constant 0x7F800000 : f32
    %lt3A_181 = vector.broadcast %lt3A_180 : f32 to vector<256x1xf32>
    %lt3A_182 = arith.cmpf olt, %broadcast_in_dim3A_171, %lt3A_181 : vector<256x1xf32>
    %select_n3A_183 = arith.select %lt3A_182, %broadcast_in_dim3A_179, %convert_element_type3A_68 : vector<256x1xi1>, vector<256x1xf32>
    %mul3A_184 = arith.constant 9.000000e+00 : f32
    %mul3A_185 = vector.broadcast %mul3A_184 : f32 to vector<256x1xf32>
    %mul3A_186 = arith.mulf %select_n3A_183, %mul3A_185 : vector<256x1xf32>
    %add3A_187 = vector.broadcast %mul3A_73 : f32 to vector<256x1xf32>
    %add3A_188 = arith.addf %add3A_187, %mul3A_186 : vector<256x1xf32>
    %add3A_189 = arith.constant 4.000000e+00 : f32
    %add3A_190 = vector.broadcast %add3A_189 : f32 to vector<256x1xf32>
    %add3A_191 = arith.addf %add3A_188, %add3A_190 : vector<256x1xf32>
    %eq3A_192 = arith.constant 4 : i32
    %eq3A_193 = vector.broadcast %eq3A_192 : i32 to vector<256x2048xi32>
    %eq3A_194 = arith.cmpi eq, %add3A_61, %eq3A_193 : vector<256x2048xi32>
    %jit3A_195 = arith.constant 0x7F800000 : f32
    %broadcast_in_dim3A_196 = vector.broadcast %jit3A_195 : f32 to vector<256x2048xf32>
    %select_n3A_197 = arith.select %eq3A_194, %select_n3A, %broadcast_in_dim3A_196 : vector<256x2048xi1>, vector<256x2048xf32>
    %reduce_min3A_198 = arith.constant dense<0x7F800000> : vector<256xf32>
    %reduce_min3A_199 = vector.multi_reduction <minimumf>, %select_n3A_197, %reduce_min3A_198 [1] : vector<256x2048xf32> to vector<256xf32>
    %broadcast_in_dim3A_200 = vector.shape_cast %reduce_min3A_199 : vector<256xf32> to vector<256x1xf32>
    %eq3A_201 = vector.broadcast %broadcast_in_dim3A_200 : vector<256x1xf32> to vector<256x2048xf32>
    %eq3A_202 = arith.cmpf oeq, %select_n3A_197, %eq3A_201 : vector<256x2048xf32>
    %jit3A_203 = arith.constant 2.048000e+03 : f32
    %broadcast_in_dim3A_204 = vector.broadcast %jit3A_203 : f32 to vector<256x2048xf32>
    %select_n3A_205 = arith.select %eq3A_202, %convert_element_type3A_62, %broadcast_in_dim3A_204 : vector<256x2048xi1>, vector<256x2048xf32>
    %reduce_min3A_206 = arith.constant dense<0x7F800000> : vector<256xf32>
    %reduce_min3A_207 = vector.multi_reduction <minimumf>, %select_n3A_205, %reduce_min3A_206 [1] : vector<256x2048xf32> to vector<256xf32>
    %broadcast_in_dim3A_208 = vector.shape_cast %reduce_min3A_207 : vector<256xf32> to vector<256x1xf32>
    %lt3A_209 = arith.constant 0x7F800000 : f32
    %lt3A_210 = vector.broadcast %lt3A_209 : f32 to vector<256x1xf32>
    %lt3A_211 = arith.cmpf olt, %broadcast_in_dim3A_200, %lt3A_210 : vector<256x1xf32>
    %select_n3A_212 = arith.select %lt3A_211, %broadcast_in_dim3A_208, %convert_element_type3A_68 : vector<256x1xi1>, vector<256x1xf32>
    %mul3A_213 = arith.constant 9.000000e+00 : f32
    %mul3A_214 = vector.broadcast %mul3A_213 : f32 to vector<256x1xf32>
    %mul3A_215 = arith.mulf %select_n3A_212, %mul3A_214 : vector<256x1xf32>
    %add3A_216 = vector.broadcast %mul3A_73 : f32 to vector<256x1xf32>
    %add3A_217 = arith.addf %add3A_216, %mul3A_215 : vector<256x1xf32>
    %add3A_218 = arith.constant 5.000000e+00 : f32
    %add3A_219 = vector.broadcast %add3A_218 : f32 to vector<256x1xf32>
    %add3A_220 = arith.addf %add3A_217, %add3A_219 : vector<256x1xf32>
    %eq3A_221 = arith.constant 5 : i32
    %eq3A_222 = vector.broadcast %eq3A_221 : i32 to vector<256x2048xi32>
    %eq3A_223 = arith.cmpi eq, %add3A_61, %eq3A_222 : vector<256x2048xi32>
    %jit3A_224 = arith.constant 0x7F800000 : f32
    %broadcast_in_dim3A_225 = vector.broadcast %jit3A_224 : f32 to vector<256x2048xf32>
    %select_n3A_226 = arith.select %eq3A_223, %select_n3A, %broadcast_in_dim3A_225 : vector<256x2048xi1>, vector<256x2048xf32>
    %reduce_min3A_227 = arith.constant dense<0x7F800000> : vector<256xf32>
    %reduce_min3A_228 = vector.multi_reduction <minimumf>, %select_n3A_226, %reduce_min3A_227 [1] : vector<256x2048xf32> to vector<256xf32>
    %broadcast_in_dim3A_229 = vector.shape_cast %reduce_min3A_228 : vector<256xf32> to vector<256x1xf32>
    %eq3A_230 = vector.broadcast %broadcast_in_dim3A_229 : vector<256x1xf32> to vector<256x2048xf32>
    %eq3A_231 = arith.cmpf oeq, %select_n3A_226, %eq3A_230 : vector<256x2048xf32>
    %jit3A_232 = arith.constant 2.048000e+03 : f32
    %broadcast_in_dim3A_233 = vector.broadcast %jit3A_232 : f32 to vector<256x2048xf32>
    %select_n3A_234 = arith.select %eq3A_231, %convert_element_type3A_62, %broadcast_in_dim3A_233 : vector<256x2048xi1>, vector<256x2048xf32>
    %reduce_min3A_235 = arith.constant dense<0x7F800000> : vector<256xf32>
    %reduce_min3A_236 = vector.multi_reduction <minimumf>, %select_n3A_234, %reduce_min3A_235 [1] : vector<256x2048xf32> to vector<256xf32>
    %broadcast_in_dim3A_237 = vector.shape_cast %reduce_min3A_236 : vector<256xf32> to vector<256x1xf32>
    %lt3A_238 = arith.constant 0x7F800000 : f32
    %lt3A_239 = vector.broadcast %lt3A_238 : f32 to vector<256x1xf32>
    %lt3A_240 = arith.cmpf olt, %broadcast_in_dim3A_229, %lt3A_239 : vector<256x1xf32>
    %select_n3A_241 = arith.select %lt3A_240, %broadcast_in_dim3A_237, %convert_element_type3A_68 : vector<256x1xi1>, vector<256x1xf32>
    %mul3A_242 = arith.constant 9.000000e+00 : f32
    %mul3A_243 = vector.broadcast %mul3A_242 : f32 to vector<256x1xf32>
    %mul3A_244 = arith.mulf %select_n3A_241, %mul3A_243 : vector<256x1xf32>
    %add3A_245 = vector.broadcast %mul3A_73 : f32 to vector<256x1xf32>
    %add3A_246 = arith.addf %add3A_245, %mul3A_244 : vector<256x1xf32>
    %add3A_247 = arith.constant 6.000000e+00 : f32
    %add3A_248 = vector.broadcast %add3A_247 : f32 to vector<256x1xf32>
    %add3A_249 = arith.addf %add3A_246, %add3A_248 : vector<256x1xf32>
    %eq3A_250 = arith.constant 6 : i32
    %eq3A_251 = vector.broadcast %eq3A_250 : i32 to vector<256x2048xi32>
    %eq3A_252 = arith.cmpi eq, %add3A_61, %eq3A_251 : vector<256x2048xi32>
    %jit3A_253 = arith.constant 0x7F800000 : f32
    %broadcast_in_dim3A_254 = vector.broadcast %jit3A_253 : f32 to vector<256x2048xf32>
    %select_n3A_255 = arith.select %eq3A_252, %select_n3A, %broadcast_in_dim3A_254 : vector<256x2048xi1>, vector<256x2048xf32>
    %reduce_min3A_256 = arith.constant dense<0x7F800000> : vector<256xf32>
    %reduce_min3A_257 = vector.multi_reduction <minimumf>, %select_n3A_255, %reduce_min3A_256 [1] : vector<256x2048xf32> to vector<256xf32>
    %broadcast_in_dim3A_258 = vector.shape_cast %reduce_min3A_257 : vector<256xf32> to vector<256x1xf32>
    %eq3A_259 = vector.broadcast %broadcast_in_dim3A_258 : vector<256x1xf32> to vector<256x2048xf32>
    %eq3A_260 = arith.cmpf oeq, %select_n3A_255, %eq3A_259 : vector<256x2048xf32>
    %jit3A_261 = arith.constant 2.048000e+03 : f32
    %broadcast_in_dim3A_262 = vector.broadcast %jit3A_261 : f32 to vector<256x2048xf32>
    %select_n3A_263 = arith.select %eq3A_260, %convert_element_type3A_62, %broadcast_in_dim3A_262 : vector<256x2048xi1>, vector<256x2048xf32>
    %reduce_min3A_264 = arith.constant dense<0x7F800000> : vector<256xf32>
    %reduce_min3A_265 = vector.multi_reduction <minimumf>, %select_n3A_263, %reduce_min3A_264 [1] : vector<256x2048xf32> to vector<256xf32>
    %broadcast_in_dim3A_266 = vector.shape_cast %reduce_min3A_265 : vector<256xf32> to vector<256x1xf32>
    %lt3A_267 = arith.constant 0x7F800000 : f32
    %lt3A_268 = vector.broadcast %lt3A_267 : f32 to vector<256x1xf32>
    %lt3A_269 = arith.cmpf olt, %broadcast_in_dim3A_258, %lt3A_268 : vector<256x1xf32>
    %select_n3A_270 = arith.select %lt3A_269, %broadcast_in_dim3A_266, %convert_element_type3A_68 : vector<256x1xi1>, vector<256x1xf32>
    %mul3A_271 = arith.constant 9.000000e+00 : f32
    %mul3A_272 = vector.broadcast %mul3A_271 : f32 to vector<256x1xf32>
    %mul3A_273 = arith.mulf %select_n3A_270, %mul3A_272 : vector<256x1xf32>
    %add3A_274 = vector.broadcast %mul3A_73 : f32 to vector<256x1xf32>
    %add3A_275 = arith.addf %add3A_274, %mul3A_273 : vector<256x1xf32>
    %add3A_276 = arith.constant 7.000000e+00 : f32
    %add3A_277 = vector.broadcast %add3A_276 : f32 to vector<256x1xf32>
    %add3A_278 = arith.addf %add3A_275, %add3A_277 : vector<256x1xf32>
    %eq3A_279 = arith.constant 7 : i32
    %eq3A_280 = vector.broadcast %eq3A_279 : i32 to vector<256x2048xi32>
    %eq3A_281 = arith.cmpi eq, %add3A_61, %eq3A_280 : vector<256x2048xi32>
    %jit3A_282 = arith.constant 0x7F800000 : f32
    %broadcast_in_dim3A_283 = vector.broadcast %jit3A_282 : f32 to vector<256x2048xf32>
    %select_n3A_284 = arith.select %eq3A_281, %select_n3A, %broadcast_in_dim3A_283 : vector<256x2048xi1>, vector<256x2048xf32>
    %reduce_min3A_285 = arith.constant dense<0x7F800000> : vector<256xf32>
    %reduce_min3A_286 = vector.multi_reduction <minimumf>, %select_n3A_284, %reduce_min3A_285 [1] : vector<256x2048xf32> to vector<256xf32>
    %broadcast_in_dim3A_287 = vector.shape_cast %reduce_min3A_286 : vector<256xf32> to vector<256x1xf32>
    %eq3A_288 = vector.broadcast %broadcast_in_dim3A_287 : vector<256x1xf32> to vector<256x2048xf32>
    %eq3A_289 = arith.cmpf oeq, %select_n3A_284, %eq3A_288 : vector<256x2048xf32>
    %jit3A_290 = arith.constant 2.048000e+03 : f32
    %broadcast_in_dim3A_291 = vector.broadcast %jit3A_290 : f32 to vector<256x2048xf32>
    %select_n3A_292 = arith.select %eq3A_289, %convert_element_type3A_62, %broadcast_in_dim3A_291 : vector<256x2048xi1>, vector<256x2048xf32>
    %reduce_min3A_293 = arith.constant dense<0x7F800000> : vector<256xf32>
    %reduce_min3A_294 = vector.multi_reduction <minimumf>, %select_n3A_292, %reduce_min3A_293 [1] : vector<256x2048xf32> to vector<256xf32>
    %broadcast_in_dim3A_295 = vector.shape_cast %reduce_min3A_294 : vector<256xf32> to vector<256x1xf32>
    %lt3A_296 = arith.constant 0x7F800000 : f32
    %lt3A_297 = vector.broadcast %lt3A_296 : f32 to vector<256x1xf32>
    %lt3A_298 = arith.cmpf olt, %broadcast_in_dim3A_287, %lt3A_297 : vector<256x1xf32>
    %select_n3A_299 = arith.select %lt3A_298, %broadcast_in_dim3A_295, %convert_element_type3A_68 : vector<256x1xi1>, vector<256x1xf32>
    %mul3A_300 = arith.constant 9.000000e+00 : f32
    %mul3A_301 = vector.broadcast %mul3A_300 : f32 to vector<256x1xf32>
    %mul3A_302 = arith.mulf %select_n3A_299, %mul3A_301 : vector<256x1xf32>
    %add3A_303 = vector.broadcast %mul3A_73 : f32 to vector<256x1xf32>
    %add3A_304 = arith.addf %add3A_303, %mul3A_302 : vector<256x1xf32>
    %add3A_305 = arith.constant 8.000000e+00 : f32
    %add3A_306 = vector.broadcast %add3A_305 : f32 to vector<256x1xf32>
    %add3A_307 = arith.addf %add3A_304, %add3A_306 : vector<256x1xf32>
    %concatenate3A = tpu.concatenate %add3A_78, %add3A_104, %add3A_133, %add3A_162, %add3A_191, %add3A_220, %add3A_249, %add3A_278, %add3A_307 in 1 : vector<256x1xf32>, vector<256x1xf32>, vector<256x1xf32>, vector<256x1xf32>, vector<256x1xf32>, vector<256x1xf32>, vector<256x1xf32>, vector<256x1xf32>, vector<256x1xf32> -> vector<256x9xf32>
    %convert_element_type3A_308 = arith.fptosi %concatenate3A : vector<256x9xf32> to vector<256x9xi32>
    %swap3A = arith.constant 0 : index
    %swap3A_309 = arith.constant 0 : index
    %swap3A_310 = arith.constant 0 : index
    %swap3A_311 = vector.load %arg4[%swap3A, %swap3A_309, %swap3A_310] : memref<1x256x9xi32, #tpu.memory_space<vmem>>, vector<1x256x9xi32>
    %swap3A_312 = vector.shape_cast %swap3A_311 : vector<1x256x9xi32> to vector<256x9xi32>
    %swap3A_313 = vector.shape_cast %convert_element_type3A_308 : vector<256x9xi32> to vector<1x256x9xi32>
    tpu.vector_store %arg4[%swap3A, %swap3A_309, %swap3A_310], %swap3A_313 {strides = array<i32>} : memref<1x256x9xi32, #tpu.memory_space<vmem>>, vector<1x256x9xi32>,
    return
  }
  func.func @transform_0(%arg0: i32, %arg1: i32) -> (i32, i32, i32) {
    %c0_i32 = arith.constant 0 : i32
    %c0_i32_0 = arith.constant 0 : i32
    %c0_i32_1 = arith.constant 0 : i32
    return %arg0, %c0_i32, %c0_i32_0 : i32, i32, i32
  }
  func.func @transform_1(%arg0: i32, %arg1: i32) -> (i32, i32, i32) {
    %c0_i32 = arith.constant 0 : i32
    %c0_i32_0 = arith.constant 0 : i32
    return %arg0, %arg1, %c0_i32 : i32, i32, i32
  }
  func.func @transform_2(%arg0: i32, %arg1: i32) -> (i32, i32, i32) {
    %c0_i32 = arith.constant 0 : i32
    %c0_i32_0 = arith.constant 0 : i32
    return %arg0, %arg1, %c0_i32 : i32, i32, i32
  }
}

</mosaic_0001>

<sc_bundles>
// kernel: kernel.10.cloned.1.call-start
scs
__scs_entry_jumppad:
0x0: {  	(pc) =	sbr.rel $0x88, $3  }
0x1: {  	(tag) =	ssettag $0x0;
	lr =	simm.s32 $0x1  }
0x2: {  	[smem:$0x3F9D] =	sst lr;
	_ =	strace $0xD0000000  }
0x3: {  	_ = 	snop  }
0x4: {  	_ = 	snop  }
0x5: {  	_ = 	snop  }
0x6: {  	_ = 	snop  }
0x7: {  	_ = 	snop  }
__scs_overlays_trampoline_lowered:
0x8: {  	[smem:$0x3FAC] =	sst s0  }
0x9: {  	[smem:$0x3FAD] =	sst s1  }
0xa: {  	[smem:$0x3FAE] =	sst s2  }
0xb: {  	[smem:$0x3FAF] =	sst s3  }
0xc: {  	[smem:$0x3FB0] =	sst s4  }
0xd: {  	[smem:$0x3FB1] =	sst s5  }
0xe: {  	[smem:$0x3FB2] =	sst s6  }
0xf: {  	[smem:$0x3FB3] =	sst s7  }
0x10: {  	[smem:$0x3FB4] =	sst s8  }
0x11: {  	[smem:$0x3FB5] =	sst s9;
	s0 =	simm.s32 @!p0 $0x0  }
0x12: {  	s1 =	sld [smem:$0x3F9B];
	s0 =	simm.s32 @p0 $0x1  }
0x13: {  	[smem:$0x3FB6] =	sst s0;
	s0 =	simm.s32 @!p1 $0x0  }
0x14: {  	s2 =	sld [smem:$0x3F9A];
	s0 =	simm.s32 @p1 $0x1  }
0x15: {  	[smem:$0x3FB7] =	sst s0;
	s0 =	simm.s32 @!p2 $0x0  }
0x16: {  	s3 =	sld [smem:$0x3FDB];
	s0 =	simm.s32 @p2 $0x1  }
0x17: {  	s4 =	simm.s32 $0x1BF5;
	[smem:$0x3FB9] =	sst s0  }
0x18: {  	s0 =	sld [smem:$0x3F9C];
	_ =	swait.ge [sflag:s4], $0x0  }
0x19: {  	s7 =	sld [smem:$0x3F9D]  }
0x1a: {  	s8 =	sadd.s32 $0xFFFFE003, lr  }
0x1b: {  	s9 =	sadd.s32 $0xFFFFFEF7, lr;
	s5 =	simm.s32 $0xFFFFFFFF;
	p2 =	slt.u32 s8, $0xFFFFF086  }
0x1c: {  	p1 =	slt.u32 s9, $0xF7A;
	s5 =	simm.s32 @!p2 $0x0  }
0x1d: {  	s5 =	simm.s32 @p1 $0x1;
	p0 =	seq.s32 s7, s2  }
0x1e: {  	s7 =	smul.u32 @!p0 $0xF7A, s2;
	p2 =	seq.s32 @!p0 s5, $0x0  }
0x1f: {  	s9 =	smul.u32 $0xF7A, s1;
	s8 =	simm.s32 @!p0 $0x1BF5;
	p2 =	por !p2, p0  }
0x20: {  	[sflag:s8] =	ssyncset.s32 @!p0 $0xFFFFF086;
	s6 =	sadd.s32 @!p0 s3, s7;
	s7 =	simm.s32 @!p0 $0x108  }
0x21: {  	s3 =	sadd.s32 s3, s9;
	s6 =	sadd.s32 @!p0 $0x88, s6;
	s7 =	simm.s32 @p2 $0x1082  }
0x22: {  	[simem:s7], [sflag:s8] =	dma.local @!p0 [hbm:s6], $0xF7A  }
0x23: {  	s9 =	sor.u32 $0xD0000000, s2;
	s6 =	simm.s32 $0x108;
	_ =	swait.ge @!p0 [sflag:s8], $0x0  }
0x24: {  	s3 =	sadd.s32 $0x88, s3;
	s6 =	simm.s32 @!p1 $0x1082;
	[sflag:s4] =	ssyncset.s32 $0xFFFFF086  }
0x25: {  	[simem:s6], [sflag:s4] =	dma.local [hbm:s3], $0xF7A  }
0x26: {  	[smem:$0x3F9D] =	sst s1;
	(tag) =	ssettag s2;
	_ =	strace s9  }
0x27: {  	s1 =	sld [smem:$0x3FAD]  }
0x28: {  	s2 =	sld [smem:$0x3FAE]  }
0x29: {  	s4 =	sld [smem:$0x3FB0]  }
0x2a: {  	p0 =	seq.s32 s5, $0x0;
	s5 =	sld [smem:$0x3FB1]  }
0x2b: {  	s6 =	sld [smem:$0x3FB2]  }
0x2c: {  	s7 =	sld [smem:$0x3FB3]  }
0x2d: {  	s3 =	simm.s32 $0x108;
	s8 =	sld [smem:$0x3FB4]  }
0x2e: {  	s3 =	simm.s32 @!p0 $0x1082;
	s9 =	sld [smem:$0x3FB5]  }
0x2f: {  	lr =	sadd.s32 s0, s3;
	s0 =	sld [smem:$0x3FAC]  }
0x30: {  	s3 =	sld [smem:$0x3FAF]  }
0x31: {  	[smem:$0x3FB8] =	sst s10  }
0x32: {  	s10 =	sld [smem:$0x3FB6];
	_ =	sdelay $0x3  }
0x33: {  	p0 =	seq.s32 s10, $0x1;
	s10 =	sld [smem:$0x3FB8];
	_ =	sdelay $0x3  }
0x34: {  	[smem:$0x3FB8] =	sst s10  }
0x35: {  	s10 =	sld [smem:$0x3FB7];
	_ =	sdelay $0x3  }
0x36: {  	p1 =	seq.s32 s10, $0x1;
	s10 =	sld [smem:$0x3FB8];
	_ =	sdelay $0x3  }
0x37: {  	[smem:$0x3FB8] =	sst s10  }
0x38: {  	s10 =	sld [smem:$0x3FB9]  }
0x39: {  	_ = 	snop;
	(pc) =	sbr.ind lr, $3  }
0x3a: {  	_ = 	snop  }
0x3b: {  	_ = 	snop  }
0x3c: {  	p2 =	seq.s32 s10, $0x1;
	s10 =	sld [smem:$0x3FB8]  }
0x3d: {  	_ =	shalt  }
0x3e: {  	_ =	shalt  }
0x3f: {  	_ =	shalt  }
0x40: {  	_ =	shalt  }
0x41: {  	_ =	shalt  }
0x42: {  	_ =	shalt  }
0x43: {  	_ =	shalt  }
0x44: {  	_ =	shalt  }
0x45: {  	_ =	shalt  }
0x46: {  	_ =	shalt  }
0x47: {  	_ =	shalt  }
0x48: {  	_ =	shalt  }
0x49: {  	_ =	shalt  }
0x4a: {  	_ =	shalt  }
0x4b: {  	_ =	shalt  }
0x4c: {  	_ =	shalt  }
0x4d: {  	_ =	shalt  }
0x4e: {  	_ =	shalt  }
0x4f: {  	_ =	shalt  }
0x50: {  	_ =	shalt  }
0x51: {  	_ =	shalt  }
0x52: {  	_ =	shalt  }
0x53: {  	_ =	shalt  }
0x54: {  	_ =	shalt  }
0x55: {  	_ =	shalt  }
0x56: {  	_ =	shalt  }
0x57: {  	_ =	shalt  }
0x58: {  	_ =	shalt  }
0x59: {  	_ =	shalt  }
0x5a: {  	_ =	shalt  }
0x5b: {  	_ =	shalt  }
0x5c: {  	_ =	shalt  }
0x5d: {  	_ =	shalt  }
0x5e: {  	_ =	shalt  }
0x5f: {  	_ =	shalt  }
0x60: {  	_ =	shalt  }
0x61: {  	_ =	shalt  }
0x62: {  	_ =	shalt  }
0x63: {  	_ =	shalt  }
0x64: {  	_ =	shalt  }
0x65: {  	_ =	shalt  }
0x66: {  	_ =	shalt  }
0x67: {  	_ =	shalt  }
0x68: {  	_ =	shalt  }
0x69: {  	_ =	shalt  }
0x6a: {  	_ =	shalt  }
0x6b: {  	_ =	shalt  }
0x6c: {  	_ =	shalt  }
0x6d: {  	_ =	shalt  }
0x6e: {  	_ =	shalt  }
0x6f: {  	_ =	shalt  }
0x70: {  	_ =	shalt  }
0x71: {  	_ =	shalt  }
0x72: {  	_ =	shalt  }
0x73: {  	_ =	shalt  }
0x74: {  	_ =	shalt  }
0x75: {  	_ =	shalt  }
0x76: {  	_ =	shalt  }
0x77: {  	_ =	shalt  }
0x78: {  	_ =	shalt  }
0x79: {  	_ =	shalt  }
0x7a: {  	_ =	shalt  }
0x7b: {  	_ =	shalt  }
0x7c: {  	_ =	shalt  }
0x7d: {  	_ =	shalt  }
0x7e: {  	_ =	shalt  }
0x7f: {  	_ =	shalt  }
0x80: {  	_ =	shalt  }
0x81: {  	_ =	shalt  }
0x82: {  	_ =	shalt  }
0x83: {  	_ =	shalt  }
0x84: {  	_ =	shalt  }
0x85: {  	_ =	shalt  }
0x86: {  	_ =	shalt  }
0x87: {  	_ =	shalt  }
.Lfunc_end0:
.L_simem_size_0:
called_computation.1_lowered:
.L_overlay_start_0:
0x88: {  	s2 =	sld [smem:$0x3FD9]  }
0x89: {  	s3 =	sld [smem:$0x3FFE];
	_ =	sdelay $0x1  }
0x8a: {  	s1 =	srdreg.scid  }
0x8b: {  	s0 =	sand.u32 $0x1, s1  }
0x8c: {  	s16 =	sshll.u32 s0, $0xA;
	s2 =	sadd.s32 s3, s2  }
0x8d: {  	s2 =	sadd.s32 s2, s16  }
0x8e: {  	[smem:$0x3FC4] =	sst s2  }
0x8f: {  	_ = 	snop  }
0x90: {  	(tm) =	ssettm $0x1  }
0x91: {  	s17 =	sld [smem:$0x3FFB];
	_ =	sdelay $0x3  }
0x92: {  	_ =	strace s17  }
0x93: {  	s2 =	sld [smem:$0x3FFC];
	_ =	sdelay $0x3  }
0x94: {  	_ =	strace s2  }
0x95: {  	s2 =	sld [smem:$0x3FFD];
	_ =	sdelay $0x3  }
0x96: {  	_ =	strace s2  }
0x97: {  	_ =	strace $0x8FFFFFFF  }
0x98: {  	s18 =	sld [smem:$0x3FDB];
	_ =	sdelay $0x1  }
0x99: {  	s19 =	simm.s32 $_scs_section_size  }
0x9a: {  	s4 =	simm.s32 $_size__tile_overlayer_lowered;
	s5 =	simm.s32 $_tile_overlayer_lowered  }
0x9b: {  	s22 =	simm.s32 $0x1BFF;
	s21 =	sshll.u32 s5, $0x1;
	s2 =	sadd.s32 s19, s18  }
0x9c: {  	s6 =	simm.s32 $0x0;
	s20 =	sshll.u32 s4, $0x1;
	s4 =	sadd.s32 s21, s2  }
0x9d: {  	[timem:s6], [sflag:s22] =	dma.local [hbm:s4], s20  }
0x9e: {  	_ =	swait.ge [sflag:s22], s20  }
0x9f: {  	s3 =	ssub.s32 $0x0, s20;
	[sflag:s22] =	ssyncset.done $0x0  }
0xa0: {  	[sflag:s22] =	ssyncadd.s32 s3;
	_ =	sdelay $0x1  }
0xa1: {  	s23 =	simm.s32 $0x1B8B  }
0xa2: {  	_ =	swait.ge [sflag:s23], $0x1  }
0xa3: {  	[sflag:s23] =	ssyncset.done $0x0  }
0xa4: {  	s25 =	simm.s32 $0x1B8E;
	s24 =	sld [smem:$0x3FFE];
	[sflag:s23] =	ssyncadd.s32 $0xFFFFFFFF  }
0xa5: {  	s26 =	simm.s32 $execute0_lowered;
	[smem:$0x3FD2] =	sst s25  }
0xa6: {  	s4 =	sshll.u32 s26, $0x1;
	_ =	strace $0x80000046;
	[dreg:$0x1] =	wrdreg $0xFFFFFFFF  }
0xa7: {  	s28 =	simm.s32 $_size_execute0_lowered;
	s2 =	sadd.s32 s2, s4;
	[dreg:$0x0] =	wrdreg $0x0  }
0xa8: {  	s4 =	sshll.u32 s28, $0x1;
	[dreg:$0x2] =	wrdreg s2  }
0xa9: {  	[dreg:$0x3] =	wrdreg s4  }
0xaa: {  	[dreg:$0x4] =	wrdreg $0xC0  }
0xab: {  	_ =	task [dreg:s6], $0x5FFFF  }
0xac: {  	[dreg:$0x1] =	wrdreg $0xFFFFFFFF  }
0xad: {  	[dreg:$0x0] =	wrdreg $0x60  }
0xae: {  	[dreg:$0x2] =	wrdreg s24  }
0xaf: {  	[dreg:$0x3] =	wrdreg $0xA  }
0xb0: {  	_ =	task.clear_ibuf [dreg:s6], $0x4FFFF;
	_ =	strace $0x90000046  }
0xb1: {  	s29 =	simm.s32 $0xA;
	_ =	strace $0x80000048  }
0xb2: {  	_ =	swait.ge [sflag:s29], $0x1  }
0xb3: {  	[sflag:s29] =	ssyncadd.s32 $0xFFFFFFFF  }
0xb4: {  	_ =	strace $0x90000048  }
0xb5: {  	_ =	sfence  }
0xb6: {  	s30 =	sld [smem:$0x0];
	_ =	sdelay $0x2  }
0xb7: {  	s31 =	sshll.u32 s1, $0xD;
	s1 =	sshrl.u32 s1, $0x2  }
0xb8: {  	s3 =	sand.u32 $0x4000, s31;
	s1 =	sadd.s32 s1, s30  }
0xb9: {  	s0 =	sor.u32 s3, s0;
	s1 =	sshll.u32 s1, $0x11  }
0xba: {  	s0 =	sor.u32 s1, s0  }
0xbb: {  	s0 =	sadd.s32 $0x8F2B, s0  }
0xbc: {  	[sflag:s0] =	ssyncadd.remote.s32 $0x1  }
0xbd: {  	_ =	sfence.sel $0xFFFF  }
0xbe: {  	[dreg:$0x0] =	wrdreg $0xFFFFFFFF;
	(pc) =	sbr.abs _section_cstart, $3  }
0xbf: {  	[dreg:$0x1] =	wrdreg $0xFFFFFFFF  }
0xc0: {  	_ =	task.clear_ibuf [dreg:s6], $0x2FFFF;
	_ =	strace $0x9FFFFFFF  }
0xc1: {  	(tm) =	ssettm $0x7FFFFFFF  }
tec
execute0_lowered:
.L_overlay_start_1:
0x0: {  	(tag) =	ssettag $0x1  }
0x1: {  	s1 =	srdreg.scid  }
0x2: {  	s0 =	stileid.u32;
	s4 =	rddreg [dreg:$0x0]  }
0x3: {  	s9 =	simm.s32 $0x60;
	s10 =	simm.s32 $0x480;
	s11 =	simm.s32 $0x1C80  }
0x4: {  	s12 =	simm.s32 $0xC0;
	s13 =	simm.s32 $0x3480;
	s14 =	simm.s32 $0x120  }
0x5: {  	s15 =	simm.s32 $0x4C80;
	s16 =	simm.s32 $0x180;
	s17 =	simm.s32 $0x6480  }
0x6: {  	s18 =	simm.s32 $0x1E0;
	s19 =	simm.s32 $0x7C80;
	s20 =	simm.s32 $0x1  }
0x7: {  	s21 =	simm.s32 $0x9480;
	s22 =	simm.s32 $0x240;
	s23 =	simm.s32 $0x2A0  }
0x8: {  	s24 =	simm.s32 $0x300;
	s25 =	simm.s32 $0x360;
	s26 =	simm.s32 $0x3C0  }
0x9: {  	s28 =	simm.s32 $0x420;
	s1 =	sand.u32 $0x1, s1;
	s2 =	sshll.u32 s0, $0x1  }
0xa: {  	s29 =	simm.s32 $0x0;
	s5 =	sor.u32 s1, s2;
	s2 =	simm.s32 $0x0  }
0xb: {  	s1 =	ssub.s32 $0x2, s1;
	s3 =	smul.u32 $0x90, s5;
	[smem:$0x7FF] =	sst s2  }
0xc: {  	s5 =	sshll.u32 s5, $0xA;
	s7 =	sshrl.u32 s1, $0x1;
	_ =	strace $0x80000047  }
0xd: {  	s8 =	sadd.s32 s5, s4;
	s1 =	ssub.s32 s1, s7;
	s6 =	sadd.s32 s3, s4  }
0xe: {  	s3 =	sadd.s32 $0xA2400, s4;
	s5 =	sadd.s32 $0x2400, s8;
	s7 =	smax.u32 s1, $0x1  }
0xf: {  	s4 =	sadd.s32 $0x1200, s6;
	s6 =	sadd.s32 $0x2600, s8;
	s8 =	simm.s32 $0x2  }
.LBB2_1:
0x10: {  	[tilespmem:s2], [sflag:$0x2] =	stream.linear.gather [hbm4b:s4+s2], $0x480, $0x38;
	[tilespmem:$0xA480] =	vst v63  }
0x11: {  	_ =	swait.ge [sflag:s8], $0x480  }
0x12: {  	[sflag:s8] =	ssyncset.done $0x0  }
0x13: {  	[sflag:s8] =	ssyncadd.s32 $0xFFFFFB80  }
0x14: {  	[tilespmem:s10], [sflag:$0x1] =	stream.indirect.gather [hbm4b:s3+s9], $0x40, s2, s9, $0xb8;
	[tilespmem:$0xA480] =	vst v63  }
0x15: {  	_ = 	snop  }
0x16: {  	[tilespmem:s11], [sflag:$0x1] =	stream.indirect.gather [hbm4b:s3+s9], $0x40, s9, s9, $0xb8;
	[tilespmem:$0xA480] =	vst v63  }
0x17: {  	_ = 	snop  }
0x18: {  	[tilespmem:s13], [sflag:$0x1] =	stream.indirect.gather [hbm4b:s3+s9], $0x40, s12, s9, $0xb8;
	[tilespmem:$0xA480] =	vst v63  }
0x19: {  	_ = 	snop  }
0x1a: {  	[tilespmem:s15], [sflag:$0x1] =	stream.indirect.gather [hbm4b:s3+s9], $0x40, s14, s9, $0xb8;
	[tilespmem:$0xA480] =	vst v63  }
0x1b: {  	_ = 	snop  }
0x1c: {  	[tilespmem:s17], [sflag:$0x1] =	stream.indirect.gather [hbm4b:s3+s9], $0x40, s16, s9, $0xb8;
	[tilespmem:$0xA480] =	vst v63  }
0x1d: {  	_ = 	snop  }
0x1e: {  	[tilespmem:s19], [sflag:$0x1] =	stream.indirect.gather [hbm4b:s3+s9], $0x40, s18, s9, $0xb8;
	[tilespmem:$0xA480] =	vst v63  }
0x1f: {  	_ =	swait.ge [sflag:s20], $0x1800  }
0x20: {  	[sflag:s20] =	ssyncset.done $0x0  }
0x21: {  	[sflag:s20] =	ssyncadd.s32 $0xFFFFE800  }
0x22: {  	_ =	swait.ge [sflag:s20], $0x1800  }
0x23: {  	[sflag:s20] =	ssyncset.done $0x0  }
0x24: {  	[sflag:s20] =	ssyncadd.s32 $0xFFFFE800  }
0x25: {  	_ =	swait.ge [sflag:s20], $0x1800  }
0x26: {  	[sflag:s20] =	ssyncset.done $0x0  }
0x27: {  	[sflag:s20] =	ssyncadd.s32 $0xFFFFE800  }
0x28: {  	_ =	swait.ge [sflag:s20], $0x1800  }
0x29: {  	[sflag:s20] =	ssyncset.done $0x0  }
0x2a: {  	[sflag:s20] =	ssyncadd.s32 $0xFFFFE800  }
0x2b: {  	_ =	swait.ge [sflag:s20], $0x1800  }
0x2c: {  	[sflag:s20] =	ssyncset.done $0x0  }
0x2d: {  	[sflag:s20] =	ssyncadd.s32 $0xFFFFE800  }
0x2e: {  	_ =	swait.ge [sflag:s20], $0x1800  }
0x2f: {  	[sflag:s20] =	ssyncset.done $0x0  }
0x30: {  	s30 =	simm.s32 $0x5A0;
	[sflag:s20] =	ssyncadd.s32 $0xFFFFE800  }
0x31: {  	v0 =	vld [tilespmem:s30+$0xFFFFFF20]  }
0x32: {  	v1 =	vld [tilespmem:s30+$0xFFFFFEE0];
	_ =	sdelay $0x1  }
0x33: {  	v2 =	vld [tilespmem:s30+$0xFFFFFF60];
	_ =	sdelay $0x1  }
0x34: {  	v3 =	vld [tilespmem:s30+$0xFFFFFFA0]  }
0x35: {  	v0 =	vadd.f32 v0, v1  }
0x36: {  	v1 =	vld [tilespmem:s30+$0xFFFFFFE0]  }
0x37: {  	v0 =	vadd.f32 v2, v0  }
0x38: {  	v2 =	vld [tilespmem:s30+$0x20]  }
0x39: {  	v0 =	vadd.f32 v3, v0  }
0x3a: {  	v3 =	vld [tilespmem:s30+$0x60]  }
0x3b: {  	v0 =	vadd.f32 v1, v0  }
0x3c: {  	v1 =	vld [tilespmem:s30+$0xA0]  }
0x3d: {  	v0 =	vadd.f32 v2, v0  }
0x3e: {  	v2 =	vld [tilespmem:s30+$0xE0]  }
0x3f: {  	v0 =	vadd.f32 v3, v0;
	_ =	sdelay $0x1  }
0x40: {  	v0 =	vadd.f32 v1, v0;
	_ =	sdelay $0x1  }
0x41: {  	v0 =	vadd.f32 v2, v0  }
0x42: {  	s31 =	simm.s32 $0x0  }
0x43: {  	[tilespmem:s31+$0x9480] =	vst v0  }
0x44: {  	v0 =	vld [tilespmem:s30+$0xFFFFFEF0]  }
0x45: {  	v1 =	vld [tilespmem:s30+$0xFFFFFF30];
	_ =	sdelay $0x1  }
0x46: {  	v2 =	vld [tilespmem:s30+$0xFFFFFF70];
	_ =	sdelay $0x1  }
0x47: {  	v3 =	vld [tilespmem:s30+$0xFFFFFFB0]  }
0x48: {  	v0 =	vadd.f32 v1, v0  }
0x49: {  	v1 =	vld [tilespmem:s30+$0xFFFFFFF0]  }
0x4a: {  	v0 =	vadd.f32 v2, v0  }
0x4b: {  	v2 =	vld [tilespmem:s30+$0x30]  }
0x4c: {  	v0 =	vadd.f32 v3, v0  }
0x4d: {  	v3 =	vld [tilespmem:s30+$0x70]  }
0x4e: {  	v0 =	vadd.f32 v1, v0  }
0x4f: {  	v1 =	vld [tilespmem:s30+$0xB0]  }
0x50: {  	v0 =	vadd.f32 v2, v0  }
0x51: {  	v2 =	vld [tilespmem:s30+$0xF0]  }
0x52: {  	v0 =	vadd.f32 v3, v0;
	_ =	sdelay $0x1  }
0x53: {  	v0 =	vadd.f32 v1, v0;
	_ =	sdelay $0x1  }
0x54: {  	v0 =	vadd.f32 v2, v0;
	_ =	sdelay $0x1  }
0x55: {  	[tilespmem:s31+$0x9490] =	vst v0  }
0x56: {  	v0 =	vld [tilespmem:s30+$0xFFFFFF00]  }
0x57: {  	v1 =	vld [tilespmem:s30+$0xFFFFFF40];
	_ =	sdelay $0x1  }
0x58: {  	v2 =	vld [tilespmem:s30+$0xFFFFFF80];
	_ =	sdelay $0x1  }
0x59: {  	v3 =	vld [tilespmem:s30+$0xFFFFFFC0]  }
0x5a: {  	v0 =	vadd.f32 v1, v0  }
0x5b: {  	v1 =	vld [tilespmem:s30+$0x0]  }
0x5c: {  	v0 =	vadd.f32 v2, v0  }
0x5d: {  	v2 =	vld [tilespmem:s30+$0x40]  }
0x5e: {  	v0 =	vadd.f32 v3, v0  }
0x5f: {  	v3 =	vld [tilespmem:s30+$0x80]  }
0x60: {  	v0 =	vadd.f32 v1, v0  }
0x61: {  	v1 =	vld [tilespmem:s30+$0xC0]  }
0x62: {  	v0 =	vadd.f32 v2, v0  }
0x63: {  	v2 =	vld [tilespmem:s30+$0x100]  }
0x64: {  	v0 =	vadd.f32 v3, v0;
	_ =	sdelay $0x1  }
0x65: {  	v0 =	vadd.f32 v1, v0;
	_ =	sdelay $0x1  }
0x66: {  	v0 =	vadd.f32 v2, v0;
	_ =	sdelay $0x1  }
0x67: {  	[tilespmem:s31+$0x94A0] =	vst v0  }
0x68: {  	v0 =	vld [tilespmem:s30+$0xFFFFFF10]  }
0x69: {  	v1 =	vld [tilespmem:s30+$0xFFFFFF50];
	_ =	sdelay $0x1  }
0x6a: {  	v2 =	vld [tilespmem:s30+$0xFFFFFF90];
	_ =	sdelay $0x1  }
0x6b: {  	v3 =	vld [tilespmem:s30+$0xFFFFFFD0]  }
0x6c: {  	v0 =	vadd.f32 v1, v0  }
0x6d: {  	v1 =	vld [tilespmem:s30+$0x10]  }
0x6e: {  	v0 =	vadd.f32 v2, v0  }
0x6f: {  	v2 =	vld [tilespmem:s30+$0x50]  }
0x70: {  	v0 =	vadd.f32 v3, v0  }
0x71: {  	v3 =	vld [tilespmem:s30+$0x90]  }
0x72: {  	v0 =	vadd.f32 v1, v0  }
0x73: {  	v1 =	vld [tilespmem:s30+$0xD0]  }
0x74: {  	v2 =	vadd.f32 v2, v0  }
0x75: {  	v0 =	vld [tilespmem:s30+$0x110]  }
0x76: {  	s1 =	simm.s32 $0x100;
	v2 =	vadd.f32 v3, v2  }
.LBB2_2:
0x77: {  	p0 =	sne.s32 s1, $0x3F00  }
0x78: {  	s30 =	sadd.s32 $0x240, s30;
	s0 =	smov.u32 s1;
	s1 =	sadd.s32 $0x100, s1;
	v1 =	vadd.f32 v1, v2  }
0x79: {  	_ = 	snop  }
0x7a: {  	v0 =	vadd.f32 v0, v1;
	_ =	sdelay $0x1  }
0x7b: {  	[tilespmem:s31+$0x94B0] =	vst v0  }
0x7c: {  	v0 =	vld [tilespmem:s30+$0xFFFFFF20]  }
0x7d: {  	v1 =	vld [tilespmem:s30+$0xFFFFFEE0];
	_ =	sdelay $0x1  }
0x7e: {  	v2 =	vld [tilespmem:s30+$0xFFFFFF60];
	_ =	sdelay $0x1  }
0x7f: {  	v3 =	vld [tilespmem:s30+$0xFFFFFFA0]  }
0x80: {  	v0 =	vadd.f32 v0, v1  }
0x81: {  	v1 =	vld [tilespmem:s30+$0xFFFFFFE0]  }
0x82: {  	v0 =	vadd.f32 v2, v0  }
0x83: {  	v2 =	vld [tilespmem:s30+$0x20]  }
0x84: {  	v0 =	vadd.f32 v3, v0  }
0x85: {  	v3 =	vld [tilespmem:s30+$0x60]  }
0x86: {  	v0 =	vadd.f32 v1, v0  }
0x87: {  	v1 =	vld [tilespmem:s30+$0xA0]  }
0x88: {  	v0 =	vadd.f32 v2, v0  }
0x89: {  	v2 =	vld [tilespmem:s30+$0xE0]  }
0x8a: {  	v0 =	vadd.f32 v3, v0;
	_ =	sdelay $0x1  }
0x8b: {  	v0 =	vadd.f32 v1, v0;
	_ =	sdelay $0x1  }
0x8c: {  	v0 =	vadd.f32 v2, v0  }
0x8d: {  	s31 =	sshra.s32 s0, $0x2  }
0x8e: {  	[tilespmem:s31+$0x9480] =	vst v0  }
0x8f: {  	v0 =	vld [tilespmem:s30+$0xFFFFFEF0]  }
0x90: {  	v1 =	vld [tilespmem:s30+$0xFFFFFF30];
	_ =	sdelay $0x1  }
0x91: {  	v2 =	vld [tilespmem:s30+$0xFFFFFF70];
	_ =	sdelay $0x1  }
0x92: {  	v3 =	vld [tilespmem:s30+$0xFFFFFFB0]  }
0x93: {  	v0 =	vadd.f32 v1, v0  }
0x94: {  	v1 =	vld [tilespmem:s30+$0xFFFFFFF0]  }
0x95: {  	v0 =	vadd.f32 v2, v0  }
0x96: {  	v2 =	vld [tilespmem:s30+$0x30]  }
0x97: {  	v0 =	vadd.f32 v3, v0  }
0x98: {  	v3 =	vld [tilespmem:s30+$0x70]  }
0x99: {  	v0 =	vadd.f32 v1, v0  }
0x9a: {  	v1 =	vld [tilespmem:s30+$0xB0]  }
0x9b: {  	v0 =	vadd.f32 v2, v0  }
0x9c: {  	v2 =	vld [tilespmem:s30+$0xF0]  }
0x9d: {  	v0 =	vadd.f32 v3, v0;
	_ =	sdelay $0x1  }
0x9e: {  	v0 =	vadd.f32 v1, v0;
	_ =	sdelay $0x1  }
0x9f: {  	v0 =	vadd.f32 v2, v0;
	_ =	sdelay $0x1  }
0xa0: {  	[tilespmem:s31+$0x9490] =	vst v0  }
0xa1: {  	v0 =	vld [tilespmem:s30+$0xFFFFFF00]  }
0xa2: {  	v1 =	vld [tilespmem:s30+$0xFFFFFF40];
	_ =	sdelay $0x1  }
0xa3: {  	v2 =	vld [tilespmem:s30+$0xFFFFFF80];
	_ =	sdelay $0x1  }
0xa4: {  	v3 =	vld [tilespmem:s30+$0xFFFFFFC0]  }
0xa5: {  	v0 =	vadd.f32 v1, v0  }
0xa6: {  	v1 =	vld [tilespmem:s30+$0x0]  }
0xa7: {  	v0 =	vadd.f32 v2, v0  }
0xa8: {  	v2 =	vld [tilespmem:s30+$0x40]  }
0xa9: {  	v0 =	vadd.f32 v3, v0  }
0xaa: {  	v3 =	vld [tilespmem:s30+$0x80]  }
0xab: {  	v0 =	vadd.f32 v1, v0  }
0xac: {  	v1 =	vld [tilespmem:s30+$0xC0]  }
0xad: {  	v0 =	vadd.f32 v2, v0  }
0xae: {  	v2 =	vld [tilespmem:s30+$0x100]  }
0xaf: {  	v0 =	vadd.f32 v3, v0;
	_ =	sdelay $0x1  }
0xb0: {  	v0 =	vadd.f32 v1, v0;
	_ =	sdelay $0x1  }
0xb1: {  	v0 =	vadd.f32 v2, v0;
	_ =	sdelay $0x1  }
0xb2: {  	[tilespmem:s31+$0x94A0] =	vst v0  }
0xb3: {  	v0 =	vld [tilespmem:s30+$0xFFFFFF10]  }
0xb4: {  	v1 =	vld [tilespmem:s30+$0xFFFFFF50]  }
0xb5: {  	v2 =	vld [tilespmem:s30+$0xFFFFFF90]  }
0xb6: {  	v3 =	vld [tilespmem:s30+$0xFFFFFFD0]  }
0xb7: {  	v4 =	vld [tilespmem:s30+$0x10]  }
0xb8: {  	v5 =	vld [tilespmem:s30+$0x50]  }
0xb9: {  	v0 =	vadd.f32 v1, v0;
	v6 =	vld [tilespmem:s30+$0x90]  }
0xba: {  	v1 =	vld [tilespmem:s30+$0xD0]  }
0xbb: {  	v2 =	vadd.f32 v2, v0;
	v0 =	vld [tilespmem:s30+$0x110];
	_ =	sdelay $0x1  }
0xbc: {  	v2 =	vadd.f32 v3, v2;
	_ =	sdelay $0x1  }
.Ltmp0:
0xbd: {  	v2 =	vadd.f32 v4, v2;
	(pc) =	sbr.rel @p0 .LBB2_2-.Ltmp0, $3  }
0xbe: {  	_ = 	snop  }
0xbf: {  	v2 =	vadd.f32 v5, v2;
	_ =	sdelay $0x1  }
0xc0: {  	v2 =	vadd.f32 v6, v2  }
0xc1: {  	_ = 	snop  }
0xc2: {  	v1 =	vadd.f32 v1, v2;
	_ =	sdelay $0x1  }
0xc3: {  	v0 =	vadd.f32 v0, v1;
	_ =	sdelay $0x1  }
0xc4: {  	s0 =	simm.s32 $0x0;
	[tilespmem:s31+$0x94B0] =	vst v0  }
0xc5: {  	[hbm4b:s5+s0] =	stream.linear.scatter [tilespmem:s21], [sflag:$0x2], $0x1000, $0x38;
	[tilespmem:$0xA480] =	vst v63  }
0xc6: {  	_ =	swait.ge [sflag:s8], $0x1000  }
0xc7: {  	[sflag:s8] =	ssyncset.done $0x0  }
0xc8: {  	[sflag:s8] =	ssyncadd.s32 $0xFFFFF000  }
0xc9: {  	[tilespmem:s10], [sflag:$0x1] =	stream.indirect.gather [hbm4b:s3+s9], $0x40, s22, s9, $0xb8;
	[tilespmem:$0xA480] =	vst v63  }
0xca: {  	_ = 	snop  }
0xcb: {  	[tilespmem:s11], [sflag:$0x1] =	stream.indirect.gather [hbm4b:s3+s9], $0x40, s23, s9, $0xb8;
	[tilespmem:$0xA480] =	vst v63  }
0xcc: {  	_ = 	snop  }
0xcd: {  	[tilespmem:s13], [sflag:$0x1] =	stream.indirect.gather [hbm4b:s3+s9], $0x40, s24, s9, $0xb8;
	[tilespmem:$0xA480] =	vst v63  }
0xce: {  	_ = 	snop  }
0xcf: {  	[tilespmem:s15], [sflag:$0x1] =	stream.indirect.gather [hbm4b:s3+s9], $0x40, s25, s9, $0xb8;
	[tilespmem:$0xA480] =	vst v63  }
0xd0: {  	_ = 	snop  }
0xd1: {  	[tilespmem:s17], [sflag:$0x1] =	stream.indirect.gather [hbm4b:s3+s9], $0x40, s26, s9, $0xb8;
	[tilespmem:$0xA480] =	vst v63  }
0xd2: {  	_ = 	snop  }
0xd3: {  	[tilespmem:s19], [sflag:$0x1] =	stream.indirect.gather [hbm4b:s3+s9], $0x40, s28, s9, $0xb8;
	[tilespmem:$0xA480] =	vst v63  }
0xd4: {  	_ =	swait.ge [sflag:s20], $0x1800  }
0xd5: {  	[sflag:s20] =	ssyncset.done $0x0  }
0xd6: {  	[sflag:s20] =	ssyncadd.s32 $0xFFFFE800  }
0xd7: {  	_ =	swait.ge [sflag:s20], $0x1800  }
0xd8: {  	[sflag:s20] =	ssyncset.done $0x0  }
0xd9: {  	[sflag:s20] =	ssyncadd.s32 $0xFFFFE800  }
0xda: {  	_ =	swait.ge [sflag:s20], $0x1800  }
0xdb: {  	[sflag:s20] =	ssyncset.done $0x0  }
0xdc: {  	[sflag:s20] =	ssyncadd.s32 $0xFFFFE800  }
0xdd: {  	_ =	swait.ge [sflag:s20], $0x1800  }
0xde: {  	[sflag:s20] =	ssyncset.done $0x0  }
0xdf: {  	[sflag:s20] =	ssyncadd.s32 $0xFFFFE800  }
0xe0: {  	_ =	swait.ge [sflag:s20], $0x1800  }
0xe1: {  	[sflag:s20] =	ssyncset.done $0x0  }
0xe2: {  	[sflag:s20] =	ssyncadd.s32 $0xFFFFE800  }
0xe3: {  	_ =	swait.ge [sflag:s20], $0x1800  }
0xe4: {  	[sflag:s20] =	ssyncset.done $0x0  }
0xe5: {  	s30 =	simm.s32 $0x5A0;
	[sflag:s20] =	ssyncadd.s32 $0xFFFFE800  }
0xe6: {  	v0 =	vld [tilespmem:s30+$0xFFFFFF20]  }
0xe7: {  	v1 =	vld [tilespmem:s30+$0xFFFFFEE0];
	_ =	sdelay $0x1  }
0xe8: {  	v2 =	vld [tilespmem:s30+$0xFFFFFF60];
	_ =	sdelay $0x1  }
0xe9: {  	v3 =	vld [tilespmem:s30+$0xFFFFFFA0]  }
0xea: {  	v0 =	vadd.f32 v0, v1  }
0xeb: {  	v1 =	vld [tilespmem:s30+$0xFFFFFFE0]  }
0xec: {  	v0 =	vadd.f32 v2, v0  }
0xed: {  	v2 =	vld [tilespmem:s30+$0x20]  }
0xee: {  	v0 =	vadd.f32 v3, v0  }
0xef: {  	v3 =	vld [tilespmem:s30+$0x60]  }
0xf0: {  	v0 =	vadd.f32 v1, v0  }
0xf1: {  	v1 =	vld [tilespmem:s30+$0xA0]  }
0xf2: {  	v0 =	vadd.f32 v2, v0  }
0xf3: {  	v2 =	vld [tilespmem:s30+$0xE0]  }
0xf4: {  	v0 =	vadd.f32 v3, v0;
	_ =	sdelay $0x1  }
0xf5: {  	v0 =	vadd.f32 v1, v0;
	_ =	sdelay $0x1  }
0xf6: {  	v0 =	vadd.f32 v2, v0  }
0xf7: {  	s31 =	simm.s32 $0x0  }
0xf8: {  	[tilespmem:s31+$0x9480] =	vst v0  }
0xf9: {  	v0 =	vld [tilespmem:s30+$0xFFFFFEF0]  }
0xfa: {  	v1 =	vld [tilespmem:s30+$0xFFFFFF30];
	_ =	sdelay $0x1  }
0xfb: {  	v2 =	vld [tilespmem:s30+$0xFFFFFF70];
	_ =	sdelay $0x1  }
0xfc: {  	v3 =	vld [tilespmem:s30+$0xFFFFFFB0]  }
0xfd: {  	v0 =	vadd.f32 v1, v0  }
0xfe: {  	v1 =	vld [tilespmem:s30+$0xFFFFFFF0]  }
0xff: {  	v0 =	vadd.f32 v2, v0  }
0x100: {  	v2 =	vld [tilespmem:s30+$0x30]  }
0x101: {  	v0 =	vadd.f32 v3, v0  }
0x102: {  	v3 =	vld [tilespmem:s30+$0x70]  }
0x103: {  	v0 =	vadd.f32 v1, v0  }
0x104: {  	v1 =	vld [tilespmem:s30+$0xB0]  }
0x105: {  	v0 =	vadd.f32 v2, v0  }
0x106: {  	v2 =	vld [tilespmem:s30+$0xF0]  }
0x107: {  	v0 =	vadd.f32 v3, v0;
	_ =	sdelay $0x1  }
0x108: {  	v0 =	vadd.f32 v1, v0;
	_ =	sdelay $0x1  }
0x109: {  	v0 =	vadd.f32 v2, v0;
	_ =	sdelay $0x1  }
0x10a: {  	[tilespmem:s31+$0x9490] =	vst v0  }
0x10b: {  	v0 =	vld [tilespmem:s30+$0xFFFFFF00]  }
0x10c: {  	v1 =	vld [tilespmem:s30+$0xFFFFFF40];
	_ =	sdelay $0x1  }
0x10d: {  	v2 =	vld [tilespmem:s30+$0xFFFFFF80];
	_ =	sdelay $0x1  }
0x10e: {  	v3 =	vld [tilespmem:s30+$0xFFFFFFC0]  }
0x10f: {  	v0 =	vadd.f32 v1, v0  }
0x110: {  	v1 =	vld [tilespmem:s30+$0x0]  }
0x111: {  	v0 =	vadd.f32 v2, v0  }
0x112: {  	v2 =	vld [tilespmem:s30+$0x40]  }
0x113: {  	v0 =	vadd.f32 v3, v0  }
0x114: {  	v3 =	vld [tilespmem:s30+$0x80]  }
0x115: {  	v0 =	vadd.f32 v1, v0  }
0x116: {  	v1 =	vld [tilespmem:s30+$0xC0]  }
0x117: {  	v0 =	vadd.f32 v2, v0  }
0x118: {  	v2 =	vld [tilespmem:s30+$0x100]  }
0x119: {  	v0 =	vadd.f32 v3, v0;
	_ =	sdelay $0x1  }
0x11a: {  	v0 =	vadd.f32 v1, v0;
	_ =	sdelay $0x1  }
0x11b: {  	v0 =	vadd.f32 v2, v0;
	_ =	sdelay $0x1  }
0x11c: {  	[tilespmem:s31+$0x94A0] =	vst v0  }
0x11d: {  	v0 =	vld [tilespmem:s30+$0xFFFFFF10]  }
0x11e: {  	v1 =	vld [tilespmem:s30+$0xFFFFFF50];
	_ =	sdelay $0x1  }
0x11f: {  	v2 =	vld [tilespmem:s30+$0xFFFFFF90];
	_ =	sdelay $0x1  }
0x120: {  	v3 =	vld [tilespmem:s30+$0xFFFFFFD0]  }
0x121: {  	v0 =	vadd.f32 v1, v0  }
0x122: {  	v1 =	vld [tilespmem:s30+$0x10]  }
0x123: {  	v0 =	vadd.f32 v2, v0  }
0x124: {  	v2 =	vld [tilespmem:s30+$0x50]  }
0x125: {  	v0 =	vadd.f32 v3, v0  }
0x126: {  	v3 =	vld [tilespmem:s30+$0x90]  }
0x127: {  	v0 =	vadd.f32 v1, v0  }
0x128: {  	v1 =	vld [tilespmem:s30+$0xD0]  }
0x129: {  	v2 =	vadd.f32 v2, v0  }
0x12a: {  	v0 =	vld [tilespmem:s30+$0x110]  }
0x12b: {  	s1 =	simm.s32 $0x100;
	v2 =	vadd.f32 v3, v2  }
.LBB2_4:
0x12c: {  	p0 =	sne.s32 s1, $0x3F00  }
0x12d: {  	s30 =	sadd.s32 $0x240, s30;
	s0 =	smov.u32 s1;
	s1 =	sadd.s32 $0x100, s1;
	v1 =	vadd.f32 v1, v2  }
0x12e: {  	_ = 	snop  }
0x12f: {  	v0 =	vadd.f32 v0, v1;
	_ =	sdelay $0x1  }
0x130: {  	[tilespmem:s31+$0x94B0] =	vst v0  }
0x131: {  	v0 =	vld [tilespmem:s30+$0xFFFFFF20]  }
0x132: {  	v1 =	vld [tilespmem:s30+$0xFFFFFEE0];
	_ =	sdelay $0x1  }
0x133: {  	v2 =	vld [tilespmem:s30+$0xFFFFFF60];
	_ =	sdelay $0x1  }
0x134: {  	v3 =	vld [tilespmem:s30+$0xFFFFFFA0]  }
0x135: {  	v0 =	vadd.f32 v0, v1  }
0x136: {  	v1 =	vld [tilespmem:s30+$0xFFFFFFE0]  }
0x137: {  	v0 =	vadd.f32 v2, v0  }
0x138: {  	v2 =	vld [tilespmem:s30+$0x20]  }
0x139: {  	v0 =	vadd.f32 v3, v0  }
0x13a: {  	v3 =	vld [tilespmem:s30+$0x60]  }
0x13b: {  	v0 =	vadd.f32 v1, v0  }
0x13c: {  	v1 =	vld [tilespmem:s30+$0xA0]  }
0x13d: {  	v0 =	vadd.f32 v2, v0  }
0x13e: {  	v2 =	vld [tilespmem:s30+$0xE0]  }
0x13f: {  	v0 =	vadd.f32 v3, v0;
	_ =	sdelay $0x1  }
0x140: {  	v0 =	vadd.f32 v1, v0;
	_ =	sdelay $0x1  }
0x141: {  	v0 =	vadd.f32 v2, v0  }
0x142: {  	s31 =	sshra.s32 s0, $0x2  }
0x143: {  	[tilespmem:s31+$0x9480] =	vst v0  }
0x144: {  	v0 =	vld [tilespmem:s30+$0xFFFFFEF0]  }
0x145: {  	v1 =	vld [tilespmem:s30+$0xFFFFFF30];
	_ =	sdelay $0x1  }
0x146: {  	v2 =	vld [tilespmem:s30+$0xFFFFFF70];
	_ =	sdelay $0x1  }
0x147: {  	v3 =	vld [tilespmem:s30+$0xFFFFFFB0]  }
0x148: {  	v0 =	vadd.f32 v1, v0  }
0x149: {  	v1 =	vld [tilespmem:s30+$0xFFFFFFF0]  }
0x14a: {  	v0 =	vadd.f32 v2, v0  }
0x14b: {  	v2 =	vld [tilespmem:s30+$0x30]  }
0x14c: {  	v0 =	vadd.f32 v3, v0  }
0x14d: {  	v3 =	vld [tilespmem:s30+$0x70]  }
0x14e: {  	v0 =	vadd.f32 v1, v0  }
0x14f: {  	v1 =	vld [tilespmem:s30+$0xB0]  }
0x150: {  	v0 =	vadd.f32 v2, v0  }
0x151: {  	v2 =	vld [tilespmem:s30+$0xF0]  }
0x152: {  	v0 =	vadd.f32 v3, v0;
	_ =	sdelay $0x1  }
0x153: {  	v0 =	vadd.f32 v1, v0;
	_ =	sdelay $0x1  }
0x154: {  	v0 =	vadd.f32 v2, v0;
	_ =	sdelay $0x1  }
0x155: {  	[tilespmem:s31+$0x9490] =	vst v0  }
0x156: {  	v0 =	vld [tilespmem:s30+$0xFFFFFF00]  }
0x157: {  	v1 =	vld [tilespmem:s30+$0xFFFFFF40];
	_ =	sdelay $0x1  }
0x158: {  	v2 =	vld [tilespmem:s30+$0xFFFFFF80];
	_ =	sdelay $0x1  }
0x159: {  	v3 =	vld [tilespmem:s30+$0xFFFFFFC0]  }
0x15a: {  	v0 =	vadd.f32 v1, v0  }
0x15b: {  	v1 =	vld [tilespmem:s30+$0x0]  }
0x15c: {  	v0 =	vadd.f32 v2, v0  }
0x15d: {  	v2 =	vld [tilespmem:s30+$0x40]  }
0x15e: {  	v0 =	vadd.f32 v3, v0  }
0x15f: {  	v3 =	vld [tilespmem:s30+$0x80]  }
0x160: {  	v0 =	vadd.f32 v1, v0  }
0x161: {  	v1 =	vld [tilespmem:s30+$0xC0]  }
0x162: {  	v0 =	vadd.f32 v2, v0  }
0x163: {  	v2 =	vld [tilespmem:s30+$0x100]  }
0x164: {  	v0 =	vadd.f32 v3, v0;
	_ =	sdelay $0x1  }
0x165: {  	v0 =	vadd.f32 v1, v0;
	_ =	sdelay $0x1  }
0x166: {  	v0 =	vadd.f32 v2, v0;
	_ =	sdelay $0x1  }
0x167: {  	[tilespmem:s31+$0x94A0] =	vst v0  }
0x168: {  	v0 =	vld [tilespmem:s30+$0xFFFFFF10]  }
0x169: {  	v1 =	vld [tilespmem:s30+$0xFFFFFF50]  }
0x16a: {  	v2 =	vld [tilespmem:s30+$0xFFFFFF90]  }
0x16b: {  	v3 =	vld [tilespmem:s30+$0xFFFFFFD0]  }
0x16c: {  	v4 =	vld [tilespmem:s30+$0x10]  }
0x16d: {  	v5 =	vld [tilespmem:s30+$0x50]  }
0x16e: {  	v0 =	vadd.f32 v1, v0;
	v6 =	vld [tilespmem:s30+$0x90]  }
0x16f: {  	v1 =	vld [tilespmem:s30+$0xD0]  }
0x170: {  	v2 =	vadd.f32 v2, v0;
	v0 =	vld [tilespmem:s30+$0x110];
	_ =	sdelay $0x1  }
0x171: {  	v2 =	vadd.f32 v3, v2;
	_ =	sdelay $0x1  }
.Ltmp1:
0x172: {  	v2 =	vadd.f32 v4, v2;
	(pc) =	sbr.rel @p0 .LBB2_4-.Ltmp1, $3  }
0x173: {  	_ = 	snop  }
0x174: {  	v2 =	vadd.f32 v5, v2;
	_ =	sdelay $0x1  }
0x175: {  	v2 =	vadd.f32 v6, v2  }
0x176: {  	_ = 	snop  }
0x177: {  	v1 =	vadd.f32 v1, v2;
	_ =	sdelay $0x1  }
0x178: {  	s29 =	sadd.s32 $0x1, s29;
	v0 =	vadd.f32 v0, v1  }
0x179: {  	p0 =	sne.s32 s29, s7  }
.Ltmp2:
0x17a: {  	[tilespmem:s31+$0x94B0] =	vst v0;
	(pc) =	sbr.rel @p0 .LBB2_1-.Ltmp2, $4  }
0x17b: {  	[hbm4b:s6+s2] =	stream.linear.scatter [tilespmem:s21], [sflag:$0x2], $0x1000, $0x38;
	[tilespmem:$0xA480] =	vst v63  }
0x17c: {  	_ =	swait.ge [sflag:s8], $0x1000  }
0x17d: {  	[sflag:s8] =	ssyncset.done $0x0  }
0x17e: {  	[sflag:s8] =	ssyncadd.s32 $0xFFFFF000  }
0x17f: {  	_ =	sfence.sel $0x180000  }
0x180: {  	[bflag:$0x0] =	sbarrier.arrive $0xFFFF  }
0x181: {  	_ =	strace $0x90000047  }
0x182: {  	s0 =	stileid.u32;
	[bflag:$0x2] =	sbarrier.arrive $0xFFFF  }
0x183: {  	p0 =	sne.s32 s0, $0x0;
	s0 =	rddreg [dreg:$0x1]  }
0x184: {  	s0 =	sadd.s32 @!p0 $0x100000, s0  }
0x185: {  	[sflag:s0] =	ssyncadd.tile.s32 @!p0 $0x1;
	_ =	shalt  }
.Lfunc_end2:
_tile_overlayer_lowered:
.L_overlay_start_2:
0x186: {  	(tag) =	ssettag $0x2  }
0x187: {  	s0 =	rddreg [dreg:$0x0];
	s2 =	stileid.u32  }
0x188: {  	s1 =	rddreg [dreg:$0x1];
	p0 =	sne.s32 s2, $0x0  }
0x189: {  	s3 =	rddreg [dreg:$0x2];
	[bflag:$0x3] =	sbarrier.arrive $0xFFFF;
	s2 =	simm.s32 @!p0 $0x1C02  }
0x18a: {  	[timem:s3], [sflag:s2] =	dma.local @!p0 [hbm:s0], s1  }
0x18b: {  	s0 =	simm.s32 @!p0 $0x2  }
0x18c: {  	_ =	swait.ge @!p0 [sflag:s0], s1  }
0x18d: {  	s1 =	ssub.s32 @!p0 $0x0, s1;
	[sflag:s0] =	ssyncset.done @!p0 $0x0  }
0x18e: {  	[sflag:s0] =	ssyncadd.s32 @!p0 s1  }
0x18f: {  	[bflag:$0x3] =	sbarrier.arrive $0xFFFF  }
0x190: {  	_ =	shalt  }

// kernel: kernel.7.cloned.1.call-start
scs
__scs_entry_jumppad:
0x0: {  	(pc) =	sbr.rel $0x88, $3  }
0x1: {  	(tag) =	ssettag $0x0;
	lr =	simm.s32 $0x1  }
0x2: {  	[smem:$0x3F9D] =	sst lr;
	_ =	strace $0xD0000000  }
0x3: {  	_ = 	snop  }
0x4: {  	_ = 	snop  }
0x5: {  	_ = 	snop  }
0x6: {  	_ = 	snop  }
0x7: {  	_ = 	snop  }
__scs_overlays_trampoline_lowered:
0x8: {  	[smem:$0x3FAC] =	sst s0  }
0x9: {  	[smem:$0x3FAD] =	sst s1  }
0xa: {  	[smem:$0x3FAE] =	sst s2  }
0xb: {  	[smem:$0x3FAF] =	sst s3  }
0xc: {  	[smem:$0x3FB0] =	sst s4  }
0xd: {  	[smem:$0x3FB1] =	sst s5  }
0xe: {  	[smem:$0x3FB2] =	sst s6  }
0xf: {  	[smem:$0x3FB3] =	sst s7  }
0x10: {  	[smem:$0x3FB4] =	sst s8  }
0x11: {  	[smem:$0x3FB5] =	sst s9;
	s0 =	simm.s32 @!p0 $0x0  }
0x12: {  	s1 =	sld [smem:$0x3F9B];
	s0 =	simm.s32 @p0 $0x1  }
0x13: {  	[smem:$0x3FB6] =	sst s0;
	s0 =	simm.s32 @!p1 $0x0  }
0x14: {  	s2 =	sld [smem:$0x3F9A];
	s0 =	simm.s32 @p1 $0x1  }
0x15: {  	[smem:$0x3FB7] =	sst s0;
	s0 =	simm.s32 @!p2 $0x0  }
0x16: {  	s3 =	sld [smem:$0x3FDB];
	s0 =	simm.s32 @p2 $0x1  }
0x17: {  	s4 =	simm.s32 $0x1BF5;
	[smem:$0x3FB9] =	sst s0  }
0x18: {  	s0 =	sld [smem:$0x3F9C];
	_ =	swait.ge [sflag:s4], $0x0  }
0x19: {  	s7 =	sld [smem:$0x3F9D]  }
0x1a: {  	s8 =	sadd.s32 $0xFFFFE003, lr  }
0x1b: {  	s9 =	sadd.s32 $0xFFFFFEF7, lr;
	s5 =	simm.s32 $0xFFFFFFFF;
	p2 =	slt.u32 s8, $0xFFFFF086  }
0x1c: {  	p1 =	slt.u32 s9, $0xF7A;
	s5 =	simm.s32 @!p2 $0x0  }
0x1d: {  	s5 =	simm.s32 @p1 $0x1;
	p0 =	seq.s32 s7, s2  }
0x1e: {  	s7 =	smul.u32 @!p0 $0xF7A, s2;
	p2 =	seq.s32 @!p0 s5, $0x0  }
0x1f: {  	s9 =	smul.u32 $0xF7A, s1;
	s8 =	simm.s32 @!p0 $0x1BF5;
	p2 =	por !p2, p0  }
0x20: {  	[sflag:s8] =	ssyncset.s32 @!p0 $0xFFFFF086;
	s6 =	sadd.s32 @!p0 s3, s7;
	s7 =	simm.s32 @!p0 $0x108  }
0x21: {  	s3 =	sadd.s32 s3, s9;
	s6 =	sadd.s32 @!p0 $0x88, s6;
	s7 =	simm.s32 @p2 $0x1082  }
0x22: {  	[simem:s7], [sflag:s8] =	dma.local @!p0 [hbm:s6], $0xF7A  }
0x23: {  	s9 =	sor.u32 $0xD0000000, s2;
	s6 =	simm.s32 $0x108;
	_ =	swait.ge @!p0 [sflag:s8], $0x0  }
0x24: {  	s3 =	sadd.s32 $0x88, s3;
	s6 =	simm.s32 @!p1 $0x1082;
	[sflag:s4] =	ssyncset.s32 $0xFFFFF086  }
0x25: {  	[simem:s6], [sflag:s4] =	dma.local [hbm:s3], $0xF7A  }
0x26: {  	[smem:$0x3F9D] =	sst s1;
	(tag) =	ssettag s2;
	_ =	strace s9  }
0x27: {  	s1 =	sld [smem:$0x3FAD]  }
0x28: {  	s2 =	sld [smem:$0x3FAE]  }
0x29: {  	s4 =	sld [smem:$0x3FB0]  }
0x2a: {  	p0 =	seq.s32 s5, $0x0;
	s5 =	sld [smem:$0x3FB1]  }
0x2b: {  	s6 =	sld [smem:$0x3FB2]  }
0x2c: {  	s7 =	sld [smem:$0x3FB3]  }
0x2d: {  	s3 =	simm.s32 $0x108;
	s8 =	sld [smem:$0x3FB4]  }
0x2e: {  	s3 =	simm.s32 @!p0 $0x1082;
	s9 =	sld [smem:$0x3FB5]  }
0x2f: {  	lr =	sadd.s32 s0, s3;
	s0 =	sld [smem:$0x3FAC]  }
0x30: {  	s3 =	sld [smem:$0x3FAF]  }
0x31: {  	[smem:$0x3FB8] =	sst s10  }
0x32: {  	s10 =	sld [smem:$0x3FB6];
	_ =	sdelay $0x3  }
0x33: {  	p0 =	seq.s32 s10, $0x1;
	s10 =	sld [smem:$0x3FB8];
	_ =	sdelay $0x3  }
0x34: {  	[smem:$0x3FB8] =	sst s10  }
0x35: {  	s10 =	sld [smem:$0x3FB7];
	_ =	sdelay $0x3  }
0x36: {  	p1 =	seq.s32 s10, $0x1;
	s10 =	sld [smem:$0x3FB8];
	_ =	sdelay $0x3  }
0x37: {  	[smem:$0x3FB8] =	sst s10  }
0x38: {  	s10 =	sld [smem:$0x3FB9]  }
0x39: {  	_ = 	snop;
	(pc) =	sbr.ind lr, $3  }
0x3a: {  	_ = 	snop  }
0x3b: {  	_ = 	snop  }
0x3c: {  	p2 =	seq.s32 s10, $0x1;
	s10 =	sld [smem:$0x3FB8]  }
0x3d: {  	_ =	shalt  }
0x3e: {  	_ =	shalt  }
0x3f: {  	_ =	shalt  }
0x40: {  	_ =	shalt  }
0x41: {  	_ =	shalt  }
0x42: {  	_ =	shalt  }
0x43: {  	_ =	shalt  }
0x44: {  	_ =	shalt  }
0x45: {  	_ =	shalt  }
0x46: {  	_ =	shalt  }
0x47: {  	_ =	shalt  }
0x48: {  	_ =	shalt  }
0x49: {  	_ =	shalt  }
0x4a: {  	_ =	shalt  }
0x4b: {  	_ =	shalt  }
0x4c: {  	_ =	shalt  }
0x4d: {  	_ =	shalt  }
0x4e: {  	_ =	shalt  }
0x4f: {  	_ =	shalt  }
0x50: {  	_ =	shalt  }
0x51: {  	_ =	shalt  }
0x52: {  	_ =	shalt  }
0x53: {  	_ =	shalt  }
0x54: {  	_ =	shalt  }
0x55: {  	_ =	shalt  }
0x56: {  	_ =	shalt  }
0x57: {  	_ =	shalt  }
0x58: {  	_ =	shalt  }
0x59: {  	_ =	shalt  }
0x5a: {  	_ =	shalt  }
0x5b: {  	_ =	shalt  }
0x5c: {  	_ =	shalt  }
0x5d: {  	_ =	shalt  }
0x5e: {  	_ =	shalt  }
0x5f: {  	_ =	shalt  }
0x60: {  	_ =	shalt  }
0x61: {  	_ =	shalt  }
0x62: {  	_ =	shalt  }
0x63: {  	_ =	shalt  }
0x64: {  	_ =	shalt  }
0x65: {  	_ =	shalt  }
0x66: {  	_ =	shalt  }
0x67: {  	_ =	shalt  }
0x68: {  	_ =	shalt  }
0x69: {  	_ =	shalt  }
0x6a: {  	_ =	shalt  }
0x6b: {  	_ =	shalt  }
0x6c: {  	_ =	shalt  }
0x6d: {  	_ =	shalt  }
0x6e: {  	_ =	shalt  }
0x6f: {  	_ =	shalt  }
0x70: {  	_ =	shalt  }
0x71: {  	_ =	shalt  }
0x72: {  	_ =	shalt  }
0x73: {  	_ =	shalt  }
0x74: {  	_ =	shalt  }
0x75: {  	_ =	shalt  }
0x76: {  	_ =	shalt  }
0x77: {  	_ =	shalt  }
0x78: {  	_ =	shalt  }
0x79: {  	_ =	shalt  }
0x7a: {  	_ =	shalt  }
0x7b: {  	_ =	shalt  }
0x7c: {  	_ =	shalt  }
0x7d: {  	_ =	shalt  }
0x7e: {  	_ =	shalt  }
0x7f: {  	_ =	shalt  }
0x80: {  	_ =	shalt  }
0x81: {  	_ =	shalt  }
0x82: {  	_ =	shalt  }
0x83: {  	_ =	shalt  }
0x84: {  	_ =	shalt  }
0x85: {  	_ =	shalt  }
0x86: {  	_ =	shalt  }
0x87: {  	_ =	shalt  }
.Lfunc_end0:
.L_simem_size_0:
called_computation_lowered:
.L_overlay_start_0:
0x88: {  	s2 =	sld [smem:$0x3FD9]  }
0x89: {  	s3 =	sld [smem:$0x3FFE];
	_ =	sdelay $0x1  }
0x8a: {  	s1 =	srdreg.scid  }
0x8b: {  	s0 =	sand.u32 $0x1, s1  }
0x8c: {  	s17 =	sshll.u32 s0, $0xA;
	s2 =	sadd.s32 s3, s2  }
0x8d: {  	s2 =	sadd.s32 s2, s17  }
0x8e: {  	[smem:$0x3FC4] =	sst s2  }
0x8f: {  	_ = 	snop  }
0x90: {  	s18 =	sld [smem:$0x3FD0];
	(tm) =	ssettm $0x1  }
0x91: {  	s19 =	sld [smem:$0x3FFB];
	_ =	sdelay $0x3  }
0x92: {  	_ =	strace s19  }
0x93: {  	s2 =	sld [smem:$0x3FFC];
	_ =	sdelay $0x3  }
0x94: {  	_ =	strace s2  }
0x95: {  	s2 =	sld [smem:$0x3FFD];
	_ =	sdelay $0x3  }
0x96: {  	_ =	strace s2  }
0x97: {  	_ =	strace $0x8FFFFFFF  }
0x98: {  	s20 =	sld [smem:$0x3FDB];
	_ =	sdelay $0x1  }
0x99: {  	s4 =	simm.s32 $_scs_section_size  }
0x9a: {  	s5 =	simm.s32 $_size__tile_overlayer_lowered;
	s6 =	simm.s32 $_tile_overlayer_lowered  }
0x9b: {  	s7 =	simm.s32 $0x1BFF;
	s21 =	sshll.u32 s6, $0x1;
	s4 =	sadd.s32 s4, s20  }
0x9c: {  	s22 =	simm.s32 $0x0;
	s5 =	sshll.u32 s5, $0x1;
	s6 =	sadd.s32 s21, s4  }
0x9d: {  	[timem:s22], [sflag:s7] =	dma.local [hbm:s6], s5  }
0x9e: {  	_ =	swait.ge [sflag:s7], s5  }
0x9f: {  	s5 =	ssub.s32 $0x0, s5;
	[sflag:s7] =	ssyncset.done $0x0  }
0xa0: {  	[sflag:s7] =	ssyncadd.s32 s5;
	_ =	sdelay $0x1  }
0xa1: {  	s23 =	simm.s32 $0x1B8B  }
0xa2: {  	_ =	swait.ge [sflag:s23], $0x1  }
0xa3: {  	[sflag:s23] =	ssyncset.done $0x0  }
0xa4: {  	[sflag:s23] =	ssyncadd.s32 $0xFFFFFFFF  }
0xa5: {  	s5 =	sld [smem:$0x0]  }
0xa6: {  	s6 =	sand.u32 $0xFFFFFFFE, s1  }
0xa7: {  	p0 =	sne.s32 s1, s6  }
0xa8: {  	s6 =	sshll.u32 @p0 s6, $0xE  }
0xa9: {  	s6 =	sadd.s32 @p0 $0x11B8D, s6;
	s7 =	sshll.u32 @p0 s5, $0x11  }
0xaa: {  	s6 =	sor.u32 @p0 s7, s6  }
0xab: {  	[sflag:s6] =	ssyncadd.remote.s32 @p0 $0x1;
	_ =	sdelay $0x1  }
0xac: {  	s6 =	simm.s32 @p0 $0x1B8D  }
0xad: {  	_ =	swait.eq @p0 [sflag:s6], $0x1  }
0xae: {  	[sflag:s6] =	ssyncadd.s32 @p0 $0xFFFFFFFF  }
0xaf: {  	s7 =	sshll.u32 @!p0 s1, $0xE  }
0xb0: {  	s7 =	sor.u32 @!p0 $0x4000, s7;
	s6 =	simm.s32 @!p0 $0x1B8D  }
0xb1: {  	s5 =	sshll.u32 @!p0 s5, $0x11;
	s7 =	sadd.s32 @!p0 $0x11B8D, s7;
	_ =	swait.eq @!p0 [sflag:s6], $0x1  }
0xb2: {  	s5 =	sor.u32 @!p0 s5, s7;
	[sflag:s6] =	ssyncadd.s32 @!p0 $0xFFFFFFFF  }
0xb3: {  	s25 =	simm.s32 $0x1B8E;
	s24 =	sld [smem:$0x3FFE];
	[sflag:s5] =	ssyncadd.remote.s32 @!p0 $0x1  }
0xb4: {  	s26 =	simm.s32 $execute0_lowered;
	[smem:$0x3FD2] =	sst s25  }
0xb5: {  	s6 =	sshll.u32 s26, $0x1;
	_ =	strace $0x80000049;
	[dreg:$0x1] =	wrdreg $0xFFFFFFFF  }
0xb6: {  	s28 =	simm.s32 $_size_execute0_lowered;
	s4 =	sadd.s32 s4, s6;
	[dreg:$0x0] =	wrdreg $0x0  }
0xb7: {  	s6 =	sshll.u32 s28, $0x1;
	[dreg:$0x2] =	wrdreg s4  }
0xb8: {  	[dreg:$0x3] =	wrdreg s6  }
0xb9: {  	[dreg:$0x4] =	wrdreg $0xC0  }
0xba: {  	_ =	task [dreg:s22], $0x5FFFF  }
0xbb: {  	[dreg:$0x1] =	wrdreg $0xFFFFFFFF  }
0xbc: {  	[dreg:$0x0] =	wrdreg $0x60  }
0xbd: {  	[dreg:$0x2] =	wrdreg s24  }
0xbe: {  	[dreg:$0x3] =	wrdreg s18  }
0xbf: {  	[dreg:$0x4] =	wrdreg $0x9  }
0xc0: {  	_ =	task.clear_ibuf [dreg:s22], $0x5FFFF;
	_ =	strace $0x90000049  }
0xc1: {  	s29 =	simm.s32 $0x9;
	_ =	strace $0x8000004B  }
0xc2: {  	_ =	swait.ge [sflag:s29], $0x1  }
0xc3: {  	[sflag:s29] =	ssyncadd.s32 $0xFFFFFFFF  }
0xc4: {  	_ =	strace $0x9000004B  }
0xc5: {  	_ =	sfence  }
0xc6: {  	s30 =	sld [smem:$0x0];
	_ =	sdelay $0x2  }
0xc7: {  	s31 =	sshll.u32 s1, $0xD;
	s1 =	sshrl.u32 s1, $0x2  }
0xc8: {  	s4 =	sand.u32 $0x4000, s31;
	s1 =	sadd.s32 s1, s30  }
0xc9: {  	s0 =	sor.u32 s4, s0;
	s1 =	sshll.u32 s1, $0x11  }
0xca: {  	s0 =	sor.u32 s1, s0  }
0xcb: {  	s0 =	sadd.s32 $0x8F2B, s0  }
0xcc: {  	[sflag:s0] =	ssyncadd.remote.s32 $0x1  }
0xcd: {  	_ =	sfence.sel $0xFFFF  }
0xce: {  	[dreg:$0x0] =	wrdreg $0xFFFFFFFF;
	(pc) =	sbr.abs _section_cstart, $3  }
0xcf: {  	[dreg:$0x1] =	wrdreg $0xFFFFFFFF  }
0xd0: {  	_ =	task.clear_ibuf [dreg:s22], $0x2FFFF;
	_ =	strace $0x9FFFFFFF  }
0xd1: {  	(tm) =	ssettm $0x7FFFFFFF  }
tec
execute0_lowered:
.L_overlay_start_1:
0x0: {  	(tag) =	ssettag $0x1  }
0x1: {  	s1 =	rddreg [dreg:$0x0]  }
0x2: {  	s2 =	srdreg.scid;
	s0 =	stileid.u32  }
0x3: {  	s4 =	rddreg [dreg:$0x1];
	s9 =	simm.s32 $0x60;
	s10 =	simm.s32 $0x480  }
0x4: {  	s11 =	simm.s32 $0x1C80;
	s12 =	simm.s32 $0xC0;
	s13 =	simm.s32 $0x3480  }
0x5: {  	s14 =	simm.s32 $0x120;
	s15 =	simm.s32 $0x4C80;
	s16 =	simm.s32 $0x180  }
0x6: {  	s17 =	simm.s32 $0x6480;
	s18 =	simm.s32 $0x1E0;
	s19 =	simm.s32 $0x7C80  }
0x7: {  	s20 =	simm.s32 $0x1;
	s21 =	simm.s32 $0x9480;
	s22 =	simm.s32 $0x240  }
0x8: {  	s23 =	simm.s32 $0x2A0;
	s24 =	simm.s32 $0x300;
	s25 =	simm.s32 $0x360  }
0x9: {  	s26 =	simm.s32 $0x3C0;
	s28 =	simm.s32 $0x420;
	s29 =	simm.s32 $0x0  }
0xa: {  	s3 =	sand.u32 $0x1, s2;
	s5 =	sshll.u32 s0, $0x1;
	s2 =	simm.s32 $0x0  }
0xb: {  	s5 =	sor.u32 s3, s5;
	[smem:$0x7FF] =	sst s2;
	s7 =	ssub.s32 $0x2, s3  }
0xc: {  	s3 =	sadd.s32 $0xA2400, s1;
	s6 =	smul.u32 $0x90, s5;
	s8 =	sshrl.u32 s7, $0x1  }
0xd: {  	_ =	strace $0x8000004A;
	s5 =	sshll.u32 s5, $0xA;
	s31 =	ssub.s32 s7, s8  }
0xe: {  	s4 =	sadd.s32 s4, s5;
	s8 =	simm.s32 $0x2;
	s6 =	sadd.s32 s6, s1  }
0xf: {  	s7 =	smax.u32 s31, $0x1;
	s5 =	sadd.s32 $0xA400, s6;
	s6 =	sadd.s32 $0x200, s4  }
.LBB2_1:
0x10: {  	[tilespmem:s2], [sflag:$0x2] =	stream.linear.gather [hbm4b:s5+s2], $0x480, $0x38;
	[tilespmem:$0xA480] =	vst v63  }
0x11: {  	_ =	swait.ge [sflag:s8], $0x480  }
0x12: {  	[sflag:s8] =	ssyncset.done $0x0  }
0x13: {  	[sflag:s8] =	ssyncadd.s32 $0xFFFFFB80  }
0x14: {  	[tilespmem:s10], [sflag:$0x1] =	stream.indirect.gather [hbm4b:s3+s9], $0x40, s2, s9, $0xb8;
	[tilespmem:$0xA480] =	vst v63  }
0x15: {  	_ = 	snop  }
0x16: {  	[tilespmem:s11], [sflag:$0x1] =	stream.indirect.gather [hbm4b:s3+s9], $0x40, s9, s9, $0xb8;
	[tilespmem:$0xA480] =	vst v63  }
0x17: {  	_ = 	snop  }
0x18: {  	[tilespmem:s13], [sflag:$0x1] =	stream.indirect.gather [hbm4b:s3+s9], $0x40, s12, s9, $0xb8;
	[tilespmem:$0xA480] =	vst v63  }
0x19: {  	_ = 	snop  }
0x1a: {  	[tilespmem:s15], [sflag:$0x1] =	stream.indirect.gather [hbm4b:s3+s9], $0x40, s14, s9, $0xb8;
	[tilespmem:$0xA480] =	vst v63  }
0x1b: {  	_ = 	snop  }
0x1c: {  	[tilespmem:s17], [sflag:$0x1] =	stream.indirect.gather [hbm4b:s3+s9], $0x40, s16, s9, $0xb8;
	[tilespmem:$0xA480] =	vst v63  }
0x1d: {  	_ = 	snop  }
0x1e: {  	[tilespmem:s19], [sflag:$0x1] =	stream.indirect.gather [hbm4b:s3+s9], $0x40, s18, s9, $0xb8;
	[tilespmem:$0xA480] =	vst v63  }
0x1f: {  	_ =	swait.ge [sflag:s20], $0x1800  }
0x20: {  	[sflag:s20] =	ssyncset.done $0x0  }
0x21: {  	[sflag:s20] =	ssyncadd.s32 $0xFFFFE800  }
0x22: {  	_ =	swait.ge [sflag:s20], $0x1800  }
0x23: {  	[sflag:s20] =	ssyncset.done $0x0  }
0x24: {  	[sflag:s20] =	ssyncadd.s32 $0xFFFFE800  }
0x25: {  	_ =	swait.ge [sflag:s20], $0x1800  }
0x26: {  	[sflag:s20] =	ssyncset.done $0x0  }
0x27: {  	[sflag:s20] =	ssyncadd.s32 $0xFFFFE800  }
0x28: {  	_ =	swait.ge [sflag:s20], $0x1800  }
0x29: {  	[sflag:s20] =	ssyncset.done $0x0  }
0x2a: {  	[sflag:s20] =	ssyncadd.s32 $0xFFFFE800  }
0x2b: {  	_ =	swait.ge [sflag:s20], $0x1800  }
0x2c: {  	[sflag:s20] =	ssyncset.done $0x0  }
0x2d: {  	[sflag:s20] =	ssyncadd.s32 $0xFFFFE800  }
0x2e: {  	_ =	swait.ge [sflag:s20], $0x1800  }
0x2f: {  	[sflag:s20] =	ssyncset.done $0x0  }
0x30: {  	s30 =	simm.s32 $0x5A0;
	[sflag:s20] =	ssyncadd.s32 $0xFFFFE800  }
0x31: {  	v0 =	vld [tilespmem:s30+$0xFFFFFF20]  }
0x32: {  	v1 =	vld [tilespmem:s30+$0xFFFFFEE0];
	_ =	sdelay $0x1  }
0x33: {  	v2 =	vld [tilespmem:s30+$0xFFFFFF60];
	_ =	sdelay $0x1  }
0x34: {  	v3 =	vld [tilespmem:s30+$0xFFFFFFA0]  }
0x35: {  	v0 =	vadd.f32 v0, v1  }
0x36: {  	v1 =	vld [tilespmem:s30+$0xFFFFFFE0]  }
0x37: {  	v0 =	vadd.f32 v2, v0  }
0x38: {  	v2 =	vld [tilespmem:s30+$0x20]  }
0x39: {  	v0 =	vadd.f32 v3, v0  }
0x3a: {  	v3 =	vld [tilespmem:s30+$0x60]  }
0x3b: {  	v0 =	vadd.f32 v1, v0  }
0x3c: {  	v1 =	vld [tilespmem:s30+$0xA0]  }
0x3d: {  	v0 =	vadd.f32 v2, v0  }
0x3e: {  	v2 =	vld [tilespmem:s30+$0xE0]  }
0x3f: {  	v0 =	vadd.f32 v3, v0;
	_ =	sdelay $0x1  }
0x40: {  	v0 =	vadd.f32 v1, v0;
	_ =	sdelay $0x1  }
0x41: {  	v0 =	vadd.f32 v2, v0  }
0x42: {  	s31 =	simm.s32 $0x0  }
0x43: {  	[tilespmem:s31+$0x9480] =	vst v0  }
0x44: {  	v0 =	vld [tilespmem:s30+$0xFFFFFEF0]  }
0x45: {  	v1 =	vld [tilespmem:s30+$0xFFFFFF30];
	_ =	sdelay $0x1  }
0x46: {  	v2 =	vld [tilespmem:s30+$0xFFFFFF70];
	_ =	sdelay $0x1  }
0x47: {  	v3 =	vld [tilespmem:s30+$0xFFFFFFB0]  }
0x48: {  	v0 =	vadd.f32 v1, v0  }
0x49: {  	v1 =	vld [tilespmem:s30+$0xFFFFFFF0]  }
0x4a: {  	v0 =	vadd.f32 v2, v0  }
0x4b: {  	v2 =	vld [tilespmem:s30+$0x30]  }
0x4c: {  	v0 =	vadd.f32 v3, v0  }
0x4d: {  	v3 =	vld [tilespmem:s30+$0x70]  }
0x4e: {  	v0 =	vadd.f32 v1, v0  }
0x4f: {  	v1 =	vld [tilespmem:s30+$0xB0]  }
0x50: {  	v0 =	vadd.f32 v2, v0  }
0x51: {  	v2 =	vld [tilespmem:s30+$0xF0]  }
0x52: {  	v0 =	vadd.f32 v3, v0;
	_ =	sdelay $0x1  }
0x53: {  	v0 =	vadd.f32 v1, v0;
	_ =	sdelay $0x1  }
0x54: {  	v0 =	vadd.f32 v2, v0;
	_ =	sdelay $0x1  }
0x55: {  	[tilespmem:s31+$0x9490] =	vst v0  }
0x56: {  	v0 =	vld [tilespmem:s30+$0xFFFFFF00]  }
0x57: {  	v1 =	vld [tilespmem:s30+$0xFFFFFF40];
	_ =	sdelay $0x1  }
0x58: {  	v2 =	vld [tilespmem:s30+$0xFFFFFF80];
	_ =	sdelay $0x1  }
0x59: {  	v3 =	vld [tilespmem:s30+$0xFFFFFFC0]  }
0x5a: {  	v0 =	vadd.f32 v1, v0  }
0x5b: {  	v1 =	vld [tilespmem:s30+$0x0]  }
0x5c: {  	v0 =	vadd.f32 v2, v0  }
0x5d: {  	v2 =	vld [tilespmem:s30+$0x40]  }
0x5e: {  	v0 =	vadd.f32 v3, v0  }
0x5f: {  	v3 =	vld [tilespmem:s30+$0x80]  }
0x60: {  	v0 =	vadd.f32 v1, v0  }
0x61: {  	v1 =	vld [tilespmem:s30+$0xC0]  }
0x62: {  	v0 =	vadd.f32 v2, v0  }
0x63: {  	v2 =	vld [tilespmem:s30+$0x100]  }
0x64: {  	v0 =	vadd.f32 v3, v0;
	_ =	sdelay $0x1  }
0x65: {  	v0 =	vadd.f32 v1, v0;
	_ =	sdelay $0x1  }
0x66: {  	v0 =	vadd.f32 v2, v0;
	_ =	sdelay $0x1  }
0x67: {  	[tilespmem:s31+$0x94A0] =	vst v0  }
0x68: {  	v0 =	vld [tilespmem:s30+$0xFFFFFF10]  }
0x69: {  	v1 =	vld [tilespmem:s30+$0xFFFFFF50];
	_ =	sdelay $0x1  }
0x6a: {  	v2 =	vld [tilespmem:s30+$0xFFFFFF90];
	_ =	sdelay $0x1  }
0x6b: {  	v3 =	vld [tilespmem:s30+$0xFFFFFFD0]  }
0x6c: {  	v0 =	vadd.f32 v1, v0  }
0x6d: {  	v1 =	vld [tilespmem:s30+$0x10]  }
0x6e: {  	v0 =	vadd.f32 v2, v0  }
0x6f: {  	v2 =	vld [tilespmem:s30+$0x50]  }
0x70: {  	v0 =	vadd.f32 v3, v0  }
0x71: {  	v3 =	vld [tilespmem:s30+$0x90]  }
0x72: {  	v0 =	vadd.f32 v1, v0  }
0x73: {  	v1 =	vld [tilespmem:s30+$0xD0]  }
0x74: {  	v2 =	vadd.f32 v2, v0  }
0x75: {  	v0 =	vld [tilespmem:s30+$0x110]  }
0x76: {  	s1 =	simm.s32 $0x100;
	v2 =	vadd.f32 v3, v2  }
.LBB2_2:
0x77: {  	p0 =	sne.s32 s1, $0x3F00  }
0x78: {  	s30 =	sadd.s32 $0x240, s30;
	s0 =	smov.u32 s1;
	s1 =	sadd.s32 $0x100, s1;
	v1 =	vadd.f32 v1, v2  }
0x79: {  	_ = 	snop  }
0x7a: {  	v0 =	vadd.f32 v0, v1;
	_ =	sdelay $0x1  }
0x7b: {  	[tilespmem:s31+$0x94B0] =	vst v0  }
0x7c: {  	v0 =	vld [tilespmem:s30+$0xFFFFFF20]  }
0x7d: {  	v1 =	vld [tilespmem:s30+$0xFFFFFEE0];
	_ =	sdelay $0x1  }
0x7e: {  	v2 =	vld [tilespmem:s30+$0xFFFFFF60];
	_ =	sdelay $0x1  }
0x7f: {  	v3 =	vld [tilespmem:s30+$0xFFFFFFA0]  }
0x80: {  	v0 =	vadd.f32 v0, v1  }
0x81: {  	v1 =	vld [tilespmem:s30+$0xFFFFFFE0]  }
0x82: {  	v0 =	vadd.f32 v2, v0  }
0x83: {  	v2 =	vld [tilespmem:s30+$0x20]  }
0x84: {  	v0 =	vadd.f32 v3, v0  }
0x85: {  	v3 =	vld [tilespmem:s30+$0x60]  }
0x86: {  	v0 =	vadd.f32 v1, v0  }
0x87: {  	v1 =	vld [tilespmem:s30+$0xA0]  }
0x88: {  	v0 =	vadd.f32 v2, v0  }
0x89: {  	v2 =	vld [tilespmem:s30+$0xE0]  }
0x8a: {  	v0 =	vadd.f32 v3, v0;
	_ =	sdelay $0x1  }
0x8b: {  	v0 =	vadd.f32 v1, v0;
	_ =	sdelay $0x1  }
0x8c: {  	v0 =	vadd.f32 v2, v0  }
0x8d: {  	s31 =	sshra.s32 s0, $0x2  }
0x8e: {  	[tilespmem:s31+$0x9480] =	vst v0  }
0x8f: {  	v0 =	vld [tilespmem:s30+$0xFFFFFEF0]  }
0x90: {  	v1 =	vld [tilespmem:s30+$0xFFFFFF30];
	_ =	sdelay $0x1  }
0x91: {  	v2 =	vld [tilespmem:s30+$0xFFFFFF70];
	_ =	sdelay $0x1  }
0x92: {  	v3 =	vld [tilespmem:s30+$0xFFFFFFB0]  }
0x93: {  	v0 =	vadd.f32 v1, v0  }
0x94: {  	v1 =	vld [tilespmem:s30+$0xFFFFFFF0]  }
0x95: {  	v0 =	vadd.f32 v2, v0  }
0x96: {  	v2 =	vld [tilespmem:s30+$0x30]  }
0x97: {  	v0 =	vadd.f32 v3, v0  }
0x98: {  	v3 =	vld [tilespmem:s30+$0x70]  }
0x99: {  	v0 =	vadd.f32 v1, v0  }
0x9a: {  	v1 =	vld [tilespmem:s30+$0xB0]  }
0x9b: {  	v0 =	vadd.f32 v2, v0  }
0x9c: {  	v2 =	vld [tilespmem:s30+$0xF0]  }
0x9d: {  	v0 =	vadd.f32 v3, v0;
	_ =	sdelay $0x1  }
0x9e: {  	v0 =	vadd.f32 v1, v0;
	_ =	sdelay $0x1  }
0x9f: {  	v0 =	vadd.f32 v2, v0;
	_ =	sdelay $0x1  }
0xa0: {  	[tilespmem:s31+$0x9490] =	vst v0  }
0xa1: {  	v0 =	vld [tilespmem:s30+$0xFFFFFF00]  }
0xa2: {  	v1 =	vld [tilespmem:s30+$0xFFFFFF40];
	_ =	sdelay $0x1  }
0xa3: {  	v2 =	vld [tilespmem:s30+$0xFFFFFF80];
	_ =	sdelay $0x1  }
0xa4: {  	v3 =	vld [tilespmem:s30+$0xFFFFFFC0]  }
0xa5: {  	v0 =	vadd.f32 v1, v0  }
0xa6: {  	v1 =	vld [tilespmem:s30+$0x0]  }
0xa7: {  	v0 =	vadd.f32 v2, v0  }
0xa8: {  	v2 =	vld [tilespmem:s30+$0x40]  }
0xa9: {  	v0 =	vadd.f32 v3, v0  }
0xaa: {  	v3 =	vld [tilespmem:s30+$0x80]  }
0xab: {  	v0 =	vadd.f32 v1, v0  }
0xac: {  	v1 =	vld [tilespmem:s30+$0xC0]  }
0xad: {  	v0 =	vadd.f32 v2, v0  }
0xae: {  	v2 =	vld [tilespmem:s30+$0x100]  }
0xaf: {  	v0 =	vadd.f32 v3, v0;
	_ =	sdelay $0x1  }
0xb0: {  	v0 =	vadd.f32 v1, v0;
	_ =	sdelay $0x1  }
0xb1: {  	v0 =	vadd.f32 v2, v0;
	_ =	sdelay $0x1  }
0xb2: {  	[tilespmem:s31+$0x94A0] =	vst v0  }
0xb3: {  	v0 =	vld [tilespmem:s30+$0xFFFFFF10]  }
0xb4: {  	v1 =	vld [tilespmem:s30+$0xFFFFFF50]  }
0xb5: {  	v2 =	vld [tilespmem:s30+$0xFFFFFF90]  }
0xb6: {  	v3 =	vld [tilespmem:s30+$0xFFFFFFD0]  }
0xb7: {  	v4 =	vld [tilespmem:s30+$0x10]  }
0xb8: {  	v5 =	vld [tilespmem:s30+$0x50]  }
0xb9: {  	v0 =	vadd.f32 v1, v0;
	v6 =	vld [tilespmem:s30+$0x90]  }
0xba: {  	v1 =	vld [tilespmem:s30+$0xD0]  }
0xbb: {  	v2 =	vadd.f32 v2, v0;
	v0 =	vld [tilespmem:s30+$0x110];
	_ =	sdelay $0x1  }
0xbc: {  	v2 =	vadd.f32 v3, v2;
	_ =	sdelay $0x1  }
.Ltmp0:
0xbd: {  	v2 =	vadd.f32 v4, v2;
	(pc) =	sbr.rel @p0 .LBB2_2-.Ltmp0, $3  }
0xbe: {  	_ = 	snop  }
0xbf: {  	v2 =	vadd.f32 v5, v2;
	_ =	sdelay $0x1  }
0xc0: {  	v2 =	vadd.f32 v6, v2  }
0xc1: {  	_ = 	snop  }
0xc2: {  	v1 =	vadd.f32 v1, v2;
	_ =	sdelay $0x1  }
0xc3: {  	v0 =	vadd.f32 v0, v1;
	_ =	sdelay $0x1  }
0xc4: {  	s0 =	simm.s32 $0x0;
	[tilespmem:s31+$0x94B0] =	vst v0  }
0xc5: {  	[hbm4b:s4+s0] =	stream.linear.scatter [tilespmem:s21], [sflag:$0x2], $0x1000, $0x38;
	[tilespmem:$0xA480] =	vst v63  }
0xc6: {  	_ =	swait.ge [sflag:s8], $0x1000  }
0xc7: {  	[sflag:s8] =	ssyncset.done $0x0  }
0xc8: {  	[sflag:s8] =	ssyncadd.s32 $0xFFFFF000  }
0xc9: {  	[tilespmem:s10], [sflag:$0x1] =	stream.indirect.gather [hbm4b:s3+s9], $0x40, s22, s9, $0xb8;
	[tilespmem:$0xA480] =	vst v63  }
0xca: {  	_ = 	snop  }
0xcb: {  	[tilespmem:s11], [sflag:$0x1] =	stream.indirect.gather [hbm4b:s3+s9], $0x40, s23, s9, $0xb8;
	[tilespmem:$0xA480] =	vst v63  }
0xcc: {  	_ = 	snop  }
0xcd: {  	[tilespmem:s13], [sflag:$0x1] =	stream.indirect.gather [hbm4b:s3+s9], $0x40, s24, s9, $0xb8;
	[tilespmem:$0xA480] =	vst v63  }
0xce: {  	_ = 	snop  }
0xcf: {  	[tilespmem:s15], [sflag:$0x1] =	stream.indirect.gather [hbm4b:s3+s9], $0x40, s25, s9, $0xb8;
	[tilespmem:$0xA480] =	vst v63  }
0xd0: {  	_ = 	snop  }
0xd1: {  	[tilespmem:s17], [sflag:$0x1] =	stream.indirect.gather [hbm4b:s3+s9], $0x40, s26, s9, $0xb8;
	[tilespmem:$0xA480] =	vst v63  }
0xd2: {  	_ = 	snop  }
0xd3: {  	[tilespmem:s19], [sflag:$0x1] =	stream.indirect.gather [hbm4b:s3+s9], $0x40, s28, s9, $0xb8;
	[tilespmem:$0xA480] =	vst v63  }
0xd4: {  	_ =	swait.ge [sflag:s20], $0x1800  }
0xd5: {  	[sflag:s20] =	ssyncset.done $0x0  }
0xd6: {  	[sflag:s20] =	ssyncadd.s32 $0xFFFFE800  }
0xd7: {  	_ =	swait.ge [sflag:s20], $0x1800  }
0xd8: {  	[sflag:s20] =	ssyncset.done $0x0  }
0xd9: {  	[sflag:s20] =	ssyncadd.s32 $0xFFFFE800  }
0xda: {  	_ =	swait.ge [sflag:s20], $0x1800  }
0xdb: {  	[sflag:s20] =	ssyncset.done $0x0  }
0xdc: {  	[sflag:s20] =	ssyncadd.s32 $0xFFFFE800  }
0xdd: {  	_ =	swait.ge [sflag:s20], $0x1800  }
0xde: {  	[sflag:s20] =	ssyncset.done $0x0  }
0xdf: {  	[sflag:s20] =	ssyncadd.s32 $0xFFFFE800  }
0xe0: {  	_ =	swait.ge [sflag:s20], $0x1800  }
0xe1: {  	[sflag:s20] =	ssyncset.done $0x0  }
0xe2: {  	[sflag:s20] =	ssyncadd.s32 $0xFFFFE800  }
0xe3: {  	_ =	swait.ge [sflag:s20], $0x1800  }
0xe4: {  	[sflag:s20] =	ssyncset.done $0x0  }
0xe5: {  	s30 =	simm.s32 $0x5A0;
	[sflag:s20] =	ssyncadd.s32 $0xFFFFE800  }
0xe6: {  	v0 =	vld [tilespmem:s30+$0xFFFFFF20]  }
0xe7: {  	v1 =	vld [tilespmem:s30+$0xFFFFFEE0];
	_ =	sdelay $0x1  }
0xe8: {  	v2 =	vld [tilespmem:s30+$0xFFFFFF60];
	_ =	sdelay $0x1  }
0xe9: {  	v3 =	vld [tilespmem:s30+$0xFFFFFFA0]  }
0xea: {  	v0 =	vadd.f32 v0, v1  }
0xeb: {  	v1 =	vld [tilespmem:s30+$0xFFFFFFE0]  }
0xec: {  	v0 =	vadd.f32 v2, v0  }
0xed: {  	v2 =	vld [tilespmem:s30+$0x20]  }
0xee: {  	v0 =	vadd.f32 v3, v0  }
0xef: {  	v3 =	vld [tilespmem:s30+$0x60]  }
0xf0: {  	v0 =	vadd.f32 v1, v0  }
0xf1: {  	v1 =	vld [tilespmem:s30+$0xA0]  }
0xf2: {  	v0 =	vadd.f32 v2, v0  }
0xf3: {  	v2 =	vld [tilespmem:s30+$0xE0]  }
0xf4: {  	v0 =	vadd.f32 v3, v0;
	_ =	sdelay $0x1  }
0xf5: {  	v0 =	vadd.f32 v1, v0;
	_ =	sdelay $0x1  }
0xf6: {  	v0 =	vadd.f32 v2, v0  }
0xf7: {  	s31 =	simm.s32 $0x0  }
0xf8: {  	[tilespmem:s31+$0x9480] =	vst v0  }
0xf9: {  	v0 =	vld [tilespmem:s30+$0xFFFFFEF0]  }
0xfa: {  	v1 =	vld [tilespmem:s30+$0xFFFFFF30];
	_ =	sdelay $0x1  }
0xfb: {  	v2 =	vld [tilespmem:s30+$0xFFFFFF70];
	_ =	sdelay $0x1  }
0xfc: {  	v3 =	vld [tilespmem:s30+$0xFFFFFFB0]  }
0xfd: {  	v0 =	vadd.f32 v1, v0  }
0xfe: {  	v1 =	vld [tilespmem:s30+$0xFFFFFFF0]  }
0xff: {  	v0 =	vadd.f32 v2, v0  }
0x100: {  	v2 =	vld [tilespmem:s30+$0x30]  }
0x101: {  	v0 =	vadd.f32 v3, v0  }
0x102: {  	v3 =	vld [tilespmem:s30+$0x70]  }
0x103: {  	v0 =	vadd.f32 v1, v0  }
0x104: {  	v1 =	vld [tilespmem:s30+$0xB0]  }
0x105: {  	v0 =	vadd.f32 v2, v0  }
0x106: {  	v2 =	vld [tilespmem:s30+$0xF0]  }
0x107: {  	v0 =	vadd.f32 v3, v0;
	_ =	sdelay $0x1  }
0x108: {  	v0 =	vadd.f32 v1, v0;
	_ =	sdelay $0x1  }
0x109: {  	v0 =	vadd.f32 v2, v0;
	_ =	sdelay $0x1  }
0x10a: {  	[tilespmem:s31+$0x9490] =	vst v0  }
0x10b: {  	v0 =	vld [tilespmem:s30+$0xFFFFFF00]  }
0x10c: {  	v1 =	vld [tilespmem:s30+$0xFFFFFF40];
	_ =	sdelay $0x1  }
0x10d: {  	v2 =	vld [tilespmem:s30+$0xFFFFFF80];
	_ =	sdelay $0x1  }
0x10e: {  	v3 =	vld [tilespmem:s30+$0xFFFFFFC0]  }
0x10f: {  	v0 =	vadd.f32 v1, v0  }
0x110: {  	v1 =	vld [tilespmem:s30+$0x0]  }
0x111: {  	v0 =	vadd.f32 v2, v0  }
0x112: {  	v2 =	vld [tilespmem:s30+$0x40]  }
0x113: {  	v0 =	vadd.f32 v3, v0  }
0x114: {  	v3 =	vld [tilespmem:s30+$0x80]  }
0x115: {  	v0 =	vadd.f32 v1, v0  }
0x116: {  	v1 =	vld [tilespmem:s30+$0xC0]  }
0x117: {  	v0 =	vadd.f32 v2, v0  }
0x118: {  	v2 =	vld [tilespmem:s30+$0x100]  }
0x119: {  	v0 =	vadd.f32 v3, v0;
	_ =	sdelay $0x1  }
0x11a: {  	v0 =	vadd.f32 v1, v0;
	_ =	sdelay $0x1  }
0x11b: {  	v0 =	vadd.f32 v2, v0;
	_ =	sdelay $0x1  }
0x11c: {  	[tilespmem:s31+$0x94A0] =	vst v0  }
0x11d: {  	v0 =	vld [tilespmem:s30+$0xFFFFFF10]  }
0x11e: {  	v1 =	vld [tilespmem:s30+$0xFFFFFF50];
	_ =	sdelay $0x1  }
0x11f: {  	v2 =	vld [tilespmem:s30+$0xFFFFFF90];
	_ =	sdelay $0x1  }
0x120: {  	v3 =	vld [tilespmem:s30+$0xFFFFFFD0]  }
0x121: {  	v0 =	vadd.f32 v1, v0  }
0x122: {  	v1 =	vld [tilespmem:s30+$0x10]  }
0x123: {  	v0 =	vadd.f32 v2, v0  }
0x124: {  	v2 =	vld [tilespmem:s30+$0x50]  }
0x125: {  	v0 =	vadd.f32 v3, v0  }
0x126: {  	v3 =	vld [tilespmem:s30+$0x90]  }
0x127: {  	v0 =	vadd.f32 v1, v0  }
0x128: {  	v1 =	vld [tilespmem:s30+$0xD0]  }
0x129: {  	v2 =	vadd.f32 v2, v0  }
0x12a: {  	v0 =	vld [tilespmem:s30+$0x110]  }
0x12b: {  	s1 =	simm.s32 $0x100;
	v2 =	vadd.f32 v3, v2  }
.LBB2_4:
0x12c: {  	p0 =	sne.s32 s1, $0x3F00  }
0x12d: {  	s30 =	sadd.s32 $0x240, s30;
	s0 =	smov.u32 s1;
	s1 =	sadd.s32 $0x100, s1;
	v1 =	vadd.f32 v1, v2  }
0x12e: {  	_ = 	snop  }
0x12f: {  	v0 =	vadd.f32 v0, v1;
	_ =	sdelay $0x1  }
0x130: {  	[tilespmem:s31+$0x94B0] =	vst v0  }
0x131: {  	v0 =	vld [tilespmem:s30+$0xFFFFFF20]  }
0x132: {  	v1 =	vld [tilespmem:s30+$0xFFFFFEE0];
	_ =	sdelay $0x1  }
0x133: {  	v2 =	vld [tilespmem:s30+$0xFFFFFF60];
	_ =	sdelay $0x1  }
0x134: {  	v3 =	vld [tilespmem:s30+$0xFFFFFFA0]  }
0x135: {  	v0 =	vadd.f32 v0, v1  }
0x136: {  	v1 =	vld [tilespmem:s30+$0xFFFFFFE0]  }
0x137: {  	v0 =	vadd.f32 v2, v0  }
0x138: {  	v2 =	vld [tilespmem:s30+$0x20]  }
0x139: {  	v0 =	vadd.f32 v3, v0  }
0x13a: {  	v3 =	vld [tilespmem:s30+$0x60]  }
0x13b: {  	v0 =	vadd.f32 v1, v0  }
0x13c: {  	v1 =	vld [tilespmem:s30+$0xA0]  }
0x13d: {  	v0 =	vadd.f32 v2, v0  }
0x13e: {  	v2 =	vld [tilespmem:s30+$0xE0]  }
0x13f: {  	v0 =	vadd.f32 v3, v0;
	_ =	sdelay $0x1  }
0x140: {  	v0 =	vadd.f32 v1, v0;
	_ =	sdelay $0x1  }
0x141: {  	v0 =	vadd.f32 v2, v0  }
0x142: {  	s31 =	sshra.s32 s0, $0x2  }
0x143: {  	[tilespmem:s31+$0x9480] =	vst v0  }
0x144: {  	v0 =	vld [tilespmem:s30+$0xFFFFFEF0]  }
0x145: {  	v1 =	vld [tilespmem:s30+$0xFFFFFF30];
	_ =	sdelay $0x1  }
0x146: {  	v2 =	vld [tilespmem:s30+$0xFFFFFF70];
	_ =	sdelay $0x1  }
0x147: {  	v3 =	vld [tilespmem:s30+$0xFFFFFFB0]  }
0x148: {  	v0 =	vadd.f32 v1, v0  }
0x149: {  	v1 =	vld [tilespmem:s30+$0xFFFFFFF0]  }
0x14a: {  	v0 =	vadd.f32 v2, v0  }
0x14b: {  	v2 =	vld [tilespmem:s30+$0x30]  }
0x14c: {  	v0 =	vadd.f32 v3, v0  }
0x14d: {  	v3 =	vld [tilespmem:s30+$0x70]  }
0x14e: {  	v0 =	vadd.f32 v1, v0  }
0x14f: {  	v1 =	vld [tilespmem:s30+$0xB0]  }
0x150: {  	v0 =	vadd.f32 v2, v0  }
0x151: {  	v2 =	vld [tilespmem:s30+$0xF0]  }
0x152: {  	v0 =	vadd.f32 v3, v0;
	_ =	sdelay $0x1  }
0x153: {  	v0 =	vadd.f32 v1, v0;
	_ =	sdelay $0x1  }
0x154: {  	v0 =	vadd.f32 v2, v0;
	_ =	sdelay $0x1  }
0x155: {  	[tilespmem:s31+$0x9490] =	vst v0  }
0x156: {  	v0 =	vld [tilespmem:s30+$0xFFFFFF00]  }
0x157: {  	v1 =	vld [tilespmem:s30+$0xFFFFFF40];
	_ =	sdelay $0x1  }
0x158: {  	v2 =	vld [tilespmem:s30+$0xFFFFFF80];
	_ =	sdelay $0x1  }
0x159: {  	v3 =	vld [tilespmem:s30+$0xFFFFFFC0]  }
0x15a: {  	v0 =	vadd.f32 v1, v0  }
0x15b: {  	v1 =	vld [tilespmem:s30+$0x0]  }
0x15c: {  	v0 =	vadd.f32 v2, v0  }
0x15d: {  	v2 =	vld [tilespmem:s30+$0x40]  }
0x15e: {  	v0 =	vadd.f32 v3, v0  }
0x15f: {  	v3 =	vld [tilespmem:s30+$0x80]  }
0x160: {  	v0 =	vadd.f32 v1, v0  }
0x161: {  	v1 =	vld [tilespmem:s30+$0xC0]  }
0x162: {  	v0 =	vadd.f32 v2, v0  }
0x163: {  	v2 =	vld [tilespmem:s30+$0x100]  }
0x164: {  	v0 =	vadd.f32 v3, v0;
	_ =	sdelay $0x1  }
0x165: {  	v0 =	vadd.f32 v1, v0;
	_ =	sdelay $0x1  }
0x166: {  	v0 =	vadd.f32 v2, v0;
	_ =	sdelay $0x1  }
0x167: {  	[tilespmem:s31+$0x94A0] =	vst v0  }
0x168: {  	v0 =	vld [tilespmem:s30+$0xFFFFFF10]  }
0x169: {  	v1 =	vld [tilespmem:s30+$0xFFFFFF50]  }
0x16a: {  	v2 =	vld [tilespmem:s30+$0xFFFFFF90]  }
0x16b: {  	v3 =	vld [tilespmem:s30+$0xFFFFFFD0]  }
0x16c: {  	v4 =	vld [tilespmem:s30+$0x10]  }
0x16d: {  	v5 =	vld [tilespmem:s30+$0x50]  }
0x16e: {  	v0 =	vadd.f32 v1, v0;
	v6 =	vld [tilespmem:s30+$0x90]  }
0x16f: {  	v1 =	vld [tilespmem:s30+$0xD0]  }
0x170: {  	v2 =	vadd.f32 v2, v0;
	v0 =	vld [tilespmem:s30+$0x110];
	_ =	sdelay $0x1  }
0x171: {  	v2 =	vadd.f32 v3, v2;
	_ =	sdelay $0x1  }
.Ltmp1:
0x172: {  	v2 =	vadd.f32 v4, v2;
	(pc) =	sbr.rel @p0 .LBB2_4-.Ltmp1, $3  }
0x173: {  	_ = 	snop  }
0x174: {  	v2 =	vadd.f32 v5, v2;
	_ =	sdelay $0x1  }
0x175: {  	v2 =	vadd.f32 v6, v2  }
0x176: {  	_ = 	snop  }
0x177: {  	v1 =	vadd.f32 v1, v2;
	_ =	sdelay $0x1  }
0x178: {  	s29 =	sadd.s32 $0x1, s29;
	v0 =	vadd.f32 v0, v1  }
0x179: {  	p0 =	sne.s32 s29, s7  }
.Ltmp2:
0x17a: {  	[tilespmem:s31+$0x94B0] =	vst v0;
	(pc) =	sbr.rel @p0 .LBB2_1-.Ltmp2, $4  }
0x17b: {  	[hbm4b:s6+s2] =	stream.linear.scatter [tilespmem:s21], [sflag:$0x2], $0x1000, $0x38;
	[tilespmem:$0xA480] =	vst v63  }
0x17c: {  	_ =	swait.ge [sflag:s8], $0x1000  }
0x17d: {  	[sflag:s8] =	ssyncset.done $0x0  }
0x17e: {  	[sflag:s8] =	ssyncadd.s32 $0xFFFFF000  }
0x17f: {  	_ =	sfence.sel $0x180000  }
0x180: {  	[bflag:$0x0] =	sbarrier.arrive $0xFFFF  }
0x181: {  	_ =	strace $0x9000004A  }
0x182: {  	s0 =	stileid.u32;
	[bflag:$0x2] =	sbarrier.arrive $0xFFFF  }
0x183: {  	p0 =	sne.s32 s0, $0x0;
	s0 =	rddreg [dreg:$0x2]  }
0x184: {  	s0 =	sadd.s32 @!p0 $0x100000, s0  }
0x185: {  	[sflag:s0] =	ssyncadd.tile.s32 @!p0 $0x1;
	_ =	shalt  }
.Lfunc_end2:
_tile_overlayer_lowered:
.L_overlay_start_2:
0x186: {  	(tag) =	ssettag $0x2  }
0x187: {  	s0 =	rddreg [dreg:$0x0];
	s2 =	stileid.u32  }
0x188: {  	s1 =	rddreg [dreg:$0x1];
	p0 =	sne.s32 s2, $0x0  }
0x189: {  	s3 =	rddreg [dreg:$0x2];
	[bflag:$0x3] =	sbarrier.arrive $0xFFFF;
	s2 =	simm.s32 @!p0 $0x1C02  }
0x18a: {  	[timem:s3], [sflag:s2] =	dma.local @!p0 [hbm:s0], s1  }
0x18b: {  	s0 =	simm.s32 @!p0 $0x2  }
0x18c: {  	_ =	swait.ge @!p0 [sflag:s0], s1  }
0x18d: {  	s1 =	ssub.s32 @!p0 $0x0, s1;
	[sflag:s0] =	ssyncset.done @!p0 $0x0  }
0x18e: {  	[sflag:s0] =	ssyncadd.s32 @!p0 s1  }
0x18f: {  	[bflag:$0x3] =	sbarrier.arrive $0xFFFF  }
0x190: {  	_ =	shalt  }

</sc_bundles>
